<compile_context>
chip_gen: v7x
topology: tpu7x:2x2x1
jax: 0.10.2.dev20260603
libtpu: 0.0.44.dev20260713+nightly
codegen_flags: <defaults>
</compile_context>

<pallas_src>
import functools

import jax
import jax.numpy as jnp
from jax import lax
from jax.experimental import pallas as pl
from jax.experimental.pallas import tpu as pltpu
from jax.experimental.pallas import tpu_sc as plsc

N = 10000
F = 128
E = 320000
NC = 2
NS = 16
NW = NC * NS
CH = 128
NCH = 80
EP = NW * NCH * CH
NP = 10112
NRS = NP // NS
BN = 2000
G = N // BN

_mesh = plsc.VectorSubcoreMesh(core_axis_name="c", subcore_axis_name="s")


@functools.partial(
    pl.kernel,
    mesh=_mesh,
    out_type=[jax.ShapeDtypeStruct((NC, NP, F), jnp.float32)],
    scratch_types=[
        pltpu.VMEM((NCH * CH // 2,), jnp.int32),
        pltpu.VMEM((NCH, 1, CH), jnp.int32),
        pltpu.VMEM((CH, F), jnp.float32),
        pltpu.VMEM((CH, F), jnp.float32),
        pltpu.VMEM_SHARED((NP, F), jnp.float32),
        pltpu.SemaphoreType.DMA,
        pltpu.SemaphoreType.DMA,
    ],
)
def _sc_agg(y_h, src_h, dst3_h, z0_h, out_h,
            sbig, dbig, rows0, rows1, acc, gs0, gs1):
    c = lax.axis_index("c")
    s = lax.axis_index("s")
    w = c * NS + s
    base = w * (NCH * CH)
    half = NCH * CH // 2
    nth = NCH // 4
    rows = (rows0, rows1)
    gs = (gs0, gs1)
    pltpu.sync_copy(dst3_h.at[w], dbig)
    pltpu.sync_copy(z0_h, acc.at[pl.ds(s * NRS, NRS)])
    plsc.subcore_barrier()

    for h in range(2):
        pltpu.sync_copy(src_h.at[pl.ds(base + h * half, half)], sbig)
        pltpu.async_copy(y_h.at[sbig.at[pl.ds(0, CH)]], rows0, gs0)

        def pair(t, carry):
            for b in range(2):
                j = 2 * t + b
                bo = 1 - b
                pltpu.make_async_copy(
                    y_h.at[sbig.at[pl.ds(j * CH, CH)]], rows[b],
                    gs[b]).wait()

                def _prefetch():
                    pltpu.async_copy(
                        y_h.at[sbig.at[pl.ds((j + 1) * CH, CH)]], rows[bo],
                        gs[bo])

                if b == 0:
                    _prefetch()
                else:
                    pl.when(t != nth - 1)(_prefetch)
                pltpu.sync_copy(rows[b],
                                acc.at[dbig.at[h * (NCH // 2) + j, 0]],
                                add=True)
            return carry

        lax.fori_loop(0, nth, pair, 0)
    plsc.subcore_barrier()
    pltpu.sync_copy(acc.at[pl.ds(s * NRS, NRS)],
                    out_h.at[c, pl.ds(s * NRS, NRS)])


@functools.partial(
    pl.kernel,
    mesh=_mesh,
    out_type=[jax.ShapeDtypeStruct((NC, NP, F), jnp.float32)],
    scratch_types=[
        pltpu.VMEM((NCH, 1, CH), jnp.int32),
        pltpu.VMEM((CH, F), jnp.float32),
        pltpu.VMEM_SHARED((NP, F), jnp.float32),
    ],
)
def _sc_deg(dst3_h, z0d_h, ones_h, deg_h, dbig, ones_v, dacc):
    c = lax.axis_index("c")
    s = lax.axis_index("s")
    w = c * NS + s
    pltpu.sync_copy(ones_h, ones_v)
    pltpu.sync_copy(dst3_h.at[w], dbig)
    pltpu.sync_copy(z0d_h, dacc.at[pl.ds(s * NRS, NRS)])
    plsc.subcore_barrier()

    def chunk(j, carry):
        pltpu.sync_copy(ones_v, dacc.at[dbig.at[j, 0]], add=True)
        return carry

    lax.fori_loop(0, NCH, chunk, 0)
    plsc.subcore_barrier()
    pltpu.sync_copy(dacc.at[pl.ds(s * NRS, NRS)],
                    deg_h.at[c, pl.ds(s * NRS, NRS)])


def _aggn(p_r, d_r):
    deg = d_r[0, :, 0] + d_r[1, :, 0]
    dinv = 1.0 / jnp.maximum(deg, 1.0)
    return (p_r[0] + p_r[1]) * dinv[:, None]


def _tc_gcn(h, parts, degp, Ws, Wn, b, act):
    def body(h_r, p_r, d_r, ws_r, wn_r, b_r, o_r):
        r = (jnp.dot(h_r[...], ws_r[...], preferred_element_type=jnp.float32)
             + jnp.dot(_aggn(p_r, d_r), wn_r[...],
                       preferred_element_type=jnp.float32)
             + b_r[...])
        o_r[...] = jnp.maximum(r, 0.0) if act else r

    return pl.pallas_call(
        body,
        grid=(G,),
        in_specs=[
            pl.BlockSpec((BN, F), lambda i: (i, 0)),
            pl.BlockSpec((NC, BN, F), lambda i: (0, i, 0)),
            pl.BlockSpec((NC, BN, F), lambda i: (0, i, 0)),
            pl.BlockSpec((F, F), lambda i: (0, 0)),
            pl.BlockSpec((F, F), lambda i: (0, 0)),
            pl.BlockSpec((1, F), lambda i: (0, 0)),
        ],
        out_specs=pl.BlockSpec((BN, F), lambda i: (i, 0)),
        out_shape=jax.ShapeDtypeStruct((N, F), jnp.float32),
    )(h, parts, degp, Ws, Wn, b.reshape(1, F))


def _tc_vae(h, parts, degp, wsm, wnm, bm, wsl, wnl, bl, eps):
    def body(h_r, p_r, d_r, wsm_r, wnm_r, bm_r, wsl_r, wnl_r, bl_r, e_r,
             z_r, kl_r):
        hh = h_r[...]
        an = _aggn(p_r, d_r)
        mu = (jnp.dot(hh, wsm_r[...], preferred_element_type=jnp.float32)
              + jnp.dot(an, wnm_r[...], preferred_element_type=jnp.float32)
              + bm_r[...])
        ls = (jnp.dot(hh, wsl_r[...], preferred_element_type=jnp.float32)
              + jnp.dot(an, wnl_r[...], preferred_element_type=jnp.float32)
              + bl_r[...])
        ls = jnp.minimum(ls, 10.0)
        ex = jnp.exp(ls)
        z_r[...] = mu + e_r[...] * ex
        part = jnp.sum(1.0 + 2.0 * ls - mu * mu - ex * ex)

        @pl.when(pl.program_id(0) == 0)
        def _():
            kl_r[...] = jnp.zeros((1, F), jnp.float32)

        kl_r[...] += jnp.full((1, F), part / F, jnp.float32)

    return pl.pallas_call(
        body,
        grid=(G,),
        in_specs=[
            pl.BlockSpec((BN, F), lambda i: (i, 0)),
            pl.BlockSpec((NC, BN, F), lambda i: (0, i, 0)),
            pl.BlockSpec((NC, BN, F), lambda i: (0, i, 0)),
            pl.BlockSpec((F, F), lambda i: (0, 0)),
            pl.BlockSpec((F, F), lambda i: (0, 0)),
            pl.BlockSpec((1, F), lambda i: (0, 0)),
            pl.BlockSpec((F, F), lambda i: (0, 0)),
            pl.BlockSpec((F, F), lambda i: (0, 0)),
            pl.BlockSpec((1, F), lambda i: (0, 0)),
            pl.BlockSpec((BN, F), lambda i: (i, 0)),
        ],
        out_specs=[
            pl.BlockSpec((BN, F), lambda i: (i, 0)),
            pl.BlockSpec((1, F), lambda i: (0, 0)),
        ],
        out_shape=[
            jax.ShapeDtypeStruct((N, F), jnp.float32),
            jax.ShapeDtypeStruct((1, F), jnp.float32),
        ],
    )(h, parts, degp, wsm, wnm, bm.reshape(1, F),
      wsl, wnl, bl.reshape(1, F), eps)


def kernel(x, edge_index, params, eps):
    h0 = x[0]
    pad = EP - E
    srcf = jnp.concatenate(
        [edge_index[0].astype(jnp.int32), jnp.zeros((pad,), jnp.int32)])
    dstf = jnp.concatenate(
        [edge_index[1].astype(jnp.int32),
         N + (jnp.arange(pad, dtype=jnp.int32) % (NP - N))])

    dst3 = dstf.reshape(NW, NCH, 1, CH)
    zb = jnp.zeros((NRS, F), jnp.float32)
    (dp,) = _sc_deg(dst3, zb, jnp.ones((CH, F), jnp.float32))
    z0 = zb + dp[0, 0, 0] * 0.0
    (p0,) = _sc_agg(h0, srcf, dst3, z0)
    h1 = _tc_gcn(h0, p0, dp, params['enc1']['Ws'], params['enc1']['Wn'],
                 params['enc1']['b'], act=True)
    (p1,) = _sc_agg(h1, srcf, dst3, z0)
    z, klb = _tc_vae(h1, p1, dp,
                     params['mu']['Ws'], params['mu']['Wn'], params['mu']['b'],
                     params['logstd']['Ws'], params['logstd']['Wn'],
                     params['logstd']['b'], eps)
    kl = jnp.sum(klb) * (-0.5 / N)
    (p2,) = _sc_agg(z, srcf, dst3, z0)
    d = _tc_gcn(z, p2, dp, params['dec1']['Ws'], params['dec1']['Wn'],
                params['dec1']['b'], act=True)
    (p3,) = _sc_agg(d, srcf, dst3, z0)
    out = _tc_gcn(d, p3, dp, params['dec2']['Ws'], params['dec2']['Wn'],
                  params['dec2']['b'], act=False)
    return out[None], kl

# --- scband reference (transcript-rebuilt; emitter-appended) ---
"""Pipeline reference for scband-gnnvaemodel-82377472737619 (READ-ONLY COPY).

The authoritative reference and input builder live on the scoring server;
editing this copy changes nothing except your own understanding.
"""

import jax, jax.numpy as jnp
import numpy as np

N = 10000
F = 128
H = 128
E = 320000


def _gcn(x, src, dst, p):
    # message passing layer: self transform + mean-aggregated neighbor transform
    msg = jnp.take(x, src, axis=0) @ p['Wn']
    agg = jnp.zeros((x.shape[0], p['Wn'].shape[1]), x.dtype).at[dst].add(msg)
    deg = jnp.zeros((x.shape[0],), x.dtype).at[dst].add(jnp.ones((dst.shape[0],), x.dtype))
    agg = agg / jnp.maximum(deg, 1.0)[:, None]
    return x @ p['Ws'] + agg + p['b']


def _init_layer(key, fin, fout):
    k1, k2 = jax.random.split(key)
    s = 1.0 / np.sqrt(fin)
    return {'Ws': jax.random.uniform(k1, (fin, fout), jnp.float32, -s, s),
            'Wn': jax.random.uniform(k2, (fin, fout), jnp.float32, -s, s),
            'b': jnp.zeros((fout,), jnp.float32)}


def setup_inputs(seed: int = 0) -> dict:
    key = jax.random.key(seed)
    ks = jax.random.split(key, 9)
    x = jax.random.normal(ks[0], (1, N, F), dtype=jnp.float32)
    src = jax.random.randint(ks[1], (E,), 0, N, dtype=jnp.int32)
    dst = jax.random.randint(ks[2], (E,), 0, N, dtype=jnp.int32)
    edge_index = jnp.stack([src, dst]).astype(jnp.int64)
    params = {
        'enc1': _init_layer(ks[3], F, F),
        'mu': _init_layer(ks[4], F, H),
        'logstd': _init_layer(ks[5], F, H),
        'dec1': _init_layer(ks[6], H, F),
        'dec2': _init_layer(ks[7], F, F),
    }
    eps = jax.random.normal(ks[8], (N, H), dtype=jnp.float32)
    return {'x': x, 'edge_index': edge_index, 'params': params, 'eps': eps}


def reference(x, edge_index, params, eps):
    # VGAE: GNN encoder -> (mu, logstd), reparameterize, KL loss, GNN decoder
    src = edge_index[0]
    dst = edge_index[1]
    h = x[0]  # [N, F], x asserted dim==3 with leading batch 1
    h = jax.nn.relu(_gcn(h, src, dst, params['enc1']))
    mu = _gcn(h, src, dst, params['mu'])
    logstd = jnp.minimum(_gcn(h, src, dst, params['logstd']), 10.0)
    z = mu + eps * jnp.exp(logstd)  # reparameterization
    kl_div = -0.5 * jnp.mean(jnp.sum(1.0 + 2.0 * logstd - mu ** 2 - jnp.exp(logstd) ** 2, axis=1))
    d = jax.nn.relu(_gcn(z, src, dst, params['dec1']))
    out = _gcn(d, src, dst, params['dec2'])[None]  # [1, N, n_out]
    return out, kl_div

if __name__ == "__main__":
    import jax
    _d = setup_inputs()
    print(jax.jit(kernel)(*tuple(_d.values())))

</pallas_src>

<mosaic_0001>
#map = affine_map<(d0, d1) -> (0, 0, 0, 0)>
#map1 = affine_map<(d0, d1) -> (0, 0)>
#map2 = affine_map<(d0, d1) -> (0, 0, 0)>
module attributes {stable_mosaic.version = 14 : i64} {
  func.func @_sc_deg(%arg0: i32, %arg1: i32, %arg2: memref<32x80x1x128xi32, #tpu.memory_space<hbm>>, %arg3: memref<632x128xf32, #tpu.memory_space<hbm>>, %arg4: memref<128x128xf32, #tpu.memory_space<hbm>>, %arg5: memref<2x10112x128xf32, #tpu.memory_space<hbm>>, %arg6: memref<80x1x128xi32, #tpu.memory_space<vmem>>, %arg7: memref<128x128xf32, #tpu.memory_space<vmem>>, %arg8: memref<10112x128xf32, #tpu.memory_space<vmem_shared>>) attributes {dimension_semantics = [#tpu.dimension_semantics<core_parallel>, #tpu.dimension_semantics<subcore_parallel>], iteration_bounds = array<i64: 2, 16>, scalar_prefetch = 0 : i64, scratch_operands = 3 : i64, tpu.core_type = #tpu.core_type<sc_vector_subcore>, window_params = [{transform_indices = #map}, {transform_indices = #map1}, {transform_indices = #map1}, {transform_indices = #map2}]} {
    %mul3A = arith.constant 16 : i32
    %mul3A_0 = arith.muli %arg0, %mul3A : i32
    %add3A = arith.addi %mul3A_0, %arg1 : i32
    "tpu.region"() ({
      %run_scoped3A = tpu.sem_alloc : memref<!tpu.dma_semaphore, #tpu.memory_space<semaphore_mem>>
      tpu.enqueue_dma source(%arg4 : memref<128x128xf32, #tpu.memory_space<hbm>>) target(%arg7 : memref<128x128xf32, #tpu.memory_space<vmem>>) target_semaphore(%run_scoped3A : memref<!tpu.dma_semaphore, #tpu.memory_space<semaphore_mem>>)
      tpu.wait_dma2 semaphore(%run_scoped3A : memref<!tpu.dma_semaphore, #tpu.memory_space<semaphore_mem>>) src(%arg4 : memref<128x128xf32, #tpu.memory_space<hbm>>) dst(%arg7 : memref<128x128xf32, #tpu.memory_space<vmem>>)
      tpu.yield
    }) : () -> ()
    "tpu.region"() ({
      %run_scoped3A = tpu.sem_alloc : memref<!tpu.dma_semaphore, #tpu.memory_space<semaphore_mem>>
      %dma_start3A = arith.constant 0 : i32
      %dma_start3A_13 = arith.constant 0 : i32
      %dma_start3A_14 = arith.constant 0 : i32
      %dma_start3A_15 = tpu.memref_slice %arg2[%add3A, %dma_start3A, %dma_start3A_13, %dma_start3A_14] : memref<32x80x1x128xi32, #tpu.memory_space<hbm>> -> memref<1x80x1x128xi32, #tpu.memory_space<hbm>>
      %dma_start3A_16 = tpu.memref_squeeze %dma_start3A_15 : memref<1x80x1x128xi32, #tpu.memory_space<hbm>> -> memref<80x1x128xi32, #tpu.memory_space<hbm>>
      %dma_start3A_17 = arith.constant 0 : i32
      %dma_start3A_18 = arith.constant 0 : i32
      %dma_start3A_19 = arith.constant 0 : i32
      %dma_start3A_20 = tpu.memref_slice %arg2[%add3A, %dma_start3A_17, %dma_start3A_18, %dma_start3A_19] : memref<32x80x1x128xi32, #tpu.memory_space<hbm>> -> memref<1x80x1x128xi32, #tpu.memory_space<hbm>>
      %dma_start3A_21 = tpu.memref_squeeze %dma_start3A_20 : memref<1x80x1x128xi32, #tpu.memory_space<hbm>> -> memref<80x1x128xi32, #tpu.memory_space<hbm>>
      tpu.enqueue_dma source(%dma_start3A_21 : memref<80x1x128xi32, #tpu.memory_space<hbm>>) target(%arg6 : memref<80x1x128xi32, #tpu.memory_space<vmem>>) target_semaphore(%run_scoped3A : memref<!tpu.dma_semaphore, #tpu.memory_space<semaphore_mem>>)
      %dma_wait3A = arith.constant 0 : i32
      %dma_wait3A_22 = arith.constant 0 : i32
      %dma_wait3A_23 = arith.constant 0 : i32
      %dma_wait3A_24 = tpu.memref_slice %arg2[%add3A, %dma_wait3A, %dma_wait3A_22, %dma_wait3A_23] : memref<32x80x1x128xi32, #tpu.memory_space<hbm>> -> memref<1x80x1x128xi32, #tpu.memory_space<hbm>>
      %dma_wait3A_25 = tpu.memref_squeeze %dma_wait3A_24 : memref<1x80x1x128xi32, #tpu.memory_space<hbm>> -> memref<80x1x128xi32, #tpu.memory_space<hbm>>
      %dma_wait3A_26 = arith.constant 0 : i32
      %dma_wait3A_27 = arith.constant 0 : i32
      %dma_wait3A_28 = arith.constant 0 : i32
      %dma_wait3A_29 = tpu.memref_slice %arg2[%add3A, %dma_wait3A_26, %dma_wait3A_27, %dma_wait3A_28] : memref<32x80x1x128xi32, #tpu.memory_space<hbm>> -> memref<1x80x1x128xi32, #tpu.memory_space<hbm>>
      %dma_wait3A_30 = tpu.memref_squeeze %dma_wait3A_29 : memref<1x80x1x128xi32, #tpu.memory_space<hbm>> -> memref<80x1x128xi32, #tpu.memory_space<hbm>>
      tpu.wait_dma2 semaphore(%run_scoped3A : memref<!tpu.dma_semaphore, #tpu.memory_space<semaphore_mem>>) src(%dma_wait3A_30 : memref<80x1x128xi32, #tpu.memory_space<hbm>>) dst(%arg6 : memref<80x1x128xi32, #tpu.memory_space<vmem>>)
      tpu.yield
    }) : () -> ()
    %mul3A_1 = arith.constant 632 : i32
    %mul3A_2 = arith.muli %arg1, %mul3A_1 : i32
    "tpu.region"() ({
      %run_scoped3A = tpu.sem_alloc : memref<!tpu.dma_semaphore, #tpu.memory_space<semaphore_mem>>
      %dma_start3A = arith.constant 0 : i32
      %dma_start3A_13 = tpu.memref_slice %arg8[%mul3A_2, %dma_start3A] : memref<10112x128xf32, #tpu.memory_space<vmem_shared>> -> memref<632x128xf32, #tpu.memory_space<vmem_shared>>
      tpu.enqueue_dma source(%arg3 : memref<632x128xf32, #tpu.memory_space<hbm>>) target(%dma_start3A_13 : memref<632x128xf32, #tpu.memory_space<vmem_shared>>) target_semaphore(%run_scoped3A : memref<!tpu.dma_semaphore, #tpu.memory_space<semaphore_mem>>)
      %dma_wait3A = arith.constant 0 : i32
      %dma_wait3A_14 = tpu.memref_slice %arg8[%mul3A_2, %dma_wait3A] : memref<10112x128xf32, #tpu.memory_space<vmem_shared>> -> memref<632x128xf32, #tpu.memory_space<vmem_shared>>
      tpu.wait_dma2 semaphore(%run_scoped3A : memref<!tpu.dma_semaphore, #tpu.memory_space<semaphore_mem>>) src(%arg3 : memref<632x128xf32, #tpu.memory_space<hbm>>) dst(%dma_wait3A_14 : memref<632x128xf32, #tpu.memory_space<vmem_shared>>)
      tpu.yield
    }) : () -> ()
    %barrier3A = arith.constant 0 : index
    tpu.barrier barrier_id(%barrier3A)
    %scan3A = arith.constant 0 : i32
    %scan3A_3 = arith.constant 0 : i32
    %scan3A_4 = arith.constant 80 : i32
    %scan3A_5 = arith.addi %scan3A_3, %scan3A_4 : i32
    %scan3A_6 = arith.constant 1 : i32
    scf.for %scan3A_13 = %scan3A_3 to %scan3A_5 step %scan3A_6  : i32 {
      %run_scoped3A = arith.constant 0 : i32
      "tpu.region"() ({
        %run_scoped3A_14 = tpu.sem_alloc : memref<!tpu.dma_semaphore, #tpu.memory_space<semaphore_mem>>
        %dma_start3A = arith.constant 0 : i32
        %dma_start3A_15 = tpu.memref_slice %arg6[%scan3A_13, %run_scoped3A, %dma_start3A] : memref<80x1x128xi32, #tpu.memory_space<vmem>> -> memref<1x1x128xi32, #tpu.memory_space<vmem>>
        %dma_start3A_16 = tpu.memref_squeeze %dma_start3A_15 : memref<1x1x128xi32, #tpu.memory_space<vmem>> -> memref<128xi32, #tpu.memory_space<vmem>>
        %dma_start3A_17 = arith.constant 0 : i32
        %dma_start3A_18 = arith.constant 0 : i32
        %dma_start3A_19 = tpu.memref_slice %arg8[%dma_start3A_17, %dma_start3A_18] : memref<10112x128xf32, #tpu.memory_space<vmem_shared>> -> memref<10112x128xf32, #tpu.memory_space<vmem_shared>>
        tpu.enqueue_indirect_dma source(%arg7 : memref<128x128xf32, #tpu.memory_space<vmem>>) target(%dma_start3A_19 : memref<10112x128xf32, #tpu.memory_space<vmem_shared>>) offsets(%dma_start3A_16 : memref<128xi32, #tpu.memory_space<vmem>>) semaphore(%run_scoped3A_14 : memref<!tpu.dma_semaphore, #tpu.memory_space<semaphore_mem>>) {add = true}
        %dma_wait3A = arith.constant 0 : i32
        %dma_wait3A_20 = tpu.memref_slice %arg6[%scan3A_13, %run_scoped3A, %dma_wait3A] : memref<80x1x128xi32, #tpu.memory_space<vmem>> -> memref<1x1x128xi32, #tpu.memory_space<vmem>>
        %dma_wait3A_21 = tpu.memref_squeeze %dma_wait3A_20 : memref<1x1x128xi32, #tpu.memory_space<vmem>> -> memref<128xi32, #tpu.memory_space<vmem>>
        %dma_wait3A_22 = arith.constant 0 : i32
        %dma_wait3A_23 = arith.constant 0 : i32
        %dma_wait3A_24 = tpu.memref_slice %arg8[%dma_wait3A_22, %dma_wait3A_23] : memref<10112x128xf32, #tpu.memory_space<vmem_shared>> -> memref<10112x128xf32, #tpu.memory_space<vmem_shared>>
        tpu.wait_indirect_dma semaphore(%run_scoped3A_14 : memref<!tpu.dma_semaphore, #tpu.memory_space<semaphore_mem>>) src(%arg7 : memref<128x128xf32, #tpu.memory_space<vmem>>) dst(%dma_wait3A_24 : memref<10112x128xf32, #tpu.memory_space<vmem_shared>>)
        tpu.yield
      }) : () -> ()
    }
    %scan3A_7 = arith.constant 80 : i32
    %barrier3A_8 = arith.constant 0 : index
    tpu.barrier barrier_id(%barrier3A_8)
    %mul3A_9 = arith.constant 632 : i32
    %mul3A_10 = arith.muli %arg1, %mul3A_9 : i32
    %mul3A_11 = arith.constant 632 : i32
    %mul3A_12 = arith.muli %arg1, %mul3A_11 : i32
    "tpu.region"() ({
      %run_scoped3A = tpu.sem_alloc : memref<!tpu.dma_semaphore, #tpu.memory_space<semaphore_mem>>
      %dma_start3A = arith.constant 0 : i32
      %dma_start3A_13 = tpu.memref_slice %arg5[%arg0, %mul3A_12, %dma_start3A] : memref<2x10112x128xf32, #tpu.memory_space<hbm>> -> memref<1x632x128xf32, #tpu.memory_space<hbm>>
      %dma_start3A_14 = tpu.memref_squeeze %dma_start3A_13 : memref<1x632x128xf32, #tpu.memory_space<hbm>> -> memref<632x128xf32, #tpu.memory_space<hbm>>
      %dma_start3A_15 = arith.constant 0 : i32
      %dma_start3A_16 = tpu.memref_slice %arg8[%mul3A_10, %dma_start3A_15] : memref<10112x128xf32, #tpu.memory_space<vmem_shared>> -> memref<632x128xf32, #tpu.memory_space<vmem_shared>>
      tpu.enqueue_dma source(%dma_start3A_16 : memref<632x128xf32, #tpu.memory_space<vmem_shared>>) target(%dma_start3A_14 : memref<632x128xf32, #tpu.memory_space<hbm>>) target_semaphore(%run_scoped3A : memref<!tpu.dma_semaphore, #tpu.memory_space<semaphore_mem>>)
      %dma_wait3A = arith.constant 0 : i32
      %dma_wait3A_17 = tpu.memref_slice %arg5[%arg0, %mul3A_12, %dma_wait3A] : memref<2x10112x128xf32, #tpu.memory_space<hbm>> -> memref<1x632x128xf32, #tpu.memory_space<hbm>>
      %dma_wait3A_18 = tpu.memref_squeeze %dma_wait3A_17 : memref<1x632x128xf32, #tpu.memory_space<hbm>> -> memref<632x128xf32, #tpu.memory_space<hbm>>
      %dma_wait3A_19 = arith.constant 0 : i32
      %dma_wait3A_20 = tpu.memref_slice %arg8[%mul3A_10, %dma_wait3A_19] : memref<10112x128xf32, #tpu.memory_space<vmem_shared>> -> memref<632x128xf32, #tpu.memory_space<vmem_shared>>
      tpu.wait_dma2 semaphore(%run_scoped3A : memref<!tpu.dma_semaphore, #tpu.memory_space<semaphore_mem>>) src(%dma_wait3A_20 : memref<632x128xf32, #tpu.memory_space<vmem_shared>>) dst(%dma_wait3A_18 : memref<632x128xf32, #tpu.memory_space<hbm>>)
      tpu.yield
    }) : () -> ()
    return
  }
}

#map = affine_map<(d0, d1) -> (0, 0)>
#map1 = affine_map<(d0, d1) -> (0)>
#map2 = affine_map<(d0, d1) -> (0, 0, 0, 0)>
#map3 = affine_map<(d0, d1) -> (0, 0, 0)>
module attributes {stable_mosaic.version = 14 : i64} {
  func.func @_sc_agg(%arg0: i32, %arg1: i32, %arg2: memref<10000x128xf32, #tpu.memory_space<hbm>>, %arg3: memref<327680xi32, #tpu.memory_space<hbm>>, %arg4: memref<32x80x1x128xi32, #tpu.memory_space<hbm>>, %arg5: memref<632x128xf32, #tpu.memory_space<hbm>>, %arg6: memref<2x10112x128xf32, #tpu.memory_space<hbm>>, %arg7: memref<5120xi32, #tpu.memory_space<vmem>>, %arg8: memref<80x1x128xi32, #tpu.memory_space<vmem>>, %arg9: memref<128x128xf32, #tpu.memory_space<vmem>>, %arg10: memref<128x128xf32, #tpu.memory_space<vmem>>, %arg11: memref<10112x128xf32, #tpu.memory_space<vmem_shared>>, %arg12: memref<!tpu.dma_semaphore, #tpu.memory_space<semaphore_mem>>, %arg13: memref<!tpu.dma_semaphore, #tpu.memory_space<semaphore_mem>>) attributes {dimension_semantics = [#tpu.dimension_semantics<core_parallel>, #tpu.dimension_semantics<subcore_parallel>], iteration_bounds = array<i64: 2, 16>, scalar_prefetch = 0 : i64, scratch_operands = 7 : i64, tpu.core_type = #tpu.core_type<sc_vector_subcore>, window_params = [{transform_indices = #map}, {transform_indices = #map1}, {transform_indices = #map2}, {transform_indices = #map}, {transform_indices = #map3}]} {
    %mul3A = arith.constant 16 : i32
    %mul3A_0 = arith.muli %arg0, %mul3A : i32
    %add3A = arith.addi %mul3A_0, %arg1 : i32
    %mul3A_1 = arith.constant 10240 : i32
    %mul3A_2 = arith.muli %add3A, %mul3A_1 : i32
    "tpu.region"() ({
      %run_scoped3A = tpu.sem_alloc : memref<!tpu.dma_semaphore, #tpu.memory_space<semaphore_mem>>
      %dma_start3A_34 = arith.constant 0 : i32
      %dma_start3A_35 = arith.constant 0 : i32
      %dma_start3A_36 = arith.constant 0 : i32
      %dma_start3A_37 = tpu.memref_slice %arg4[%add3A, %dma_start3A_34, %dma_start3A_35, %dma_start3A_36] : memref<32x80x1x128xi32, #tpu.memory_space<hbm>> -> memref<1x80x1x128xi32, #tpu.memory_space<hbm>>
      %dma_start3A_38 = tpu.memref_squeeze %dma_start3A_37 : memref<1x80x1x128xi32, #tpu.memory_space<hbm>> -> memref<80x1x128xi32, #tpu.memory_space<hbm>>
      %dma_start3A_39 = arith.constant 0 : i32
      %dma_start3A_40 = arith.constant 0 : i32
      %dma_start3A_41 = arith.constant 0 : i32
      %dma_start3A_42 = tpu.memref_slice %arg4[%add3A, %dma_start3A_39, %dma_start3A_40, %dma_start3A_41] : memref<32x80x1x128xi32, #tpu.memory_space<hbm>> -> memref<1x80x1x128xi32, #tpu.memory_space<hbm>>
      %dma_start3A_43 = tpu.memref_squeeze %dma_start3A_42 : memref<1x80x1x128xi32, #tpu.memory_space<hbm>> -> memref<80x1x128xi32, #tpu.memory_space<hbm>>
      tpu.enqueue_dma source(%dma_start3A_43 : memref<80x1x128xi32, #tpu.memory_space<hbm>>) target(%arg8 : memref<80x1x128xi32, #tpu.memory_space<vmem>>) target_semaphore(%run_scoped3A : memref<!tpu.dma_semaphore, #tpu.memory_space<semaphore_mem>>)
      %dma_wait3A = arith.constant 0 : i32
      %dma_wait3A_44 = arith.constant 0 : i32
      %dma_wait3A_45 = arith.constant 0 : i32
      %dma_wait3A_46 = tpu.memref_slice %arg4[%add3A, %dma_wait3A, %dma_wait3A_44, %dma_wait3A_45] : memref<32x80x1x128xi32, #tpu.memory_space<hbm>> -> memref<1x80x1x128xi32, #tpu.memory_space<hbm>>
      %dma_wait3A_47 = tpu.memref_squeeze %dma_wait3A_46 : memref<1x80x1x128xi32, #tpu.memory_space<hbm>> -> memref<80x1x128xi32, #tpu.memory_space<hbm>>
      %dma_wait3A_48 = arith.constant 0 : i32
      %dma_wait3A_49 = arith.constant 0 : i32
      %dma_wait3A_50 = arith.constant 0 : i32
      %dma_wait3A_51 = tpu.memref_slice %arg4[%add3A, %dma_wait3A_48, %dma_wait3A_49, %dma_wait3A_50] : memref<32x80x1x128xi32, #tpu.memory_space<hbm>> -> memref<1x80x1x128xi32, #tpu.memory_space<hbm>>
      %dma_wait3A_52 = tpu.memref_squeeze %dma_wait3A_51 : memref<1x80x1x128xi32, #tpu.memory_space<hbm>> -> memref<80x1x128xi32, #tpu.memory_space<hbm>>
      tpu.wait_dma2 semaphore(%run_scoped3A : memref<!tpu.dma_semaphore, #tpu.memory_space<semaphore_mem>>) src(%dma_wait3A_52 : memref<80x1x128xi32, #tpu.memory_space<hbm>>) dst(%arg8 : memref<80x1x128xi32, #tpu.memory_space<vmem>>)
      tpu.yield
    }) : () -> ()
    %mul3A_3 = arith.constant 632 : i32
    %mul3A_4 = arith.muli %arg1, %mul3A_3 : i32
    "tpu.region"() ({
      %run_scoped3A = tpu.sem_alloc : memref<!tpu.dma_semaphore, #tpu.memory_space<semaphore_mem>>
      %dma_start3A_34 = arith.constant 0 : i32
      %dma_start3A_35 = tpu.memref_slice %arg11[%mul3A_4, %dma_start3A_34] : memref<10112x128xf32, #tpu.memory_space<vmem_shared>> -> memref<632x128xf32, #tpu.memory_space<vmem_shared>>
      tpu.enqueue_dma source(%arg5 : memref<632x128xf32, #tpu.memory_space<hbm>>) target(%dma_start3A_35 : memref<632x128xf32, #tpu.memory_space<vmem_shared>>) target_semaphore(%run_scoped3A : memref<!tpu.dma_semaphore, #tpu.memory_space<semaphore_mem>>)
      %dma_wait3A = arith.constant 0 : i32
      %dma_wait3A_36 = tpu.memref_slice %arg11[%mul3A_4, %dma_wait3A] : memref<10112x128xf32, #tpu.memory_space<vmem_shared>> -> memref<632x128xf32, #tpu.memory_space<vmem_shared>>
      tpu.wait_dma2 semaphore(%run_scoped3A : memref<!tpu.dma_semaphore, #tpu.memory_space<semaphore_mem>>) src(%arg5 : memref<632x128xf32, #tpu.memory_space<hbm>>) dst(%dma_wait3A_36 : memref<632x128xf32, #tpu.memory_space<vmem_shared>>)
      tpu.yield
    }) : () -> ()
    %barrier3A = arith.constant 0 : index
    tpu.barrier barrier_id(%barrier3A)
    %add3A_5 = arith.constant 0 : i32
    %add3A_6 = arith.addi %mul3A_2, %add3A_5 : i32
    "tpu.region"() ({
      %run_scoped3A = tpu.sem_alloc : memref<!tpu.dma_semaphore, #tpu.memory_space<semaphore_mem>>
      %dma_start3A_34 = tpu.memref_slice %arg3[%add3A_6] : memref<327680xi32, #tpu.memory_space<hbm>> -> memref<5120xi32, #tpu.memory_space<hbm>>
      %dma_start3A_35 = tpu.memref_slice %arg3[%add3A_6] : memref<327680xi32, #tpu.memory_space<hbm>> -> memref<5120xi32, #tpu.memory_space<hbm>>
      tpu.enqueue_dma source(%dma_start3A_35 : memref<5120xi32, #tpu.memory_space<hbm>>) target(%arg7 : memref<5120xi32, #tpu.memory_space<vmem>>) target_semaphore(%run_scoped3A : memref<!tpu.dma_semaphore, #tpu.memory_space<semaphore_mem>>)
      %dma_wait3A = tpu.memref_slice %arg3[%add3A_6] : memref<327680xi32, #tpu.memory_space<hbm>> -> memref<5120xi32, #tpu.memory_space<hbm>>
      %dma_wait3A_36 = tpu.memref_slice %arg3[%add3A_6] : memref<327680xi32, #tpu.memory_space<hbm>> -> memref<5120xi32, #tpu.memory_space<hbm>>
      tpu.wait_dma2 semaphore(%run_scoped3A : memref<!tpu.dma_semaphore, #tpu.memory_space<semaphore_mem>>) src(%dma_wait3A_36 : memref<5120xi32, #tpu.memory_space<hbm>>) dst(%arg7 : memref<5120xi32, #tpu.memory_space<vmem>>)
      tpu.yield
    }) : () -> ()
    %dma_start3A = arith.constant 0 : i32
    %dma_start3A_7 = tpu.memref_slice %arg7[%dma_start3A] : memref<5120xi32, #tpu.memory_space<vmem>> -> memref<128xi32, #tpu.memory_space<vmem>>
    %dma_start3A_8 = arith.constant 0 : i32
    %dma_start3A_9 = arith.constant 0 : i32
    %dma_start3A_10 = tpu.memref_slice %arg2[%dma_start3A_8, %dma_start3A_9] : memref<10000x128xf32, #tpu.memory_space<hbm>> -> memref<10000x128xf32, #tpu.memory_space<hbm>>
    tpu.enqueue_indirect_dma source(%dma_start3A_10 : memref<10000x128xf32, #tpu.memory_space<hbm>>) target(%arg9 : memref<128x128xf32, #tpu.memory_space<vmem>>) offsets(%dma_start3A_7 : memref<128xi32, #tpu.memory_space<vmem>>) semaphore(%arg12 : memref<!tpu.dma_semaphore, #tpu.memory_space<semaphore_mem>>)
    %scan3A = arith.constant 0 : i32
    %scan3A_11 = arith.constant 0 : i32
    %scan3A_12 = arith.constant 20 : i32
    %scan3A_13 = arith.addi %scan3A_11, %scan3A_12 : i32
    %scan3A_14 = arith.constant 1 : i32
    scf.for %scan3A_34 = %scan3A_11 to %scan3A_13 step %scan3A_14  : i32 {
      %mul3A_35 = arith.constant 2 : i32
      %mul3A_36 = arith.muli %mul3A_35, %scan3A_34 : i32
      %add3A_37 = arith.constant 0 : i32
      %add3A_38 = arith.addi %mul3A_36, %add3A_37 : i32
      %mul3A_39 = arith.constant 128 : i32
      %mul3A_40 = arith.muli %add3A_38, %mul3A_39 : i32
      %dma_wait3A = tpu.memref_slice %arg7[%mul3A_40] : memref<5120xi32, #tpu.memory_space<vmem>> -> memref<128xi32, #tpu.memory_space<vmem>>
      %dma_wait3A_41 = arith.constant 0 : i32
      %dma_wait3A_42 = arith.constant 0 : i32
      %dma_wait3A_43 = tpu.memref_slice %arg2[%dma_wait3A_41, %dma_wait3A_42] : memref<10000x128xf32, #tpu.memory_space<hbm>> -> memref<10000x128xf32, #tpu.memory_space<hbm>>
      tpu.wait_indirect_dma semaphore(%arg12 : memref<!tpu.dma_semaphore, #tpu.memory_space<semaphore_mem>>) src(%dma_wait3A_43 : memref<10000x128xf32, #tpu.memory_space<hbm>>) dst(%arg9 : memref<128x128xf32, #tpu.memory_space<vmem>>)
      %add3A_44 = arith.constant 1 : i32
      %add3A_45 = arith.addi %add3A_38, %add3A_44 : i32
      %mul3A_46 = arith.constant 128 : i32
      %mul3A_47 = arith.muli %add3A_45, %mul3A_46 : i32
      %dma_start3A_48 = tpu.memref_slice %arg7[%mul3A_47] : memref<5120xi32, #tpu.memory_space<vmem>> -> memref<128xi32, #tpu.memory_space<vmem>>
      %dma_start3A_49 = arith.constant 0 : i32
      %dma_start3A_50 = arith.constant 0 : i32
      %dma_start3A_51 = tpu.memref_slice %arg2[%dma_start3A_49, %dma_start3A_50] : memref<10000x128xf32, #tpu.memory_space<hbm>> -> memref<10000x128xf32, #tpu.memory_space<hbm>>
      tpu.enqueue_indirect_dma source(%dma_start3A_51 : memref<10000x128xf32, #tpu.memory_space<hbm>>) target(%arg10 : memref<128x128xf32, #tpu.memory_space<vmem>>) offsets(%dma_start3A_48 : memref<128xi32, #tpu.memory_space<vmem>>) semaphore(%arg13 : memref<!tpu.dma_semaphore, #tpu.memory_space<semaphore_mem>>)
      %add3A_52 = arith.constant 0 : i32
      %add3A_53 = arith.addi %add3A_52, %add3A_38 : i32
      %run_scoped3A = arith.constant 0 : i32
      "tpu.region"() ({
        %run_scoped3A_69 = tpu.sem_alloc : memref<!tpu.dma_semaphore, #tpu.memory_space<semaphore_mem>>
        %dma_start3A_70 = arith.constant 0 : i32
        %dma_start3A_71 = tpu.memref_slice %arg8[%add3A_53, %run_scoped3A, %dma_start3A_70] : memref<80x1x128xi32, #tpu.memory_space<vmem>> -> memref<1x1x128xi32, #tpu.memory_space<vmem>>
        %dma_start3A_72 = tpu.memref_squeeze %dma_start3A_71 : memref<1x1x128xi32, #tpu.memory_space<vmem>> -> memref<128xi32, #tpu.memory_space<vmem>>
        %dma_start3A_73 = arith.constant 0 : i32
        %dma_start3A_74 = arith.constant 0 : i32
        %dma_start3A_75 = tpu.memref_slice %arg11[%dma_start3A_73, %dma_start3A_74] : memref<10112x128xf32, #tpu.memory_space<vmem_shared>> -> memref<10112x128xf32, #tpu.memory_space<vmem_shared>>
        tpu.enqueue_indirect_dma source(%arg9 : memref<128x128xf32, #tpu.memory_space<vmem>>) target(%dma_start3A_75 : memref<10112x128xf32, #tpu.memory_space<vmem_shared>>) offsets(%dma_start3A_72 : memref<128xi32, #tpu.memory_space<vmem>>) semaphore(%run_scoped3A_69 : memref<!tpu.dma_semaphore, #tpu.memory_space<semaphore_mem>>) {add = true}
        %dma_wait3A_76 = arith.constant 0 : i32
        %dma_wait3A_77 = tpu.memref_slice %arg8[%add3A_53, %run_scoped3A, %dma_wait3A_76] : memref<80x1x128xi32, #tpu.memory_space<vmem>> -> memref<1x1x128xi32, #tpu.memory_space<vmem>>
        %dma_wait3A_78 = tpu.memref_squeeze %dma_wait3A_77 : memref<1x1x128xi32, #tpu.memory_space<vmem>> -> memref<128xi32, #tpu.memory_space<vmem>>
        %dma_wait3A_79 = arith.constant 0 : i32
        %dma_wait3A_80 = arith.constant 0 : i32
        %dma_wait3A_81 = tpu.memref_slice %arg11[%dma_wait3A_79, %dma_wait3A_80] : memref<10112x128xf32, #tpu.memory_space<vmem_shared>> -> memref<10112x128xf32, #tpu.memory_space<vmem_shared>>
        tpu.wait_indirect_dma semaphore(%run_scoped3A_69 : memref<!tpu.dma_semaphore, #tpu.memory_space<semaphore_mem>>) src(%arg9 : memref<128x128xf32, #tpu.memory_space<vmem>>) dst(%dma_wait3A_81 : memref<10112x128xf32, #tpu.memory_space<vmem_shared>>)
        tpu.yield
      }) : () -> ()
      %mul3A_54 = arith.constant 2 : i32
      %mul3A_55 = arith.muli %mul3A_54, %scan3A_34 : i32
      %add3A_56 = arith.constant 1 : i32
      %add3A_57 = arith.addi %mul3A_55, %add3A_56 : i32
      %mul3A_58 = arith.constant 128 : i32
      %mul3A_59 = arith.muli %add3A_57, %mul3A_58 : i32
      %dma_wait3A_60 = tpu.memref_slice %arg7[%mul3A_59] : memref<5120xi32, #tpu.memory_space<vmem>> -> memref<128xi32, #tpu.memory_space<vmem>>
      %dma_wait3A_61 = arith.constant 0 : i32
      %dma_wait3A_62 = arith.constant 0 : i32
      %dma_wait3A_63 = tpu.memref_slice %arg2[%dma_wait3A_61, %dma_wait3A_62] : memref<10000x128xf32, #tpu.memory_space<hbm>> -> memref<10000x128xf32, #tpu.memory_space<hbm>>
      tpu.wait_indirect_dma semaphore(%arg13 : memref<!tpu.dma_semaphore, #tpu.memory_space<semaphore_mem>>) src(%dma_wait3A_63 : memref<10000x128xf32, #tpu.memory_space<hbm>>) dst(%arg10 : memref<128x128xf32, #tpu.memory_space<vmem>>)
      %ne3A = arith.constant 19 : i32
      %ne3A_64 = arith.cmpi ne, %scan3A_34, %ne3A : i32
      %convert_element_type3A = arith.extui %ne3A_64 : i1 to i32
      %cond3A = arith.constant 0 : i32
      %cond3A_65 = arith.cmpi ne, %convert_element_type3A, %cond3A : i32
      scf.if %cond3A_65 {
        %add3A_69 = arith.constant 1 : i32
        %add3A_70 = arith.addi %add3A_57, %add3A_69 : i32
        %mul3A_71 = arith.constant 128 : i32
        %mul3A_72 = arith.muli %add3A_70, %mul3A_71 : i32
        %dma_start3A_73 = tpu.memref_slice %arg7[%mul3A_72] : memref<5120xi32, #tpu.memory_space<vmem>> -> memref<128xi32, #tpu.memory_space<vmem>>
        %dma_start3A_74 = arith.constant 0 : i32
        %dma_start3A_75 = arith.constant 0 : i32
        %dma_start3A_76 = tpu.memref_slice %arg2[%dma_start3A_74, %dma_start3A_75] : memref<10000x128xf32, #tpu.memory_space<hbm>> -> memref<10000x128xf32, #tpu.memory_space<hbm>>
        tpu.enqueue_indirect_dma source(%dma_start3A_76 : memref<10000x128xf32, #tpu.memory_space<hbm>>) target(%arg9 : memref<128x128xf32, #tpu.memory_space<vmem>>) offsets(%dma_start3A_73 : memref<128xi32, #tpu.memory_space<vmem>>) semaphore(%arg12 : memref<!tpu.dma_semaphore, #tpu.memory_space<semaphore_mem>>)
      } else {
      }
      %add3A_66 = arith.constant 0 : i32
      %add3A_67 = arith.addi %add3A_66, %add3A_57 : i32
      %run_scoped3A_68 = arith.constant 0 : i32
      "tpu.region"() ({
        %run_scoped3A_69 = tpu.sem_alloc : memref<!tpu.dma_semaphore, #tpu.memory_space<semaphore_mem>>
        %dma_start3A_70 = arith.constant 0 : i32
        %dma_start3A_71 = tpu.memref_slice %arg8[%add3A_67, %run_scoped3A_68, %dma_start3A_70] : memref<80x1x128xi32, #tpu.memory_space<vmem>> -> memref<1x1x128xi32, #tpu.memory_space<vmem>>
        %dma_start3A_72 = tpu.memref_squeeze %dma_start3A_71 : memref<1x1x128xi32, #tpu.memory_space<vmem>> -> memref<128xi32, #tpu.memory_space<vmem>>
        %dma_start3A_73 = arith.constant 0 : i32
        %dma_start3A_74 = arith.constant 0 : i32
        %dma_start3A_75 = tpu.memref_slice %arg11[%dma_start3A_73, %dma_start3A_74] : memref<10112x128xf32, #tpu.memory_space<vmem_shared>> -> memref<10112x128xf32, #tpu.memory_space<vmem_shared>>
        tpu.enqueue_indirect_dma source(%arg10 : memref<128x128xf32, #tpu.memory_space<vmem>>) target(%dma_start3A_75 : memref<10112x128xf32, #tpu.memory_space<vmem_shared>>) offsets(%dma_start3A_72 : memref<128xi32, #tpu.memory_space<vmem>>) semaphore(%run_scoped3A_69 : memref<!tpu.dma_semaphore, #tpu.memory_space<semaphore_mem>>) {add = true}
        %dma_wait3A_76 = arith.constant 0 : i32
        %dma_wait3A_77 = tpu.memref_slice %arg8[%add3A_67, %run_scoped3A_68, %dma_wait3A_76] : memref<80x1x128xi32, #tpu.memory_space<vmem>> -> memref<1x1x128xi32, #tpu.memory_space<vmem>>
        %dma_wait3A_78 = tpu.memref_squeeze %dma_wait3A_77 : memref<1x1x128xi32, #tpu.memory_space<vmem>> -> memref<128xi32, #tpu.memory_space<vmem>>
        %dma_wait3A_79 = arith.constant 0 : i32
        %dma_wait3A_80 = arith.constant 0 : i32
        %dma_wait3A_81 = tpu.memref_slice %arg11[%dma_wait3A_79, %dma_wait3A_80] : memref<10112x128xf32, #tpu.memory_space<vmem_shared>> -> memref<10112x128xf32, #tpu.memory_space<vmem_shared>>
        tpu.wait_indirect_dma semaphore(%run_scoped3A_69 : memref<!tpu.dma_semaphore, #tpu.memory_space<semaphore_mem>>) src(%arg10 : memref<128x128xf32, #tpu.memory_space<vmem>>) dst(%dma_wait3A_81 : memref<10112x128xf32, #tpu.memory_space<vmem_shared>>)
        tpu.yield
      }) : () -> ()
    }
    %scan3A_15 = arith.constant 20 : i32
    %add3A_16 = arith.constant 5120 : i32
    %add3A_17 = arith.addi %mul3A_2, %add3A_16 : i32
    "tpu.region"() ({
      %run_scoped3A = tpu.sem_alloc : memref<!tpu.dma_semaphore, #tpu.memory_space<semaphore_mem>>
      %dma_start3A_34 = tpu.memref_slice %arg3[%add3A_17] : memref<327680xi32, #tpu.memory_space<hbm>> -> memref<5120xi32, #tpu.memory_space<hbm>>
      %dma_start3A_35 = tpu.memref_slice %arg3[%add3A_17] : memref<327680xi32, #tpu.memory_space<hbm>> -> memref<5120xi32, #tpu.memory_space<hbm>>
      tpu.enqueue_dma source(%dma_start3A_35 : memref<5120xi32, #tpu.memory_space<hbm>>) target(%arg7 : memref<5120xi32, #tpu.memory_space<vmem>>) target_semaphore(%run_scoped3A : memref<!tpu.dma_semaphore, #tpu.memory_space<semaphore_mem>>)
      %dma_wait3A = tpu.memref_slice %arg3[%add3A_17] : memref<327680xi32, #tpu.memory_space<hbm>> -> memref<5120xi32, #tpu.memory_space<hbm>>
      %dma_wait3A_36 = tpu.memref_slice %arg3[%add3A_17] : memref<327680xi32, #tpu.memory_space<hbm>> -> memref<5120xi32, #tpu.memory_space<hbm>>
      tpu.wait_dma2 semaphore(%run_scoped3A : memref<!tpu.dma_semaphore, #tpu.memory_space<semaphore_mem>>) src(%dma_wait3A_36 : memref<5120xi32, #tpu.memory_space<hbm>>) dst(%arg7 : memref<5120xi32, #tpu.memory_space<vmem>>)
      tpu.yield
    }) : () -> ()
    %dma_start3A_18 = arith.constant 0 : i32
    %dma_start3A_19 = tpu.memref_slice %arg7[%dma_start3A_18] : memref<5120xi32, #tpu.memory_space<vmem>> -> memref<128xi32, #tpu.memory_space<vmem>>
    %dma_start3A_20 = arith.constant 0 : i32
    %dma_start3A_21 = arith.constant 0 : i32
    %dma_start3A_22 = tpu.memref_slice %arg2[%dma_start3A_20, %dma_start3A_21] : memref<10000x128xf32, #tpu.memory_space<hbm>> -> memref<10000x128xf32, #tpu.memory_space<hbm>>
    tpu.enqueue_indirect_dma source(%dma_start3A_22 : memref<10000x128xf32, #tpu.memory_space<hbm>>) target(%arg9 : memref<128x128xf32, #tpu.memory_space<vmem>>) offsets(%dma_start3A_19 : memref<128xi32, #tpu.memory_space<vmem>>) semaphore(%arg12 : memref<!tpu.dma_semaphore, #tpu.memory_space<semaphore_mem>>)
    %scan3A_23 = arith.constant 0 : i32
    %scan3A_24 = arith.constant 0 : i32
    %scan3A_25 = arith.constant 20 : i32
    %scan3A_26 = arith.addi %scan3A_24, %scan3A_25 : i32
    %scan3A_27 = arith.constant 1 : i32
    scf.for %scan3A_34 = %scan3A_24 to %scan3A_26 step %scan3A_27  : i32 {
      %mul3A_35 = arith.constant 2 : i32
      %mul3A_36 = arith.muli %mul3A_35, %scan3A_34 : i32
      %add3A_37 = arith.constant 0 : i32
      %add3A_38 = arith.addi %mul3A_36, %add3A_37 : i32
      %mul3A_39 = arith.constant 128 : i32
      %mul3A_40 = arith.muli %add3A_38, %mul3A_39 : i32
      %dma_wait3A = tpu.memref_slice %arg7[%mul3A_40] : memref<5120xi32, #tpu.memory_space<vmem>> -> memref<128xi32, #tpu.memory_space<vmem>>
      %dma_wait3A_41 = arith.constant 0 : i32
      %dma_wait3A_42 = arith.constant 0 : i32
      %dma_wait3A_43 = tpu.memref_slice %arg2[%dma_wait3A_41, %dma_wait3A_42] : memref<10000x128xf32, #tpu.memory_space<hbm>> -> memref<10000x128xf32, #tpu.memory_space<hbm>>
      tpu.wait_indirect_dma semaphore(%arg12 : memref<!tpu.dma_semaphore, #tpu.memory_space<semaphore_mem>>) src(%dma_wait3A_43 : memref<10000x128xf32, #tpu.memory_space<hbm>>) dst(%arg9 : memref<128x128xf32, #tpu.memory_space<vmem>>)
      %add3A_44 = arith.constant 1 : i32
      %add3A_45 = arith.addi %add3A_38, %add3A_44 : i32
      %mul3A_46 = arith.constant 128 : i32
      %mul3A_47 = arith.muli %add3A_45, %mul3A_46 : i32
      %dma_start3A_48 = tpu.memref_slice %arg7[%mul3A_47] : memref<5120xi32, #tpu.memory_space<vmem>> -> memref<128xi32, #tpu.memory_space<vmem>>
      %dma_start3A_49 = arith.constant 0 : i32
      %dma_start3A_50 = arith.constant 0 : i32
      %dma_start3A_51 = tpu.memref_slice %arg2[%dma_start3A_49, %dma_start3A_50] : memref<10000x128xf32, #tpu.memory_space<hbm>> -> memref<10000x128xf32, #tpu.memory_space<hbm>>
      tpu.enqueue_indirect_dma source(%dma_start3A_51 : memref<10000x128xf32, #tpu.memory_space<hbm>>) target(%arg10 : memref<128x128xf32, #tpu.memory_space<vmem>>) offsets(%dma_start3A_48 : memref<128xi32, #tpu.memory_space<vmem>>) semaphore(%arg13 : memref<!tpu.dma_semaphore, #tpu.memory_space<semaphore_mem>>)
      %add3A_52 = arith.constant 40 : i32
      %add3A_53 = arith.addi %add3A_52, %add3A_38 : i32
      %run_scoped3A = arith.constant 0 : i32
      "tpu.region"() ({
        %run_scoped3A_69 = tpu.sem_alloc : memref<!tpu.dma_semaphore, #tpu.memory_space<semaphore_mem>>
        %dma_start3A_70 = arith.constant 0 : i32
        %dma_start3A_71 = tpu.memref_slice %arg8[%add3A_53, %run_scoped3A, %dma_start3A_70] : memref<80x1x128xi32, #tpu.memory_space<vmem>> -> memref<1x1x128xi32, #tpu.memory_space<vmem>>
        %dma_start3A_72 = tpu.memref_squeeze %dma_start3A_71 : memref<1x1x128xi32, #tpu.memory_space<vmem>> -> memref<128xi32, #tpu.memory_space<vmem>>
        %dma_start3A_73 = arith.constant 0 : i32
        %dma_start3A_74 = arith.constant 0 : i32
        %dma_start3A_75 = tpu.memref_slice %arg11[%dma_start3A_73, %dma_start3A_74] : memref<10112x128xf32, #tpu.memory_space<vmem_shared>> -> memref<10112x128xf32, #tpu.memory_space<vmem_shared>>
        tpu.enqueue_indirect_dma source(%arg9 : memref<128x128xf32, #tpu.memory_space<vmem>>) target(%dma_start3A_75 : memref<10112x128xf32, #tpu.memory_space<vmem_shared>>) offsets(%dma_start3A_72 : memref<128xi32, #tpu.memory_space<vmem>>) semaphore(%run_scoped3A_69 : memref<!tpu.dma_semaphore, #tpu.memory_space<semaphore_mem>>) {add = true}
        %dma_wait3A_76 = arith.constant 0 : i32
        %dma_wait3A_77 = tpu.memref_slice %arg8[%add3A_53, %run_scoped3A, %dma_wait3A_76] : memref<80x1x128xi32, #tpu.memory_space<vmem>> -> memref<1x1x128xi32, #tpu.memory_space<vmem>>
        %dma_wait3A_78 = tpu.memref_squeeze %dma_wait3A_77 : memref<1x1x128xi32, #tpu.memory_space<vmem>> -> memref<128xi32, #tpu.memory_space<vmem>>
        %dma_wait3A_79 = arith.constant 0 : i32
        %dma_wait3A_80 = arith.constant 0 : i32
        %dma_wait3A_81 = tpu.memref_slice %arg11[%dma_wait3A_79, %dma_wait3A_80] : memref<10112x128xf32, #tpu.memory_space<vmem_shared>> -> memref<10112x128xf32, #tpu.memory_space<vmem_shared>>
        tpu.wait_indirect_dma semaphore(%run_scoped3A_69 : memref<!tpu.dma_semaphore, #tpu.memory_space<semaphore_mem>>) src(%arg9 : memref<128x128xf32, #tpu.memory_space<vmem>>) dst(%dma_wait3A_81 : memref<10112x128xf32, #tpu.memory_space<vmem_shared>>)
        tpu.yield
      }) : () -> ()
      %mul3A_54 = arith.constant 2 : i32
      %mul3A_55 = arith.muli %mul3A_54, %scan3A_34 : i32
      %add3A_56 = arith.constant 1 : i32
      %add3A_57 = arith.addi %mul3A_55, %add3A_56 : i32
      %mul3A_58 = arith.constant 128 : i32
      %mul3A_59 = arith.muli %add3A_57, %mul3A_58 : i32
      %dma_wait3A_60 = tpu.memref_slice %arg7[%mul3A_59] : memref<5120xi32, #tpu.memory_space<vmem>> -> memref<128xi32, #tpu.memory_space<vmem>>
      %dma_wait3A_61 = arith.constant 0 : i32
      %dma_wait3A_62 = arith.constant 0 : i32
      %dma_wait3A_63 = tpu.memref_slice %arg2[%dma_wait3A_61, %dma_wait3A_62] : memref<10000x128xf32, #tpu.memory_space<hbm>> -> memref<10000x128xf32, #tpu.memory_space<hbm>>
      tpu.wait_indirect_dma semaphore(%arg13 : memref<!tpu.dma_semaphore, #tpu.memory_space<semaphore_mem>>) src(%dma_wait3A_63 : memref<10000x128xf32, #tpu.memory_space<hbm>>) dst(%arg10 : memref<128x128xf32, #tpu.memory_space<vmem>>)
      %ne3A = arith.constant 19 : i32
      %ne3A_64 = arith.cmpi ne, %scan3A_34, %ne3A : i32
      %convert_element_type3A = arith.extui %ne3A_64 : i1 to i32
      %cond3A = arith.constant 0 : i32
      %cond3A_65 = arith.cmpi ne, %convert_element_type3A, %cond3A : i32
      scf.if %cond3A_65 {
        %add3A_69 = arith.constant 1 : i32
        %add3A_70 = arith.addi %add3A_57, %add3A_69 : i32
        %mul3A_71 = arith.constant 128 : i32
        %mul3A_72 = arith.muli %add3A_70, %mul3A_71 : i32
        %dma_start3A_73 = tpu.memref_slice %arg7[%mul3A_72] : memref<5120xi32, #tpu.memory_space<vmem>> -> memref<128xi32, #tpu.memory_space<vmem>>
        %dma_start3A_74 = arith.constant 0 : i32
        %dma_start3A_75 = arith.constant 0 : i32
        %dma_start3A_76 = tpu.memref_slice %arg2[%dma_start3A_74, %dma_start3A_75] : memref<10000x128xf32, #tpu.memory_space<hbm>> -> memref<10000x128xf32, #tpu.memory_space<hbm>>
        tpu.enqueue_indirect_dma source(%dma_start3A_76 : memref<10000x128xf32, #tpu.memory_space<hbm>>) target(%arg9 : memref<128x128xf32, #tpu.memory_space<vmem>>) offsets(%dma_start3A_73 : memref<128xi32, #tpu.memory_space<vmem>>) semaphore(%arg12 : memref<!tpu.dma_semaphore, #tpu.memory_space<semaphore_mem>>)
      } else {
      }
      %add3A_66 = arith.constant 40 : i32
      %add3A_67 = arith.addi %add3A_66, %add3A_57 : i32
      %run_scoped3A_68 = arith.constant 0 : i32
      "tpu.region"() ({
        %run_scoped3A_69 = tpu.sem_alloc : memref<!tpu.dma_semaphore, #tpu.memory_space<semaphore_mem>>
        %dma_start3A_70 = arith.constant 0 : i32
        %dma_start3A_71 = tpu.memref_slice %arg8[%add3A_67, %run_scoped3A_68, %dma_start3A_70] : memref<80x1x128xi32, #tpu.memory_space<vmem>> -> memref<1x1x128xi32, #tpu.memory_space<vmem>>
        %dma_start3A_72 = tpu.memref_squeeze %dma_start3A_71 : memref<1x1x128xi32, #tpu.memory_space<vmem>> -> memref<128xi32, #tpu.memory_space<vmem>>
        %dma_start3A_73 = arith.constant 0 : i32
        %dma_start3A_74 = arith.constant 0 : i32
        %dma_start3A_75 = tpu.memref_slice %arg11[%dma_start3A_73, %dma_start3A_74] : memref<10112x128xf32, #tpu.memory_space<vmem_shared>> -> memref<10112x128xf32, #tpu.memory_space<vmem_shared>>
        tpu.enqueue_indirect_dma source(%arg10 : memref<128x128xf32, #tpu.memory_space<vmem>>) target(%dma_start3A_75 : memref<10112x128xf32, #tpu.memory_space<vmem_shared>>) offsets(%dma_start3A_72 : memref<128xi32, #tpu.memory_space<vmem>>) semaphore(%run_scoped3A_69 : memref<!tpu.dma_semaphore, #tpu.memory_space<semaphore_mem>>) {add = true}
        %dma_wait3A_76 = arith.constant 0 : i32
        %dma_wait3A_77 = tpu.memref_slice %arg8[%add3A_67, %run_scoped3A_68, %dma_wait3A_76] : memref<80x1x128xi32, #tpu.memory_space<vmem>> -> memref<1x1x128xi32, #tpu.memory_space<vmem>>
        %dma_wait3A_78 = tpu.memref_squeeze %dma_wait3A_77 : memref<1x1x128xi32, #tpu.memory_space<vmem>> -> memref<128xi32, #tpu.memory_space<vmem>>
        %dma_wait3A_79 = arith.constant 0 : i32
        %dma_wait3A_80 = arith.constant 0 : i32
        %dma_wait3A_81 = tpu.memref_slice %arg11[%dma_wait3A_79, %dma_wait3A_80] : memref<10112x128xf32, #tpu.memory_space<vmem_shared>> -> memref<10112x128xf32, #tpu.memory_space<vmem_shared>>
        tpu.wait_indirect_dma semaphore(%run_scoped3A_69 : memref<!tpu.dma_semaphore, #tpu.memory_space<semaphore_mem>>) src(%arg10 : memref<128x128xf32, #tpu.memory_space<vmem>>) dst(%dma_wait3A_81 : memref<10112x128xf32, #tpu.memory_space<vmem_shared>>)
        tpu.yield
      }) : () -> ()
    }
    %scan3A_28 = arith.constant 20 : i32
    %barrier3A_29 = arith.constant 0 : index
    tpu.barrier barrier_id(%barrier3A_29)
    %mul3A_30 = arith.constant 632 : i32
    %mul3A_31 = arith.muli %arg1, %mul3A_30 : i32
    %mul3A_32 = arith.constant 632 : i32
    %mul3A_33 = arith.muli %arg1, %mul3A_32 : i32
    "tpu.region"() ({
      %run_scoped3A = tpu.sem_alloc : memref<!tpu.dma_semaphore, #tpu.memory_space<semaphore_mem>>
      %dma_start3A_34 = arith.constant 0 : i32
      %dma_start3A_35 = tpu.memref_slice %arg6[%arg0, %mul3A_33, %dma_start3A_34] : memref<2x10112x128xf32, #tpu.memory_space<hbm>> -> memref<1x632x128xf32, #tpu.memory_space<hbm>>
      %dma_start3A_36 = tpu.memref_squeeze %dma_start3A_35 : memref<1x632x128xf32, #tpu.memory_space<hbm>> -> memref<632x128xf32, #tpu.memory_space<hbm>>
      %dma_start3A_37 = arith.constant 0 : i32
      %dma_start3A_38 = tpu.memref_slice %arg11[%mul3A_31, %dma_start3A_37] : memref<10112x128xf32, #tpu.memory_space<vmem_shared>> -> memref<632x128xf32, #tpu.memory_space<vmem_shared>>
      tpu.enqueue_dma source(%dma_start3A_38 : memref<632x128xf32, #tpu.memory_space<vmem_shared>>) target(%dma_start3A_36 : memref<632x128xf32, #tpu.memory_space<hbm>>) target_semaphore(%run_scoped3A : memref<!tpu.dma_semaphore, #tpu.memory_space<semaphore_mem>>)
      %dma_wait3A = arith.constant 0 : i32
      %dma_wait3A_39 = tpu.memref_slice %arg6[%arg0, %mul3A_33, %dma_wait3A] : memref<2x10112x128xf32, #tpu.memory_space<hbm>> -> memref<1x632x128xf32, #tpu.memory_space<hbm>>
      %dma_wait3A_40 = tpu.memref_squeeze %dma_wait3A_39 : memref<1x632x128xf32, #tpu.memory_space<hbm>> -> memref<632x128xf32, #tpu.memory_space<hbm>>
      %dma_wait3A_41 = arith.constant 0 : i32
      %dma_wait3A_42 = tpu.memref_slice %arg11[%mul3A_31, %dma_wait3A_41] : memref<10112x128xf32, #tpu.memory_space<vmem_shared>> -> memref<632x128xf32, #tpu.memory_space<vmem_shared>>
      tpu.wait_dma2 semaphore(%run_scoped3A : memref<!tpu.dma_semaphore, #tpu.memory_space<semaphore_mem>>) src(%dma_wait3A_42 : memref<632x128xf32, #tpu.memory_space<vmem_shared>>) dst(%dma_wait3A_40 : memref<632x128xf32, #tpu.memory_space<hbm>>)
      tpu.yield
    }) : () -> ()
    return
  }
}

#map = affine_map<(d0, d1) -> (0, 0)>
#map1 = affine_map<(d0, d1) -> (0)>
#map2 = affine_map<(d0, d1) -> (0, 0, 0, 0)>
#map3 = affine_map<(d0, d1) -> (0, 0, 0)>
module attributes {stable_mosaic.version = 14 : i64} {
  func.func @_sc_agg(%arg0: i32, %arg1: i32, %arg2: memref<10000x128xf32, #tpu.memory_space<hbm>>, %arg3: memref<327680xi32, #tpu.memory_space<hbm>>, %arg4: memref<32x80x1x128xi32, #tpu.memory_space<hbm>>, %arg5: memref<632x128xf32, #tpu.memory_space<hbm>>, %arg6: memref<2x10112x128xf32, #tpu.memory_space<hbm>>, %arg7: memref<5120xi32, #tpu.memory_space<vmem>>, %arg8: memref<80x1x128xi32, #tpu.memory_space<vmem>>, %arg9: memref<128x128xf32, #tpu.memory_space<vmem>>, %arg10: memref<128x128xf32, #tpu.memory_space<vmem>>, %arg11: memref<10112x128xf32, #tpu.memory_space<vmem_shared>>, %arg12: memref<!tpu.dma_semaphore, #tpu.memory_space<semaphore_mem>>, %arg13: memref<!tpu.dma_semaphore, #tpu.memory_space<semaphore_mem>>) attributes {dimension_semantics = [#tpu.dimension_semantics<core_parallel>, #tpu.dimension_semantics<subcore_parallel>], iteration_bounds = array<i64: 2, 16>, scalar_prefetch = 0 : i64, scratch_operands = 7 : i64, tpu.core_type = #tpu.core_type<sc_vector_subcore>, window_params = [{transform_indices = #map}, {transform_indices = #map1}, {transform_indices = #map2}, {transform_indices = #map}, {transform_indices = #map3}]} {
    %mul3A = arith.constant 16 : i32
    %mul3A_0 = arith.muli %arg0, %mul3A : i32
    %add3A = arith.addi %mul3A_0, %arg1 : i32
    %mul3A_1 = arith.constant 10240 : i32
    %mul3A_2 = arith.muli %add3A, %mul3A_1 : i32
    "tpu.region"() ({
      %run_scoped3A = tpu.sem_alloc : memref<!tpu.dma_semaphore, #tpu.memory_space<semaphore_mem>>
      %dma_start3A_34 = arith.constant 0 : i32
      %dma_start3A_35 = arith.constant 0 : i32
      %dma_start3A_36 = arith.constant 0 : i32
      %dma_start3A_37 = tpu.memref_slice %arg4[%add3A, %dma_start3A_34, %dma_start3A_35, %dma_start3A_36] : memref<32x80x1x128xi32, #tpu.memory_space<hbm>> -> memref<1x80x1x128xi32, #tpu.memory_space<hbm>>
      %dma_start3A_38 = tpu.memref_squeeze %dma_start3A_37 : memref<1x80x1x128xi32, #tpu.memory_space<hbm>> -> memref<80x1x128xi32, #tpu.memory_space<hbm>>
      %dma_start3A_39 = arith.constant 0 : i32
      %dma_start3A_40 = arith.constant 0 : i32
      %dma_start3A_41 = arith.constant 0 : i32
      %dma_start3A_42 = tpu.memref_slice %arg4[%add3A, %dma_start3A_39, %dma_start3A_40, %dma_start3A_41] : memref<32x80x1x128xi32, #tpu.memory_space<hbm>> -> memref<1x80x1x128xi32, #tpu.memory_space<hbm>>
      %dma_start3A_43 = tpu.memref_squeeze %dma_start3A_42 : memref<1x80x1x128xi32, #tpu.memory_space<hbm>> -> memref<80x1x128xi32, #tpu.memory_space<hbm>>
      tpu.enqueue_dma source(%dma_start3A_43 : memref<80x1x128xi32, #tpu.memory_space<hbm>>) target(%arg8 : memref<80x1x128xi32, #tpu.memory_space<vmem>>) target_semaphore(%run_scoped3A : memref<!tpu.dma_semaphore, #tpu.memory_space<semaphore_mem>>)
      %dma_wait3A = arith.constant 0 : i32
      %dma_wait3A_44 = arith.constant 0 : i32
      %dma_wait3A_45 = arith.constant 0 : i32
      %dma_wait3A_46 = tpu.memref_slice %arg4[%add3A, %dma_wait3A, %dma_wait3A_44, %dma_wait3A_45] : memref<32x80x1x128xi32, #tpu.memory_space<hbm>> -> memref<1x80x1x128xi32, #tpu.memory_space<hbm>>
      %dma_wait3A_47 = tpu.memref_squeeze %dma_wait3A_46 : memref<1x80x1x128xi32, #tpu.memory_space<hbm>> -> memref<80x1x128xi32, #tpu.memory_space<hbm>>
      %dma_wait3A_48 = arith.constant 0 : i32
      %dma_wait3A_49 = arith.constant 0 : i32
      %dma_wait3A_50 = arith.constant 0 : i32
      %dma_wait3A_51 = tpu.memref_slice %arg4[%add3A, %dma_wait3A_48, %dma_wait3A_49, %dma_wait3A_50] : memref<32x80x1x128xi32, #tpu.memory_space<hbm>> -> memref<1x80x1x128xi32, #tpu.memory_space<hbm>>
      %dma_wait3A_52 = tpu.memref_squeeze %dma_wait3A_51 : memref<1x80x1x128xi32, #tpu.memory_space<hbm>> -> memref<80x1x128xi32, #tpu.memory_space<hbm>>
      tpu.wait_dma2 semaphore(%run_scoped3A : memref<!tpu.dma_semaphore, #tpu.memory_space<semaphore_mem>>) src(%dma_wait3A_52 : memref<80x1x128xi32, #tpu.memory_space<hbm>>) dst(%arg8 : memref<80x1x128xi32, #tpu.memory_space<vmem>>)
      tpu.yield
    }) : () -> ()
    %mul3A_3 = arith.constant 632 : i32
    %mul3A_4 = arith.muli %arg1, %mul3A_3 : i32
    "tpu.region"() ({
      %run_scoped3A = tpu.sem_alloc : memref<!tpu.dma_semaphore, #tpu.memory_space<semaphore_mem>>
      %dma_start3A_34 = arith.constant 0 : i32
      %dma_start3A_35 = tpu.memref_slice %arg11[%mul3A_4, %dma_start3A_34] : memref<10112x128xf32, #tpu.memory_space<vmem_shared>> -> memref<632x128xf32, #tpu.memory_space<vmem_shared>>
      tpu.enqueue_dma source(%arg5 : memref<632x128xf32, #tpu.memory_space<hbm>>) target(%dma_start3A_35 : memref<632x128xf32, #tpu.memory_space<vmem_shared>>) target_semaphore(%run_scoped3A : memref<!tpu.dma_semaphore, #tpu.memory_space<semaphore_mem>>)
      %dma_wait3A = arith.constant 0 : i32
      %dma_wait3A_36 = tpu.memref_slice %arg11[%mul3A_4, %dma_wait3A] : memref<10112x128xf32, #tpu.memory_space<vmem_shared>> -> memref<632x128xf32, #tpu.memory_space<vmem_shared>>
      tpu.wait_dma2 semaphore(%run_scoped3A : memref<!tpu.dma_semaphore, #tpu.memory_space<semaphore_mem>>) src(%arg5 : memref<632x128xf32, #tpu.memory_space<hbm>>) dst(%dma_wait3A_36 : memref<632x128xf32, #tpu.memory_space<vmem_shared>>)
      tpu.yield
    }) : () -> ()
    %barrier3A = arith.constant 0 : index
    tpu.barrier barrier_id(%barrier3A)
    %add3A_5 = arith.constant 0 : i32
    %add3A_6 = arith.addi %mul3A_2, %add3A_5 : i32
    "tpu.region"() ({
      %run_scoped3A = tpu.sem_alloc : memref<!tpu.dma_semaphore, #tpu.memory_space<semaphore_mem>>
      %dma_start3A_34 = tpu.memref_slice %arg3[%add3A_6] : memref<327680xi32, #tpu.memory_space<hbm>> -> memref<5120xi32, #tpu.memory_space<hbm>>
      %dma_start3A_35 = tpu.memref_slice %arg3[%add3A_6] : memref<327680xi32, #tpu.memory_space<hbm>> -> memref<5120xi32, #tpu.memory_space<hbm>>
      tpu.enqueue_dma source(%dma_start3A_35 : memref<5120xi32, #tpu.memory_space<hbm>>) target(%arg7 : memref<5120xi32, #tpu.memory_space<vmem>>) target_semaphore(%run_scoped3A : memref<!tpu.dma_semaphore, #tpu.memory_space<semaphore_mem>>)
      %dma_wait3A = tpu.memref_slice %arg3[%add3A_6] : memref<327680xi32, #tpu.memory_space<hbm>> -> memref<5120xi32, #tpu.memory_space<hbm>>
      %dma_wait3A_36 = tpu.memref_slice %arg3[%add3A_6] : memref<327680xi32, #tpu.memory_space<hbm>> -> memref<5120xi32, #tpu.memory_space<hbm>>
      tpu.wait_dma2 semaphore(%run_scoped3A : memref<!tpu.dma_semaphore, #tpu.memory_space<semaphore_mem>>) src(%dma_wait3A_36 : memref<5120xi32, #tpu.memory_space<hbm>>) dst(%arg7 : memref<5120xi32, #tpu.memory_space<vmem>>)
      tpu.yield
    }) : () -> ()
    %dma_start3A = arith.constant 0 : i32
    %dma_start3A_7 = tpu.memref_slice %arg7[%dma_start3A] : memref<5120xi32, #tpu.memory_space<vmem>> -> memref<128xi32, #tpu.memory_space<vmem>>
    %dma_start3A_8 = arith.constant 0 : i32
    %dma_start3A_9 = arith.constant 0 : i32
    %dma_start3A_10 = tpu.memref_slice %arg2[%dma_start3A_8, %dma_start3A_9] : memref<10000x128xf32, #tpu.memory_space<hbm>> -> memref<10000x128xf32, #tpu.memory_space<hbm>>
    tpu.enqueue_indirect_dma source(%dma_start3A_10 : memref<10000x128xf32, #tpu.memory_space<hbm>>) target(%arg9 : memref<128x128xf32, #tpu.memory_space<vmem>>) offsets(%dma_start3A_7 : memref<128xi32, #tpu.memory_space<vmem>>) semaphore(%arg12 : memref<!tpu.dma_semaphore, #tpu.memory_space<semaphore_mem>>)
    %scan3A = arith.constant 0 : i32
    %scan3A_11 = arith.constant 0 : i32
    %scan3A_12 = arith.constant 20 : i32
    %scan3A_13 = arith.addi %scan3A_11, %scan3A_12 : i32
    %scan3A_14 = arith.constant 1 : i32
    scf.for %scan3A_34 = %scan3A_11 to %scan3A_13 step %scan3A_14  : i32 {
      %mul3A_35 = arith.constant 2 : i32
      %mul3A_36 = arith.muli %mul3A_35, %scan3A_34 : i32
      %add3A_37 = arith.constant 0 : i32
      %add3A_38 = arith.addi %mul3A_36, %add3A_37 : i32
      %mul3A_39 = arith.constant 128 : i32
      %mul3A_40 = arith.muli %add3A_38, %mul3A_39 : i32
      %dma_wait3A = tpu.memref_slice %arg7[%mul3A_40] : memref<5120xi32, #tpu.memory_space<vmem>> -> memref<128xi32, #tpu.memory_space<vmem>>
      %dma_wait3A_41 = arith.constant 0 : i32
      %dma_wait3A_42 = arith.constant 0 : i32
      %dma_wait3A_43 = tpu.memref_slice %arg2[%dma_wait3A_41, %dma_wait3A_42] : memref<10000x128xf32, #tpu.memory_space<hbm>> -> memref<10000x128xf32, #tpu.memory_space<hbm>>
      tpu.wait_indirect_dma semaphore(%arg12 : memref<!tpu.dma_semaphore, #tpu.memory_space<semaphore_mem>>) src(%dma_wait3A_43 : memref<10000x128xf32, #tpu.memory_space<hbm>>) dst(%arg9 : memref<128x128xf32, #tpu.memory_space<vmem>>)
      %add3A_44 = arith.constant 1 : i32
      %add3A_45 = arith.addi %add3A_38, %add3A_44 : i32
      %mul3A_46 = arith.constant 128 : i32
      %mul3A_47 = arith.muli %add3A_45, %mul3A_46 : i32
      %dma_start3A_48 = tpu.memref_slice %arg7[%mul3A_47] : memref<5120xi32, #tpu.memory_space<vmem>> -> memref<128xi32, #tpu.memory_space<vmem>>
      %dma_start3A_49 = arith.constant 0 : i32
      %dma_start3A_50 = arith.constant 0 : i32
      %dma_start3A_51 = tpu.memref_slice %arg2[%dma_start3A_49, %dma_start3A_50] : memref<10000x128xf32, #tpu.memory_space<hbm>> -> memref<10000x128xf32, #tpu.memory_space<hbm>>
      tpu.enqueue_indirect_dma source(%dma_start3A_51 : memref<10000x128xf32, #tpu.memory_space<hbm>>) target(%arg10 : memref<128x128xf32, #tpu.memory_space<vmem>>) offsets(%dma_start3A_48 : memref<128xi32, #tpu.memory_space<vmem>>) semaphore(%arg13 : memref<!tpu.dma_semaphore, #tpu.memory_space<semaphore_mem>>)
      %add3A_52 = arith.constant 0 : i32
      %add3A_53 = arith.addi %add3A_52, %add3A_38 : i32
      %run_scoped3A = arith.constant 0 : i32
      "tpu.region"() ({
        %run_scoped3A_69 = tpu.sem_alloc : memref<!tpu.dma_semaphore, #tpu.memory_space<semaphore_mem>>
        %dma_start3A_70 = arith.constant 0 : i32
        %dma_start3A_71 = tpu.memref_slice %arg8[%add3A_53, %run_scoped3A, %dma_start3A_70] : memref<80x1x128xi32, #tpu.memory_space<vmem>> -> memref<1x1x128xi32, #tpu.memory_space<vmem>>
        %dma_start3A_72 = tpu.memref_squeeze %dma_start3A_71 : memref<1x1x128xi32, #tpu.memory_space<vmem>> -> memref<128xi32, #tpu.memory_space<vmem>>
        %dma_start3A_73 = arith.constant 0 : i32
        %dma_start3A_74 = arith.constant 0 : i32
        %dma_start3A_75 = tpu.memref_slice %arg11[%dma_start3A_73, %dma_start3A_74] : memref<10112x128xf32, #tpu.memory_space<vmem_shared>> -> memref<10112x128xf32, #tpu.memory_space<vmem_shared>>
        tpu.enqueue_indirect_dma source(%arg9 : memref<128x128xf32, #tpu.memory_space<vmem>>) target(%dma_start3A_75 : memref<10112x128xf32, #tpu.memory_space<vmem_shared>>) offsets(%dma_start3A_72 : memref<128xi32, #tpu.memory_space<vmem>>) semaphore(%run_scoped3A_69 : memref<!tpu.dma_semaphore, #tpu.memory_space<semaphore_mem>>) {add = true}
        %dma_wait3A_76 = arith.constant 0 : i32
        %dma_wait3A_77 = tpu.memref_slice %arg8[%add3A_53, %run_scoped3A, %dma_wait3A_76] : memref<80x1x128xi32, #tpu.memory_space<vmem>> -> memref<1x1x128xi32, #tpu.memory_space<vmem>>
        %dma_wait3A_78 = tpu.memref_squeeze %dma_wait3A_77 : memref<1x1x128xi32, #tpu.memory_space<vmem>> -> memref<128xi32, #tpu.memory_space<vmem>>
        %dma_wait3A_79 = arith.constant 0 : i32
        %dma_wait3A_80 = arith.constant 0 : i32
        %dma_wait3A_81 = tpu.memref_slice %arg11[%dma_wait3A_79, %dma_wait3A_80] : memref<10112x128xf32, #tpu.memory_space<vmem_shared>> -> memref<10112x128xf32, #tpu.memory_space<vmem_shared>>
        tpu.wait_indirect_dma semaphore(%run_scoped3A_69 : memref<!tpu.dma_semaphore, #tpu.memory_space<semaphore_mem>>) src(%arg9 : memref<128x128xf32, #tpu.memory_space<vmem>>) dst(%dma_wait3A_81 : memref<10112x128xf32, #tpu.memory_space<vmem_shared>>)
        tpu.yield
      }) : () -> ()
      %mul3A_54 = arith.constant 2 : i32
      %mul3A_55 = arith.muli %mul3A_54, %scan3A_34 : i32
      %add3A_56 = arith.constant 1 : i32
      %add3A_57 = arith.addi %mul3A_55, %add3A_56 : i32
      %mul3A_58 = arith.constant 128 : i32
      %mul3A_59 = arith.muli %add3A_57, %mul3A_58 : i32
      %dma_wait3A_60 = tpu.memref_slice %arg7[%mul3A_59] : memref<5120xi32, #tpu.memory_space<vmem>> -> memref<128xi32, #tpu.memory_space<vmem>>
      %dma_wait3A_61 = arith.constant 0 : i32
      %dma_wait3A_62 = arith.constant 0 : i32
      %dma_wait3A_63 = tpu.memref_slice %arg2[%dma_wait3A_61, %dma_wait3A_62] : memref<10000x128xf32, #tpu.memory_space<hbm>> -> memref<10000x128xf32, #tpu.memory_space<hbm>>
      tpu.wait_indirect_dma semaphore(%arg13 : memref<!tpu.dma_semaphore, #tpu.memory_space<semaphore_mem>>) src(%dma_wait3A_63 : memref<10000x128xf32, #tpu.memory_space<hbm>>) dst(%arg10 : memref<128x128xf32, #tpu.memory_space<vmem>>)
      %ne3A = arith.constant 19 : i32
      %ne3A_64 = arith.cmpi ne, %scan3A_34, %ne3A : i32
      %convert_element_type3A = arith.extui %ne3A_64 : i1 to i32
      %cond3A = arith.constant 0 : i32
      %cond3A_65 = arith.cmpi ne, %convert_element_type3A, %cond3A : i32
      scf.if %cond3A_65 {
        %add3A_69 = arith.constant 1 : i32
        %add3A_70 = arith.addi %add3A_57, %add3A_69 : i32
        %mul3A_71 = arith.constant 128 : i32
        %mul3A_72 = arith.muli %add3A_70, %mul3A_71 : i32
        %dma_start3A_73 = tpu.memref_slice %arg7[%mul3A_72] : memref<5120xi32, #tpu.memory_space<vmem>> -> memref<128xi32, #tpu.memory_space<vmem>>
        %dma_start3A_74 = arith.constant 0 : i32
        %dma_start3A_75 = arith.constant 0 : i32
        %dma_start3A_76 = tpu.memref_slice %arg2[%dma_start3A_74, %dma_start3A_75] : memref<10000x128xf32, #tpu.memory_space<hbm>> -> memref<10000x128xf32, #tpu.memory_space<hbm>>
        tpu.enqueue_indirect_dma source(%dma_start3A_76 : memref<10000x128xf32, #tpu.memory_space<hbm>>) target(%arg9 : memref<128x128xf32, #tpu.memory_space<vmem>>) offsets(%dma_start3A_73 : memref<128xi32, #tpu.memory_space<vmem>>) semaphore(%arg12 : memref<!tpu.dma_semaphore, #tpu.memory_space<semaphore_mem>>)
      } else {
      }
      %add3A_66 = arith.constant 0 : i32
      %add3A_67 = arith.addi %add3A_66, %add3A_57 : i32
      %run_scoped3A_68 = arith.constant 0 : i32
      "tpu.region"() ({
        %run_scoped3A_69 = tpu.sem_alloc : memref<!tpu.dma_semaphore, #tpu.memory_space<semaphore_mem>>
        %dma_start3A_70 = arith.constant 0 : i32
        %dma_start3A_71 = tpu.memref_slice %arg8[%add3A_67, %run_scoped3A_68, %dma_start3A_70] : memref<80x1x128xi32, #tpu.memory_space<vmem>> -> memref<1x1x128xi32, #tpu.memory_space<vmem>>
        %dma_start3A_72 = tpu.memref_squeeze %dma_start3A_71 : memref<1x1x128xi32, #tpu.memory_space<vmem>> -> memref<128xi32, #tpu.memory_space<vmem>>
        %dma_start3A_73 = arith.constant 0 : i32
        %dma_start3A_74 = arith.constant 0 : i32
        %dma_start3A_75 = tpu.memref_slice %arg11[%dma_start3A_73, %dma_start3A_74] : memref<10112x128xf32, #tpu.memory_space<vmem_shared>> -> memref<10112x128xf32, #tpu.memory_space<vmem_shared>>
        tpu.enqueue_indirect_dma source(%arg10 : memref<128x128xf32, #tpu.memory_space<vmem>>) target(%dma_start3A_75 : memref<10112x128xf32, #tpu.memory_space<vmem_shared>>) offsets(%dma_start3A_72 : memref<128xi32, #tpu.memory_space<vmem>>) semaphore(%run_scoped3A_69 : memref<!tpu.dma_semaphore, #tpu.memory_space<semaphore_mem>>) {add = true}
        %dma_wait3A_76 = arith.constant 0 : i32
        %dma_wait3A_77 = tpu.memref_slice %arg8[%add3A_67, %run_scoped3A_68, %dma_wait3A_76] : memref<80x1x128xi32, #tpu.memory_space<vmem>> -> memref<1x1x128xi32, #tpu.memory_space<vmem>>
        %dma_wait3A_78 = tpu.memref_squeeze %dma_wait3A_77 : memref<1x1x128xi32, #tpu.memory_space<vmem>> -> memref<128xi32, #tpu.memory_space<vmem>>
        %dma_wait3A_79 = arith.constant 0 : i32
        %dma_wait3A_80 = arith.constant 0 : i32
        %dma_wait3A_81 = tpu.memref_slice %arg11[%dma_wait3A_79, %dma_wait3A_80] : memref<10112x128xf32, #tpu.memory_space<vmem_shared>> -> memref<10112x128xf32, #tpu.memory_space<vmem_shared>>
        tpu.wait_indirect_dma semaphore(%run_scoped3A_69 : memref<!tpu.dma_semaphore, #tpu.memory_space<semaphore_mem>>) src(%arg10 : memref<128x128xf32, #tpu.memory_space<vmem>>) dst(%dma_wait3A_81 : memref<10112x128xf32, #tpu.memory_space<vmem_shared>>)
        tpu.yield
      }) : () -> ()
    }
    %scan3A_15 = arith.constant 20 : i32
    %add3A_16 = arith.constant 5120 : i32
    %add3A_17 = arith.addi %mul3A_2, %add3A_16 : i32
    "tpu.region"() ({
      %run_scoped3A = tpu.sem_alloc : memref<!tpu.dma_semaphore, #tpu.memory_space<semaphore_mem>>
      %dma_start3A_34 = tpu.memref_slice %arg3[%add3A_17] : memref<327680xi32, #tpu.memory_space<hbm>> -> memref<5120xi32, #tpu.memory_space<hbm>>
      %dma_start3A_35 = tpu.memref_slice %arg3[%add3A_17] : memref<327680xi32, #tpu.memory_space<hbm>> -> memref<5120xi32, #tpu.memory_space<hbm>>
      tpu.enqueue_dma source(%dma_start3A_35 : memref<5120xi32, #tpu.memory_space<hbm>>) target(%arg7 : memref<5120xi32, #tpu.memory_space<vmem>>) target_semaphore(%run_scoped3A : memref<!tpu.dma_semaphore, #tpu.memory_space<semaphore_mem>>)
      %dma_wait3A = tpu.memref_slice %arg3[%add3A_17] : memref<327680xi32, #tpu.memory_space<hbm>> -> memref<5120xi32, #tpu.memory_space<hbm>>
      %dma_wait3A_36 = tpu.memref_slice %arg3[%add3A_17] : memref<327680xi32, #tpu.memory_space<hbm>> -> memref<5120xi32, #tpu.memory_space<hbm>>
      tpu.wait_dma2 semaphore(%run_scoped3A : memref<!tpu.dma_semaphore, #tpu.memory_space<semaphore_mem>>) src(%dma_wait3A_36 : memref<5120xi32, #tpu.memory_space<hbm>>) dst(%arg7 : memref<5120xi32, #tpu.memory_space<vmem>>)
      tpu.yield
    }) : () -> ()
    %dma_start3A_18 = arith.constant 0 : i32
    %dma_start3A_19 = tpu.memref_slice %arg7[%dma_start3A_18] : memref<5120xi32, #tpu.memory_space<vmem>> -> memref<128xi32, #tpu.memory_space<vmem>>
    %dma_start3A_20 = arith.constant 0 : i32
    %dma_start3A_21 = arith.constant 0 : i32
    %dma_start3A_22 = tpu.memref_slice %arg2[%dma_start3A_20, %dma_start3A_21] : memref<10000x128xf32, #tpu.memory_space<hbm>> -> memref<10000x128xf32, #tpu.memory_space<hbm>>
    tpu.enqueue_indirect_dma source(%dma_start3A_22 : memref<10000x128xf32, #tpu.memory_space<hbm>>) target(%arg9 : memref<128x128xf32, #tpu.memory_space<vmem>>) offsets(%dma_start3A_19 : memref<128xi32, #tpu.memory_space<vmem>>) semaphore(%arg12 : memref<!tpu.dma_semaphore, #tpu.memory_space<semaphore_mem>>)
    %scan3A_23 = arith.constant 0 : i32
    %scan3A_24 = arith.constant 0 : i32
    %scan3A_25 = arith.constant 20 : i32
    %scan3A_26 = arith.addi %scan3A_24, %scan3A_25 : i32
    %scan3A_27 = arith.constant 1 : i32
    scf.for %scan3A_34 = %scan3A_24 to %scan3A_26 step %scan3A_27  : i32 {
      %mul3A_35 = arith.constant 2 : i32
      %mul3A_36 = arith.muli %mul3A_35, %scan3A_34 : i32
      %add3A_37 = arith.constant 0 : i32
      %add3A_38 = arith.addi %mul3A_36, %add3A_37 : i32
      %mul3A_39 = arith.constant 128 : i32
      %mul3A_40 = arith.muli %add3A_38, %mul3A_39 : i32
      %dma_wait3A = tpu.memref_slice %arg7[%mul3A_40] : memref<5120xi32, #tpu.memory_space<vmem>> -> memref<128xi32, #tpu.memory_space<vmem>>
      %dma_wait3A_41 = arith.constant 0 : i32
      %dma_wait3A_42 = arith.constant 0 : i32
      %dma_wait3A_43 = tpu.memref_slice %arg2[%dma_wait3A_41, %dma_wait3A_42] : memref<10000x128xf32, #tpu.memory_space<hbm>> -> memref<10000x128xf32, #tpu.memory_space<hbm>>
      tpu.wait_indirect_dma semaphore(%arg12 : memref<!tpu.dma_semaphore, #tpu.memory_space<semaphore_mem>>) src(%dma_wait3A_43 : memref<10000x128xf32, #tpu.memory_space<hbm>>) dst(%arg9 : memref<128x128xf32, #tpu.memory_space<vmem>>)
      %add3A_44 = arith.constant 1 : i32
      %add3A_45 = arith.addi %add3A_38, %add3A_44 : i32
      %mul3A_46 = arith.constant 128 : i32
      %mul3A_47 = arith.muli %add3A_45, %mul3A_46 : i32
      %dma_start3A_48 = tpu.memref_slice %arg7[%mul3A_47] : memref<5120xi32, #tpu.memory_space<vmem>> -> memref<128xi32, #tpu.memory_space<vmem>>
      %dma_start3A_49 = arith.constant 0 : i32
      %dma_start3A_50 = arith.constant 0 : i32
      %dma_start3A_51 = tpu.memref_slice %arg2[%dma_start3A_49, %dma_start3A_50] : memref<10000x128xf32, #tpu.memory_space<hbm>> -> memref<10000x128xf32, #tpu.memory_space<hbm>>
      tpu.enqueue_indirect_dma source(%dma_start3A_51 : memref<10000x128xf32, #tpu.memory_space<hbm>>) target(%arg10 : memref<128x128xf32, #tpu.memory_space<vmem>>) offsets(%dma_start3A_48 : memref<128xi32, #tpu.memory_space<vmem>>) semaphore(%arg13 : memref<!tpu.dma_semaphore, #tpu.memory_space<semaphore_mem>>)
      %add3A_52 = arith.constant 40 : i32
      %add3A_53 = arith.addi %add3A_52, %add3A_38 : i32
      %run_scoped3A = arith.constant 0 : i32
      "tpu.region"() ({
        %run_scoped3A_69 = tpu.sem_alloc : memref<!tpu.dma_semaphore, #tpu.memory_space<semaphore_mem>>
        %dma_start3A_70 = arith.constant 0 : i32
        %dma_start3A_71 = tpu.memref_slice %arg8[%add3A_53, %run_scoped3A, %dma_start3A_70] : memref<80x1x128xi32, #tpu.memory_space<vmem>> -> memref<1x1x128xi32, #tpu.memory_space<vmem>>
        %dma_start3A_72 = tpu.memref_squeeze %dma_start3A_71 : memref<1x1x128xi32, #tpu.memory_space<vmem>> -> memref<128xi32, #tpu.memory_space<vmem>>
        %dma_start3A_73 = arith.constant 0 : i32
        %dma_start3A_74 = arith.constant 0 : i32
        %dma_start3A_75 = tpu.memref_slice %arg11[%dma_start3A_73, %dma_start3A_74] : memref<10112x128xf32, #tpu.memory_space<vmem_shared>> -> memref<10112x128xf32, #tpu.memory_space<vmem_shared>>
        tpu.enqueue_indirect_dma source(%arg9 : memref<128x128xf32, #tpu.memory_space<vmem>>) target(%dma_start3A_75 : memref<10112x128xf32, #tpu.memory_space<vmem_shared>>) offsets(%dma_start3A_72 : memref<128xi32, #tpu.memory_space<vmem>>) semaphore(%run_scoped3A_69 : memref<!tpu.dma_semaphore, #tpu.memory_space<semaphore_mem>>) {add = true}
        %dma_wait3A_76 = arith.constant 0 : i32
        %dma_wait3A_77 = tpu.memref_slice %arg8[%add3A_53, %run_scoped3A, %dma_wait3A_76] : memref<80x1x128xi32, #tpu.memory_space<vmem>> -> memref<1x1x128xi32, #tpu.memory_space<vmem>>
        %dma_wait3A_78 = tpu.memref_squeeze %dma_wait3A_77 : memref<1x1x128xi32, #tpu.memory_space<vmem>> -> memref<128xi32, #tpu.memory_space<vmem>>
        %dma_wait3A_79 = arith.constant 0 : i32
        %dma_wait3A_80 = arith.constant 0 : i32
        %dma_wait3A_81 = tpu.memref_slice %arg11[%dma_wait3A_79, %dma_wait3A_80] : memref<10112x128xf32, #tpu.memory_space<vmem_shared>> -> memref<10112x128xf32, #tpu.memory_space<vmem_shared>>
        tpu.wait_indirect_dma semaphore(%run_scoped3A_69 : memref<!tpu.dma_semaphore, #tpu.memory_space<semaphore_mem>>) src(%arg9 : memref<128x128xf32, #tpu.memory_space<vmem>>) dst(%dma_wait3A_81 : memref<10112x128xf32, #tpu.memory_space<vmem_shared>>)
        tpu.yield
      }) : () -> ()
      %mul3A_54 = arith.constant 2 : i32
      %mul3A_55 = arith.muli %mul3A_54, %scan3A_34 : i32
      %add3A_56 = arith.constant 1 : i32
      %add3A_57 = arith.addi %mul3A_55, %add3A_56 : i32
      %mul3A_58 = arith.constant 128 : i32
      %mul3A_59 = arith.muli %add3A_57, %mul3A_58 : i32
      %dma_wait3A_60 = tpu.memref_slice %arg7[%mul3A_59] : memref<5120xi32, #tpu.memory_space<vmem>> -> memref<128xi32, #tpu.memory_space<vmem>>
      %dma_wait3A_61 = arith.constant 0 : i32
      %dma_wait3A_62 = arith.constant 0 : i32
      %dma_wait3A_63 = tpu.memref_slice %arg2[%dma_wait3A_61, %dma_wait3A_62] : memref<10000x128xf32, #tpu.memory_space<hbm>> -> memref<10000x128xf32, #tpu.memory_space<hbm>>
      tpu.wait_indirect_dma semaphore(%arg13 : memref<!tpu.dma_semaphore, #tpu.memory_space<semaphore_mem>>) src(%dma_wait3A_63 : memref<10000x128xf32, #tpu.memory_space<hbm>>) dst(%arg10 : memref<128x128xf32, #tpu.memory_space<vmem>>)
      %ne3A = arith.constant 19 : i32
      %ne3A_64 = arith.cmpi ne, %scan3A_34, %ne3A : i32
      %convert_element_type3A = arith.extui %ne3A_64 : i1 to i32
      %cond3A = arith.constant 0 : i32
      %cond3A_65 = arith.cmpi ne, %convert_element_type3A, %cond3A : i32
      scf.if %cond3A_65 {
        %add3A_69 = arith.constant 1 : i32
        %add3A_70 = arith.addi %add3A_57, %add3A_69 : i32
        %mul3A_71 = arith.constant 128 : i32
        %mul3A_72 = arith.muli %add3A_70, %mul3A_71 : i32
        %dma_start3A_73 = tpu.memref_slice %arg7[%mul3A_72] : memref<5120xi32, #tpu.memory_space<vmem>> -> memref<128xi32, #tpu.memory_space<vmem>>
        %dma_start3A_74 = arith.constant 0 : i32
        %dma_start3A_75 = arith.constant 0 : i32
        %dma_start3A_76 = tpu.memref_slice %arg2[%dma_start3A_74, %dma_start3A_75] : memref<10000x128xf32, #tpu.memory_space<hbm>> -> memref<10000x128xf32, #tpu.memory_space<hbm>>
        tpu.enqueue_indirect_dma source(%dma_start3A_76 : memref<10000x128xf32, #tpu.memory_space<hbm>>) target(%arg9 : memref<128x128xf32, #tpu.memory_space<vmem>>) offsets(%dma_start3A_73 : memref<128xi32, #tpu.memory_space<vmem>>) semaphore(%arg12 : memref<!tpu.dma_semaphore, #tpu.memory_space<semaphore_mem>>)
      } else {
      }
      %add3A_66 = arith.constant 40 : i32
      %add3A_67 = arith.addi %add3A_66, %add3A_57 : i32
      %run_scoped3A_68 = arith.constant 0 : i32
      "tpu.region"() ({
        %run_scoped3A_69 = tpu.sem_alloc : memref<!tpu.dma_semaphore, #tpu.memory_space<semaphore_mem>>
        %dma_start3A_70 = arith.constant 0 : i32
        %dma_start3A_71 = tpu.memref_slice %arg8[%add3A_67, %run_scoped3A_68, %dma_start3A_70] : memref<80x1x128xi32, #tpu.memory_space<vmem>> -> memref<1x1x128xi32, #tpu.memory_space<vmem>>
        %dma_start3A_72 = tpu.memref_squeeze %dma_start3A_71 : memref<1x1x128xi32, #tpu.memory_space<vmem>> -> memref<128xi32, #tpu.memory_space<vmem>>
        %dma_start3A_73 = arith.constant 0 : i32
        %dma_start3A_74 = arith.constant 0 : i32
        %dma_start3A_75 = tpu.memref_slice %arg11[%dma_start3A_73, %dma_start3A_74] : memref<10112x128xf32, #tpu.memory_space<vmem_shared>> -> memref<10112x128xf32, #tpu.memory_space<vmem_shared>>
        tpu.enqueue_indirect_dma source(%arg10 : memref<128x128xf32, #tpu.memory_space<vmem>>) target(%dma_start3A_75 : memref<10112x128xf32, #tpu.memory_space<vmem_shared>>) offsets(%dma_start3A_72 : memref<128xi32, #tpu.memory_space<vmem>>) semaphore(%run_scoped3A_69 : memref<!tpu.dma_semaphore, #tpu.memory_space<semaphore_mem>>) {add = true}
        %dma_wait3A_76 = arith.constant 0 : i32
        %dma_wait3A_77 = tpu.memref_slice %arg8[%add3A_67, %run_scoped3A_68, %dma_wait3A_76] : memref<80x1x128xi32, #tpu.memory_space<vmem>> -> memref<1x1x128xi32, #tpu.memory_space<vmem>>
        %dma_wait3A_78 = tpu.memref_squeeze %dma_wait3A_77 : memref<1x1x128xi32, #tpu.memory_space<vmem>> -> memref<128xi32, #tpu.memory_space<vmem>>
        %dma_wait3A_79 = arith.constant 0 : i32
        %dma_wait3A_80 = arith.constant 0 : i32
        %dma_wait3A_81 = tpu.memref_slice %arg11[%dma_wait3A_79, %dma_wait3A_80] : memref<10112x128xf32, #tpu.memory_space<vmem_shared>> -> memref<10112x128xf32, #tpu.memory_space<vmem_shared>>
        tpu.wait_indirect_dma semaphore(%run_scoped3A_69 : memref<!tpu.dma_semaphore, #tpu.memory_space<semaphore_mem>>) src(%arg10 : memref<128x128xf32, #tpu.memory_space<vmem>>) dst(%dma_wait3A_81 : memref<10112x128xf32, #tpu.memory_space<vmem_shared>>)
        tpu.yield
      }) : () -> ()
    }
    %scan3A_28 = arith.constant 20 : i32
    %barrier3A_29 = arith.constant 0 : index
    tpu.barrier barrier_id(%barrier3A_29)
    %mul3A_30 = arith.constant 632 : i32
    %mul3A_31 = arith.muli %arg1, %mul3A_30 : i32
    %mul3A_32 = arith.constant 632 : i32
    %mul3A_33 = arith.muli %arg1, %mul3A_32 : i32
    "tpu.region"() ({
      %run_scoped3A = tpu.sem_alloc : memref<!tpu.dma_semaphore, #tpu.memory_space<semaphore_mem>>
      %dma_start3A_34 = arith.constant 0 : i32
      %dma_start3A_35 = tpu.memref_slice %arg6[%arg0, %mul3A_33, %dma_start3A_34] : memref<2x10112x128xf32, #tpu.memory_space<hbm>> -> memref<1x632x128xf32, #tpu.memory_space<hbm>>
      %dma_start3A_36 = tpu.memref_squeeze %dma_start3A_35 : memref<1x632x128xf32, #tpu.memory_space<hbm>> -> memref<632x128xf32, #tpu.memory_space<hbm>>
      %dma_start3A_37 = arith.constant 0 : i32
      %dma_start3A_38 = tpu.memref_slice %arg11[%mul3A_31, %dma_start3A_37] : memref<10112x128xf32, #tpu.memory_space<vmem_shared>> -> memref<632x128xf32, #tpu.memory_space<vmem_shared>>
      tpu.enqueue_dma source(%dma_start3A_38 : memref<632x128xf32, #tpu.memory_space<vmem_shared>>) target(%dma_start3A_36 : memref<632x128xf32, #tpu.memory_space<hbm>>) target_semaphore(%run_scoped3A : memref<!tpu.dma_semaphore, #tpu.memory_space<semaphore_mem>>)
      %dma_wait3A = arith.constant 0 : i32
      %dma_wait3A_39 = tpu.memref_slice %arg6[%arg0, %mul3A_33, %dma_wait3A] : memref<2x10112x128xf32, #tpu.memory_space<hbm>> -> memref<1x632x128xf32, #tpu.memory_space<hbm>>
      %dma_wait3A_40 = tpu.memref_squeeze %dma_wait3A_39 : memref<1x632x128xf32, #tpu.memory_space<hbm>> -> memref<632x128xf32, #tpu.memory_space<hbm>>
      %dma_wait3A_41 = arith.constant 0 : i32
      %dma_wait3A_42 = tpu.memref_slice %arg11[%mul3A_31, %dma_wait3A_41] : memref<10112x128xf32, #tpu.memory_space<vmem_shared>> -> memref<632x128xf32, #tpu.memory_space<vmem_shared>>
      tpu.wait_dma2 semaphore(%run_scoped3A : memref<!tpu.dma_semaphore, #tpu.memory_space<semaphore_mem>>) src(%dma_wait3A_42 : memref<632x128xf32, #tpu.memory_space<vmem_shared>>) dst(%dma_wait3A_40 : memref<632x128xf32, #tpu.memory_space<hbm>>)
      tpu.yield
    }) : () -> ()
    return
  }
}

#map = affine_map<(d0, d1) -> (0, 0)>
#map1 = affine_map<(d0, d1) -> (0)>
#map2 = affine_map<(d0, d1) -> (0, 0, 0, 0)>
#map3 = affine_map<(d0, d1) -> (0, 0, 0)>
module attributes {stable_mosaic.version = 14 : i64} {
  func.func @_sc_agg(%arg0: i32, %arg1: i32, %arg2: memref<10000x128xf32, #tpu.memory_space<hbm>>, %arg3: memref<327680xi32, #tpu.memory_space<hbm>>, %arg4: memref<32x80x1x128xi32, #tpu.memory_space<hbm>>, %arg5: memref<632x128xf32, #tpu.memory_space<hbm>>, %arg6: memref<2x10112x128xf32, #tpu.memory_space<hbm>>, %arg7: memref<5120xi32, #tpu.memory_space<vmem>>, %arg8: memref<80x1x128xi32, #tpu.memory_space<vmem>>, %arg9: memref<128x128xf32, #tpu.memory_space<vmem>>, %arg10: memref<128x128xf32, #tpu.memory_space<vmem>>, %arg11: memref<10112x128xf32, #tpu.memory_space<vmem_shared>>, %arg12: memref<!tpu.dma_semaphore, #tpu.memory_space<semaphore_mem>>, %arg13: memref<!tpu.dma_semaphore, #tpu.memory_space<semaphore_mem>>) attributes {dimension_semantics = [#tpu.dimension_semantics<core_parallel>, #tpu.dimension_semantics<subcore_parallel>], iteration_bounds = array<i64: 2, 16>, scalar_prefetch = 0 : i64, scratch_operands = 7 : i64, tpu.core_type = #tpu.core_type<sc_vector_subcore>, window_params = [{transform_indices = #map}, {transform_indices = #map1}, {transform_indices = #map2}, {transform_indices = #map}, {transform_indices = #map3}]} {
    %mul3A = arith.constant 16 : i32
    %mul3A_0 = arith.muli %arg0, %mul3A : i32
    %add3A = arith.addi %mul3A_0, %arg1 : i32
    %mul3A_1 = arith.constant 10240 : i32
    %mul3A_2 = arith.muli %add3A, %mul3A_1 : i32
    "tpu.region"() ({
      %run_scoped3A = tpu.sem_alloc : memref<!tpu.dma_semaphore, #tpu.memory_space<semaphore_mem>>
      %dma_start3A_34 = arith.constant 0 : i32
      %dma_start3A_35 = arith.constant 0 : i32
      %dma_start3A_36 = arith.constant 0 : i32
      %dma_start3A_37 = tpu.memref_slice %arg4[%add3A, %dma_start3A_34, %dma_start3A_35, %dma_start3A_36] : memref<32x80x1x128xi32, #tpu.memory_space<hbm>> -> memref<1x80x1x128xi32, #tpu.memory_space<hbm>>
      %dma_start3A_38 = tpu.memref_squeeze %dma_start3A_37 : memref<1x80x1x128xi32, #tpu.memory_space<hbm>> -> memref<80x1x128xi32, #tpu.memory_space<hbm>>
      %dma_start3A_39 = arith.constant 0 : i32
      %dma_start3A_40 = arith.constant 0 : i32
      %dma_start3A_41 = arith.constant 0 : i32
      %dma_start3A_42 = tpu.memref_slice %arg4[%add3A, %dma_start3A_39, %dma_start3A_40, %dma_start3A_41] : memref<32x80x1x128xi32, #tpu.memory_space<hbm>> -> memref<1x80x1x128xi32, #tpu.memory_space<hbm>>
      %dma_start3A_43 = tpu.memref_squeeze %dma_start3A_42 : memref<1x80x1x128xi32, #tpu.memory_space<hbm>> -> memref<80x1x128xi32, #tpu.memory_space<hbm>>
      tpu.enqueue_dma source(%dma_start3A_43 : memref<80x1x128xi32, #tpu.memory_space<hbm>>) target(%arg8 : memref<80x1x128xi32, #tpu.memory_space<vmem>>) target_semaphore(%run_scoped3A : memref<!tpu.dma_semaphore, #tpu.memory_space<semaphore_mem>>)
      %dma_wait3A = arith.constant 0 : i32
      %dma_wait3A_44 = arith.constant 0 : i32
      %dma_wait3A_45 = arith.constant 0 : i32
      %dma_wait3A_46 = tpu.memref_slice %arg4[%add3A, %dma_wait3A, %dma_wait3A_44, %dma_wait3A_45] : memref<32x80x1x128xi32, #tpu.memory_space<hbm>> -> memref<1x80x1x128xi32, #tpu.memory_space<hbm>>
      %dma_wait3A_47 = tpu.memref_squeeze %dma_wait3A_46 : memref<1x80x1x128xi32, #tpu.memory_space<hbm>> -> memref<80x1x128xi32, #tpu.memory_space<hbm>>
      %dma_wait3A_48 = arith.constant 0 : i32
      %dma_wait3A_49 = arith.constant 0 : i32
      %dma_wait3A_50 = arith.constant 0 : i32
      %dma_wait3A_51 = tpu.memref_slice %arg4[%add3A, %dma_wait3A_48, %dma_wait3A_49, %dma_wait3A_50] : memref<32x80x1x128xi32, #tpu.memory_space<hbm>> -> memref<1x80x1x128xi32, #tpu.memory_space<hbm>>
      %dma_wait3A_52 = tpu.memref_squeeze %dma_wait3A_51 : memref<1x80x1x128xi32, #tpu.memory_space<hbm>> -> memref<80x1x128xi32, #tpu.memory_space<hbm>>
      tpu.wait_dma2 semaphore(%run_scoped3A : memref<!tpu.dma_semaphore, #tpu.memory_space<semaphore_mem>>) src(%dma_wait3A_52 : memref<80x1x128xi32, #tpu.memory_space<hbm>>) dst(%arg8 : memref<80x1x128xi32, #tpu.memory_space<vmem>>)
      tpu.yield
    }) : () -> ()
    %mul3A_3 = arith.constant 632 : i32
    %mul3A_4 = arith.muli %arg1, %mul3A_3 : i32
    "tpu.region"() ({
      %run_scoped3A = tpu.sem_alloc : memref<!tpu.dma_semaphore, #tpu.memory_space<semaphore_mem>>
      %dma_start3A_34 = arith.constant 0 : i32
      %dma_start3A_35 = tpu.memref_slice %arg11[%mul3A_4, %dma_start3A_34] : memref<10112x128xf32, #tpu.memory_space<vmem_shared>> -> memref<632x128xf32, #tpu.memory_space<vmem_shared>>
      tpu.enqueue_dma source(%arg5 : memref<632x128xf32, #tpu.memory_space<hbm>>) target(%dma_start3A_35 : memref<632x128xf32, #tpu.memory_space<vmem_shared>>) target_semaphore(%run_scoped3A : memref<!tpu.dma_semaphore, #tpu.memory_space<semaphore_mem>>)
      %dma_wait3A = arith.constant 0 : i32
      %dma_wait3A_36 = tpu.memref_slice %arg11[%mul3A_4, %dma_wait3A] : memref<10112x128xf32, #tpu.memory_space<vmem_shared>> -> memref<632x128xf32, #tpu.memory_space<vmem_shared>>
      tpu.wait_dma2 semaphore(%run_scoped3A : memref<!tpu.dma_semaphore, #tpu.memory_space<semaphore_mem>>) src(%arg5 : memref<632x128xf32, #tpu.memory_space<hbm>>) dst(%dma_wait3A_36 : memref<632x128xf32, #tpu.memory_space<vmem_shared>>)
      tpu.yield
    }) : () -> ()
    %barrier3A = arith.constant 0 : index
    tpu.barrier barrier_id(%barrier3A)
    %add3A_5 = arith.constant 0 : i32
    %add3A_6 = arith.addi %mul3A_2, %add3A_5 : i32
    "tpu.region"() ({
      %run_scoped3A = tpu.sem_alloc : memref<!tpu.dma_semaphore, #tpu.memory_space<semaphore_mem>>
      %dma_start3A_34 = tpu.memref_slice %arg3[%add3A_6] : memref<327680xi32, #tpu.memory_space<hbm>> -> memref<5120xi32, #tpu.memory_space<hbm>>
      %dma_start3A_35 = tpu.memref_slice %arg3[%add3A_6] : memref<327680xi32, #tpu.memory_space<hbm>> -> memref<5120xi32, #tpu.memory_space<hbm>>
      tpu.enqueue_dma source(%dma_start3A_35 : memref<5120xi32, #tpu.memory_space<hbm>>) target(%arg7 : memref<5120xi32, #tpu.memory_space<vmem>>) target_semaphore(%run_scoped3A : memref<!tpu.dma_semaphore, #tpu.memory_space<semaphore_mem>>)
      %dma_wait3A = tpu.memref_slice %arg3[%add3A_6] : memref<327680xi32, #tpu.memory_space<hbm>> -> memref<5120xi32, #tpu.memory_space<hbm>>
      %dma_wait3A_36 = tpu.memref_slice %arg3[%add3A_6] : memref<327680xi32, #tpu.memory_space<hbm>> -> memref<5120xi32, #tpu.memory_space<hbm>>
      tpu.wait_dma2 semaphore(%run_scoped3A : memref<!tpu.dma_semaphore, #tpu.memory_space<semaphore_mem>>) src(%dma_wait3A_36 : memref<5120xi32, #tpu.memory_space<hbm>>) dst(%arg7 : memref<5120xi32, #tpu.memory_space<vmem>>)
      tpu.yield
    }) : () -> ()
    %dma_start3A = arith.constant 0 : i32
    %dma_start3A_7 = tpu.memref_slice %arg7[%dma_start3A] : memref<5120xi32, #tpu.memory_space<vmem>> -> memref<128xi32, #tpu.memory_space<vmem>>
    %dma_start3A_8 = arith.constant 0 : i32
    %dma_start3A_9 = arith.constant 0 : i32
    %dma_start3A_10 = tpu.memref_slice %arg2[%dma_start3A_8, %dma_start3A_9] : memref<10000x128xf32, #tpu.memory_space<hbm>> -> memref<10000x128xf32, #tpu.memory_space<hbm>>
    tpu.enqueue_indirect_dma source(%dma_start3A_10 : memref<10000x128xf32, #tpu.memory_space<hbm>>) target(%arg9 : memref<128x128xf32, #tpu.memory_space<vmem>>) offsets(%dma_start3A_7 : memref<128xi32, #tpu.memory_space<vmem>>) semaphore(%arg12 : memref<!tpu.dma_semaphore, #tpu.memory_space<semaphore_mem>>)
    %scan3A = arith.constant 0 : i32
    %scan3A_11 = arith.constant 0 : i32
    %scan3A_12 = arith.constant 20 : i32
    %scan3A_13 = arith.addi %scan3A_11, %scan3A_12 : i32
    %scan3A_14 = arith.constant 1 : i32
    scf.for %scan3A_34 = %scan3A_11 to %scan3A_13 step %scan3A_14  : i32 {
      %mul3A_35 = arith.constant 2 : i32
      %mul3A_36 = arith.muli %mul3A_35, %scan3A_34 : i32
      %add3A_37 = arith.constant 0 : i32
      %add3A_38 = arith.addi %mul3A_36, %add3A_37 : i32
      %mul3A_39 = arith.constant 128 : i32
      %mul3A_40 = arith.muli %add3A_38, %mul3A_39 : i32
      %dma_wait3A = tpu.memref_slice %arg7[%mul3A_40] : memref<5120xi32, #tpu.memory_space<vmem>> -> memref<128xi32, #tpu.memory_space<vmem>>
      %dma_wait3A_41 = arith.constant 0 : i32
      %dma_wait3A_42 = arith.constant 0 : i32
      %dma_wait3A_43 = tpu.memref_slice %arg2[%dma_wait3A_41, %dma_wait3A_42] : memref<10000x128xf32, #tpu.memory_space<hbm>> -> memref<10000x128xf32, #tpu.memory_space<hbm>>
      tpu.wait_indirect_dma semaphore(%arg12 : memref<!tpu.dma_semaphore, #tpu.memory_space<semaphore_mem>>) src(%dma_wait3A_43 : memref<10000x128xf32, #tpu.memory_space<hbm>>) dst(%arg9 : memref<128x128xf32, #tpu.memory_space<vmem>>)
      %add3A_44 = arith.constant 1 : i32
      %add3A_45 = arith.addi %add3A_38, %add3A_44 : i32
      %mul3A_46 = arith.constant 128 : i32
      %mul3A_47 = arith.muli %add3A_45, %mul3A_46 : i32
      %dma_start3A_48 = tpu.memref_slice %arg7[%mul3A_47] : memref<5120xi32, #tpu.memory_space<vmem>> -> memref<128xi32, #tpu.memory_space<vmem>>
      %dma_start3A_49 = arith.constant 0 : i32
      %dma_start3A_50 = arith.constant 0 : i32
      %dma_start3A_51 = tpu.memref_slice %arg2[%dma_start3A_49, %dma_start3A_50] : memref<10000x128xf32, #tpu.memory_space<hbm>> -> memref<10000x128xf32, #tpu.memory_space<hbm>>
      tpu.enqueue_indirect_dma source(%dma_start3A_51 : memref<10000x128xf32, #tpu.memory_space<hbm>>) target(%arg10 : memref<128x128xf32, #tpu.memory_space<vmem>>) offsets(%dma_start3A_48 : memref<128xi32, #tpu.memory_space<vmem>>) semaphore(%arg13 : memref<!tpu.dma_semaphore, #tpu.memory_space<semaphore_mem>>)
      %add3A_52 = arith.constant 0 : i32
      %add3A_53 = arith.addi %add3A_52, %add3A_38 : i32
      %run_scoped3A = arith.constant 0 : i32
      "tpu.region"() ({
        %run_scoped3A_69 = tpu.sem_alloc : memref<!tpu.dma_semaphore, #tpu.memory_space<semaphore_mem>>
        %dma_start3A_70 = arith.constant 0 : i32
        %dma_start3A_71 = tpu.memref_slice %arg8[%add3A_53, %run_scoped3A, %dma_start3A_70] : memref<80x1x128xi32, #tpu.memory_space<vmem>> -> memref<1x1x128xi32, #tpu.memory_space<vmem>>
        %dma_start3A_72 = tpu.memref_squeeze %dma_start3A_71 : memref<1x1x128xi32, #tpu.memory_space<vmem>> -> memref<128xi32, #tpu.memory_space<vmem>>
        %dma_start3A_73 = arith.constant 0 : i32
        %dma_start3A_74 = arith.constant 0 : i32
        %dma_start3A_75 = tpu.memref_slice %arg11[%dma_start3A_73, %dma_start3A_74] : memref<10112x128xf32, #tpu.memory_space<vmem_shared>> -> memref<10112x128xf32, #tpu.memory_space<vmem_shared>>
        tpu.enqueue_indirect_dma source(%arg9 : memref<128x128xf32, #tpu.memory_space<vmem>>) target(%dma_start3A_75 : memref<10112x128xf32, #tpu.memory_space<vmem_shared>>) offsets(%dma_start3A_72 : memref<128xi32, #tpu.memory_space<vmem>>) semaphore(%run_scoped3A_69 : memref<!tpu.dma_semaphore, #tpu.memory_space<semaphore_mem>>) {add = true}
        %dma_wait3A_76 = arith.constant 0 : i32
        %dma_wait3A_77 = tpu.memref_slice %arg8[%add3A_53, %run_scoped3A, %dma_wait3A_76] : memref<80x1x128xi32, #tpu.memory_space<vmem>> -> memref<1x1x128xi32, #tpu.memory_space<vmem>>
        %dma_wait3A_78 = tpu.memref_squeeze %dma_wait3A_77 : memref<1x1x128xi32, #tpu.memory_space<vmem>> -> memref<128xi32, #tpu.memory_space<vmem>>
        %dma_wait3A_79 = arith.constant 0 : i32
        %dma_wait3A_80 = arith.constant 0 : i32
        %dma_wait3A_81 = tpu.memref_slice %arg11[%dma_wait3A_79, %dma_wait3A_80] : memref<10112x128xf32, #tpu.memory_space<vmem_shared>> -> memref<10112x128xf32, #tpu.memory_space<vmem_shared>>
        tpu.wait_indirect_dma semaphore(%run_scoped3A_69 : memref<!tpu.dma_semaphore, #tpu.memory_space<semaphore_mem>>) src(%arg9 : memref<128x128xf32, #tpu.memory_space<vmem>>) dst(%dma_wait3A_81 : memref<10112x128xf32, #tpu.memory_space<vmem_shared>>)
        tpu.yield
      }) : () -> ()
      %mul3A_54 = arith.constant 2 : i32
      %mul3A_55 = arith.muli %mul3A_54, %scan3A_34 : i32
      %add3A_56 = arith.constant 1 : i32
      %add3A_57 = arith.addi %mul3A_55, %add3A_56 : i32
      %mul3A_58 = arith.constant 128 : i32
      %mul3A_59 = arith.muli %add3A_57, %mul3A_58 : i32
      %dma_wait3A_60 = tpu.memref_slice %arg7[%mul3A_59] : memref<5120xi32, #tpu.memory_space<vmem>> -> memref<128xi32, #tpu.memory_space<vmem>>
      %dma_wait3A_61 = arith.constant 0 : i32
      %dma_wait3A_62 = arith.constant 0 : i32
      %dma_wait3A_63 = tpu.memref_slice %arg2[%dma_wait3A_61, %dma_wait3A_62] : memref<10000x128xf32, #tpu.memory_space<hbm>> -> memref<10000x128xf32, #tpu.memory_space<hbm>>
      tpu.wait_indirect_dma semaphore(%arg13 : memref<!tpu.dma_semaphore, #tpu.memory_space<semaphore_mem>>) src(%dma_wait3A_63 : memref<10000x128xf32, #tpu.memory_space<hbm>>) dst(%arg10 : memref<128x128xf32, #tpu.memory_space<vmem>>)
      %ne3A = arith.constant 19 : i32
      %ne3A_64 = arith.cmpi ne, %scan3A_34, %ne3A : i32
      %convert_element_type3A = arith.extui %ne3A_64 : i1 to i32
      %cond3A = arith.constant 0 : i32
      %cond3A_65 = arith.cmpi ne, %convert_element_type3A, %cond3A : i32
      scf.if %cond3A_65 {
        %add3A_69 = arith.constant 1 : i32
        %add3A_70 = arith.addi %add3A_57, %add3A_69 : i32
        %mul3A_71 = arith.constant 128 : i32
        %mul3A_72 = arith.muli %add3A_70, %mul3A_71 : i32
        %dma_start3A_73 = tpu.memref_slice %arg7[%mul3A_72] : memref<5120xi32, #tpu.memory_space<vmem>> -> memref<128xi32, #tpu.memory_space<vmem>>
        %dma_start3A_74 = arith.constant 0 : i32
        %dma_start3A_75 = arith.constant 0 : i32
        %dma_start3A_76 = tpu.memref_slice %arg2[%dma_start3A_74, %dma_start3A_75] : memref<10000x128xf32, #tpu.memory_space<hbm>> -> memref<10000x128xf32, #tpu.memory_space<hbm>>
        tpu.enqueue_indirect_dma source(%dma_start3A_76 : memref<10000x128xf32, #tpu.memory_space<hbm>>) target(%arg9 : memref<128x128xf32, #tpu.memory_space<vmem>>) offsets(%dma_start3A_73 : memref<128xi32, #tpu.memory_space<vmem>>) semaphore(%arg12 : memref<!tpu.dma_semaphore, #tpu.memory_space<semaphore_mem>>)
      } else {
      }
      %add3A_66 = arith.constant 0 : i32
      %add3A_67 = arith.addi %add3A_66, %add3A_57 : i32
      %run_scoped3A_68 = arith.constant 0 : i32
      "tpu.region"() ({
        %run_scoped3A_69 = tpu.sem_alloc : memref<!tpu.dma_semaphore, #tpu.memory_space<semaphore_mem>>
        %dma_start3A_70 = arith.constant 0 : i32
        %dma_start3A_71 = tpu.memref_slice %arg8[%add3A_67, %run_scoped3A_68, %dma_start3A_70] : memref<80x1x128xi32, #tpu.memory_space<vmem>> -> memref<1x1x128xi32, #tpu.memory_space<vmem>>
        %dma_start3A_72 = tpu.memref_squeeze %dma_start3A_71 : memref<1x1x128xi32, #tpu.memory_space<vmem>> -> memref<128xi32, #tpu.memory_space<vmem>>
        %dma_start3A_73 = arith.constant 0 : i32
        %dma_start3A_74 = arith.constant 0 : i32
        %dma_start3A_75 = tpu.memref_slice %arg11[%dma_start3A_73, %dma_start3A_74] : memref<10112x128xf32, #tpu.memory_space<vmem_shared>> -> memref<10112x128xf32, #tpu.memory_space<vmem_shared>>
        tpu.enqueue_indirect_dma source(%arg10 : memref<128x128xf32, #tpu.memory_space<vmem>>) target(%dma_start3A_75 : memref<10112x128xf32, #tpu.memory_space<vmem_shared>>) offsets(%dma_start3A_72 : memref<128xi32, #tpu.memory_space<vmem>>) semaphore(%run_scoped3A_69 : memref<!tpu.dma_semaphore, #tpu.memory_space<semaphore_mem>>) {add = true}
        %dma_wait3A_76 = arith.constant 0 : i32
        %dma_wait3A_77 = tpu.memref_slice %arg8[%add3A_67, %run_scoped3A_68, %dma_wait3A_76] : memref<80x1x128xi32, #tpu.memory_space<vmem>> -> memref<1x1x128xi32, #tpu.memory_space<vmem>>
        %dma_wait3A_78 = tpu.memref_squeeze %dma_wait3A_77 : memref<1x1x128xi32, #tpu.memory_space<vmem>> -> memref<128xi32, #tpu.memory_space<vmem>>
        %dma_wait3A_79 = arith.constant 0 : i32
        %dma_wait3A_80 = arith.constant 0 : i32
        %dma_wait3A_81 = tpu.memref_slice %arg11[%dma_wait3A_79, %dma_wait3A_80] : memref<10112x128xf32, #tpu.memory_space<vmem_shared>> -> memref<10112x128xf32, #tpu.memory_space<vmem_shared>>
        tpu.wait_indirect_dma semaphore(%run_scoped3A_69 : memref<!tpu.dma_semaphore, #tpu.memory_space<semaphore_mem>>) src(%arg10 : memref<128x128xf32, #tpu.memory_space<vmem>>) dst(%dma_wait3A_81 : memref<10112x128xf32, #tpu.memory_space<vmem_shared>>)
        tpu.yield
      }) : () -> ()
    }
    %scan3A_15 = arith.constant 20 : i32
    %add3A_16 = arith.constant 5120 : i32
    %add3A_17 = arith.addi %mul3A_2, %add3A_16 : i32
    "tpu.region"() ({
      %run_scoped3A = tpu.sem_alloc : memref<!tpu.dma_semaphore, #tpu.memory_space<semaphore_mem>>
      %dma_start3A_34 = tpu.memref_slice %arg3[%add3A_17] : memref<327680xi32, #tpu.memory_space<hbm>> -> memref<5120xi32, #tpu.memory_space<hbm>>
      %dma_start3A_35 = tpu.memref_slice %arg3[%add3A_17] : memref<327680xi32, #tpu.memory_space<hbm>> -> memref<5120xi32, #tpu.memory_space<hbm>>
      tpu.enqueue_dma source(%dma_start3A_35 : memref<5120xi32, #tpu.memory_space<hbm>>) target(%arg7 : memref<5120xi32, #tpu.memory_space<vmem>>) target_semaphore(%run_scoped3A : memref<!tpu.dma_semaphore, #tpu.memory_space<semaphore_mem>>)
      %dma_wait3A = tpu.memref_slice %arg3[%add3A_17] : memref<327680xi32, #tpu.memory_space<hbm>> -> memref<5120xi32, #tpu.memory_space<hbm>>
      %dma_wait3A_36 = tpu.memref_slice %arg3[%add3A_17] : memref<327680xi32, #tpu.memory_space<hbm>> -> memref<5120xi32, #tpu.memory_space<hbm>>
      tpu.wait_dma2 semaphore(%run_scoped3A : memref<!tpu.dma_semaphore, #tpu.memory_space<semaphore_mem>>) src(%dma_wait3A_36 : memref<5120xi32, #tpu.memory_space<hbm>>) dst(%arg7 : memref<5120xi32, #tpu.memory_space<vmem>>)
      tpu.yield
    }) : () -> ()
    %dma_start3A_18 = arith.constant 0 : i32
    %dma_start3A_19 = tpu.memref_slice %arg7[%dma_start3A_18] : memref<5120xi32, #tpu.memory_space<vmem>> -> memref<128xi32, #tpu.memory_space<vmem>>
    %dma_start3A_20 = arith.constant 0 : i32
    %dma_start3A_21 = arith.constant 0 : i32
    %dma_start3A_22 = tpu.memref_slice %arg2[%dma_start3A_20, %dma_start3A_21] : memref<10000x128xf32, #tpu.memory_space<hbm>> -> memref<10000x128xf32, #tpu.memory_space<hbm>>
    tpu.enqueue_indirect_dma source(%dma_start3A_22 : memref<10000x128xf32, #tpu.memory_space<hbm>>) target(%arg9 : memref<128x128xf32, #tpu.memory_space<vmem>>) offsets(%dma_start3A_19 : memref<128xi32, #tpu.memory_space<vmem>>) semaphore(%arg12 : memref<!tpu.dma_semaphore, #tpu.memory_space<semaphore_mem>>)
    %scan3A_23 = arith.constant 0 : i32
    %scan3A_24 = arith.constant 0 : i32
    %scan3A_25 = arith.constant 20 : i32
    %scan3A_26 = arith.addi %scan3A_24, %scan3A_25 : i32
    %scan3A_27 = arith.constant 1 : i32
    scf.for %scan3A_34 = %scan3A_24 to %scan3A_26 step %scan3A_27  : i32 {
      %mul3A_35 = arith.constant 2 : i32
      %mul3A_36 = arith.muli %mul3A_35, %scan3A_34 : i32
      %add3A_37 = arith.constant 0 : i32
      %add3A_38 = arith.addi %mul3A_36, %add3A_37 : i32
      %mul3A_39 = arith.constant 128 : i32
      %mul3A_40 = arith.muli %add3A_38, %mul3A_39 : i32
      %dma_wait3A = tpu.memref_slice %arg7[%mul3A_40] : memref<5120xi32, #tpu.memory_space<vmem>> -> memref<128xi32, #tpu.memory_space<vmem>>
      %dma_wait3A_41 = arith.constant 0 : i32
      %dma_wait3A_42 = arith.constant 0 : i32
      %dma_wait3A_43 = tpu.memref_slice %arg2[%dma_wait3A_41, %dma_wait3A_42] : memref<10000x128xf32, #tpu.memory_space<hbm>> -> memref<10000x128xf32, #tpu.memory_space<hbm>>
      tpu.wait_indirect_dma semaphore(%arg12 : memref<!tpu.dma_semaphore, #tpu.memory_space<semaphore_mem>>) src(%dma_wait3A_43 : memref<10000x128xf32, #tpu.memory_space<hbm>>) dst(%arg9 : memref<128x128xf32, #tpu.memory_space<vmem>>)
      %add3A_44 = arith.constant 1 : i32
      %add3A_45 = arith.addi %add3A_38, %add3A_44 : i32
      %mul3A_46 = arith.constant 128 : i32
      %mul3A_47 = arith.muli %add3A_45, %mul3A_46 : i32
      %dma_start3A_48 = tpu.memref_slice %arg7[%mul3A_47] : memref<5120xi32, #tpu.memory_space<vmem>> -> memref<128xi32, #tpu.memory_space<vmem>>
      %dma_start3A_49 = arith.constant 0 : i32
      %dma_start3A_50 = arith.constant 0 : i32
      %dma_start3A_51 = tpu.memref_slice %arg2[%dma_start3A_49, %dma_start3A_50] : memref<10000x128xf32, #tpu.memory_space<hbm>> -> memref<10000x128xf32, #tpu.memory_space<hbm>>
      tpu.enqueue_indirect_dma source(%dma_start3A_51 : memref<10000x128xf32, #tpu.memory_space<hbm>>) target(%arg10 : memref<128x128xf32, #tpu.memory_space<vmem>>) offsets(%dma_start3A_48 : memref<128xi32, #tpu.memory_space<vmem>>) semaphore(%arg13 : memref<!tpu.dma_semaphore, #tpu.memory_space<semaphore_mem>>)
      %add3A_52 = arith.constant 40 : i32
      %add3A_53 = arith.addi %add3A_52, %add3A_38 : i32
      %run_scoped3A = arith.constant 0 : i32
      "tpu.region"() ({
        %run_scoped3A_69 = tpu.sem_alloc : memref<!tpu.dma_semaphore, #tpu.memory_space<semaphore_mem>>
        %dma_start3A_70 = arith.constant 0 : i32
        %dma_start3A_71 = tpu.memref_slice %arg8[%add3A_53, %run_scoped3A, %dma_start3A_70] : memref<80x1x128xi32, #tpu.memory_space<vmem>> -> memref<1x1x128xi32, #tpu.memory_space<vmem>>
        %dma_start3A_72 = tpu.memref_squeeze %dma_start3A_71 : memref<1x1x128xi32, #tpu.memory_space<vmem>> -> memref<128xi32, #tpu.memory_space<vmem>>
        %dma_start3A_73 = arith.constant 0 : i32
        %dma_start3A_74 = arith.constant 0 : i32
        %dma_start3A_75 = tpu.memref_slice %arg11[%dma_start3A_73, %dma_start3A_74] : memref<10112x128xf32, #tpu.memory_space<vmem_shared>> -> memref<10112x128xf32, #tpu.memory_space<vmem_shared>>
        tpu.enqueue_indirect_dma source(%arg9 : memref<128x128xf32, #tpu.memory_space<vmem>>) target(%dma_start3A_75 : memref<10112x128xf32, #tpu.memory_space<vmem_shared>>) offsets(%dma_start3A_72 : memref<128xi32, #tpu.memory_space<vmem>>) semaphore(%run_scoped3A_69 : memref<!tpu.dma_semaphore, #tpu.memory_space<semaphore_mem>>) {add = true}
        %dma_wait3A_76 = arith.constant 0 : i32
        %dma_wait3A_77 = tpu.memref_slice %arg8[%add3A_53, %run_scoped3A, %dma_wait3A_76] : memref<80x1x128xi32, #tpu.memory_space<vmem>> -> memref<1x1x128xi32, #tpu.memory_space<vmem>>
        %dma_wait3A_78 = tpu.memref_squeeze %dma_wait3A_77 : memref<1x1x128xi32, #tpu.memory_space<vmem>> -> memref<128xi32, #tpu.memory_space<vmem>>
        %dma_wait3A_79 = arith.constant 0 : i32
        %dma_wait3A_80 = arith.constant 0 : i32
        %dma_wait3A_81 = tpu.memref_slice %arg11[%dma_wait3A_79, %dma_wait3A_80] : memref<10112x128xf32, #tpu.memory_space<vmem_shared>> -> memref<10112x128xf32, #tpu.memory_space<vmem_shared>>
        tpu.wait_indirect_dma semaphore(%run_scoped3A_69 : memref<!tpu.dma_semaphore, #tpu.memory_space<semaphore_mem>>) src(%arg9 : memref<128x128xf32, #tpu.memory_space<vmem>>) dst(%dma_wait3A_81 : memref<10112x128xf32, #tpu.memory_space<vmem_shared>>)
        tpu.yield
      }) : () -> ()
      %mul3A_54 = arith.constant 2 : i32
      %mul3A_55 = arith.muli %mul3A_54, %scan3A_34 : i32
      %add3A_56 = arith.constant 1 : i32
      %add3A_57 = arith.addi %mul3A_55, %add3A_56 : i32
      %mul3A_58 = arith.constant 128 : i32
      %mul3A_59 = arith.muli %add3A_57, %mul3A_58 : i32
      %dma_wait3A_60 = tpu.memref_slice %arg7[%mul3A_59] : memref<5120xi32, #tpu.memory_space<vmem>> -> memref<128xi32, #tpu.memory_space<vmem>>
      %dma_wait3A_61 = arith.constant 0 : i32
      %dma_wait3A_62 = arith.constant 0 : i32
      %dma_wait3A_63 = tpu.memref_slice %arg2[%dma_wait3A_61, %dma_wait3A_62] : memref<10000x128xf32, #tpu.memory_space<hbm>> -> memref<10000x128xf32, #tpu.memory_space<hbm>>
      tpu.wait_indirect_dma semaphore(%arg13 : memref<!tpu.dma_semaphore, #tpu.memory_space<semaphore_mem>>) src(%dma_wait3A_63 : memref<10000x128xf32, #tpu.memory_space<hbm>>) dst(%arg10 : memref<128x128xf32, #tpu.memory_space<vmem>>)
      %ne3A = arith.constant 19 : i32
      %ne3A_64 = arith.cmpi ne, %scan3A_34, %ne3A : i32
      %convert_element_type3A = arith.extui %ne3A_64 : i1 to i32
      %cond3A = arith.constant 0 : i32
      %cond3A_65 = arith.cmpi ne, %convert_element_type3A, %cond3A : i32
      scf.if %cond3A_65 {
        %add3A_69 = arith.constant 1 : i32
        %add3A_70 = arith.addi %add3A_57, %add3A_69 : i32
        %mul3A_71 = arith.constant 128 : i32
        %mul3A_72 = arith.muli %add3A_70, %mul3A_71 : i32
        %dma_start3A_73 = tpu.memref_slice %arg7[%mul3A_72] : memref<5120xi32, #tpu.memory_space<vmem>> -> memref<128xi32, #tpu.memory_space<vmem>>
        %dma_start3A_74 = arith.constant 0 : i32
        %dma_start3A_75 = arith.constant 0 : i32
        %dma_start3A_76 = tpu.memref_slice %arg2[%dma_start3A_74, %dma_start3A_75] : memref<10000x128xf32, #tpu.memory_space<hbm>> -> memref<10000x128xf32, #tpu.memory_space<hbm>>
        tpu.enqueue_indirect_dma source(%dma_start3A_76 : memref<10000x128xf32, #tpu.memory_space<hbm>>) target(%arg9 : memref<128x128xf32, #tpu.memory_space<vmem>>) offsets(%dma_start3A_73 : memref<128xi32, #tpu.memory_space<vmem>>) semaphore(%arg12 : memref<!tpu.dma_semaphore, #tpu.memory_space<semaphore_mem>>)
      } else {
      }
      %add3A_66 = arith.constant 40 : i32
      %add3A_67 = arith.addi %add3A_66, %add3A_57 : i32
      %run_scoped3A_68 = arith.constant 0 : i32
      "tpu.region"() ({
        %run_scoped3A_69 = tpu.sem_alloc : memref<!tpu.dma_semaphore, #tpu.memory_space<semaphore_mem>>
        %dma_start3A_70 = arith.constant 0 : i32
        %dma_start3A_71 = tpu.memref_slice %arg8[%add3A_67, %run_scoped3A_68, %dma_start3A_70] : memref<80x1x128xi32, #tpu.memory_space<vmem>> -> memref<1x1x128xi32, #tpu.memory_space<vmem>>
        %dma_start3A_72 = tpu.memref_squeeze %dma_start3A_71 : memref<1x1x128xi32, #tpu.memory_space<vmem>> -> memref<128xi32, #tpu.memory_space<vmem>>
        %dma_start3A_73 = arith.constant 0 : i32
        %dma_start3A_74 = arith.constant 0 : i32
        %dma_start3A_75 = tpu.memref_slice %arg11[%dma_start3A_73, %dma_start3A_74] : memref<10112x128xf32, #tpu.memory_space<vmem_shared>> -> memref<10112x128xf32, #tpu.memory_space<vmem_shared>>
        tpu.enqueue_indirect_dma source(%arg10 : memref<128x128xf32, #tpu.memory_space<vmem>>) target(%dma_start3A_75 : memref<10112x128xf32, #tpu.memory_space<vmem_shared>>) offsets(%dma_start3A_72 : memref<128xi32, #tpu.memory_space<vmem>>) semaphore(%run_scoped3A_69 : memref<!tpu.dma_semaphore, #tpu.memory_space<semaphore_mem>>) {add = true}
        %dma_wait3A_76 = arith.constant 0 : i32
        %dma_wait3A_77 = tpu.memref_slice %arg8[%add3A_67, %run_scoped3A_68, %dma_wait3A_76] : memref<80x1x128xi32, #tpu.memory_space<vmem>> -> memref<1x1x128xi32, #tpu.memory_space<vmem>>
        %dma_wait3A_78 = tpu.memref_squeeze %dma_wait3A_77 : memref<1x1x128xi32, #tpu.memory_space<vmem>> -> memref<128xi32, #tpu.memory_space<vmem>>
        %dma_wait3A_79 = arith.constant 0 : i32
        %dma_wait3A_80 = arith.constant 0 : i32
        %dma_wait3A_81 = tpu.memref_slice %arg11[%dma_wait3A_79, %dma_wait3A_80] : memref<10112x128xf32, #tpu.memory_space<vmem_shared>> -> memref<10112x128xf32, #tpu.memory_space<vmem_shared>>
        tpu.wait_indirect_dma semaphore(%run_scoped3A_69 : memref<!tpu.dma_semaphore, #tpu.memory_space<semaphore_mem>>) src(%arg10 : memref<128x128xf32, #tpu.memory_space<vmem>>) dst(%dma_wait3A_81 : memref<10112x128xf32, #tpu.memory_space<vmem_shared>>)
        tpu.yield
      }) : () -> ()
    }
    %scan3A_28 = arith.constant 20 : i32
    %barrier3A_29 = arith.constant 0 : index
    tpu.barrier barrier_id(%barrier3A_29)
    %mul3A_30 = arith.constant 632 : i32
    %mul3A_31 = arith.muli %arg1, %mul3A_30 : i32
    %mul3A_32 = arith.constant 632 : i32
    %mul3A_33 = arith.muli %arg1, %mul3A_32 : i32
    "tpu.region"() ({
      %run_scoped3A = tpu.sem_alloc : memref<!tpu.dma_semaphore, #tpu.memory_space<semaphore_mem>>
      %dma_start3A_34 = arith.constant 0 : i32
      %dma_start3A_35 = tpu.memref_slice %arg6[%arg0, %mul3A_33, %dma_start3A_34] : memref<2x10112x128xf32, #tpu.memory_space<hbm>> -> memref<1x632x128xf32, #tpu.memory_space<hbm>>
      %dma_start3A_36 = tpu.memref_squeeze %dma_start3A_35 : memref<1x632x128xf32, #tpu.memory_space<hbm>> -> memref<632x128xf32, #tpu.memory_space<hbm>>
      %dma_start3A_37 = arith.constant 0 : i32
      %dma_start3A_38 = tpu.memref_slice %arg11[%mul3A_31, %dma_start3A_37] : memref<10112x128xf32, #tpu.memory_space<vmem_shared>> -> memref<632x128xf32, #tpu.memory_space<vmem_shared>>
      tpu.enqueue_dma source(%dma_start3A_38 : memref<632x128xf32, #tpu.memory_space<vmem_shared>>) target(%dma_start3A_36 : memref<632x128xf32, #tpu.memory_space<hbm>>) target_semaphore(%run_scoped3A : memref<!tpu.dma_semaphore, #tpu.memory_space<semaphore_mem>>)
      %dma_wait3A = arith.constant 0 : i32
      %dma_wait3A_39 = tpu.memref_slice %arg6[%arg0, %mul3A_33, %dma_wait3A] : memref<2x10112x128xf32, #tpu.memory_space<hbm>> -> memref<1x632x128xf32, #tpu.memory_space<hbm>>
      %dma_wait3A_40 = tpu.memref_squeeze %dma_wait3A_39 : memref<1x632x128xf32, #tpu.memory_space<hbm>> -> memref<632x128xf32, #tpu.memory_space<hbm>>
      %dma_wait3A_41 = arith.constant 0 : i32
      %dma_wait3A_42 = tpu.memref_slice %arg11[%mul3A_31, %dma_wait3A_41] : memref<10112x128xf32, #tpu.memory_space<vmem_shared>> -> memref<632x128xf32, #tpu.memory_space<vmem_shared>>
      tpu.wait_dma2 semaphore(%run_scoped3A : memref<!tpu.dma_semaphore, #tpu.memory_space<semaphore_mem>>) src(%dma_wait3A_42 : memref<632x128xf32, #tpu.memory_space<vmem_shared>>) dst(%dma_wait3A_40 : memref<632x128xf32, #tpu.memory_space<hbm>>)
      tpu.yield
    }) : () -> ()
    return
  }
}

#map = affine_map<(d0, d1) -> (0, 0)>
#map1 = affine_map<(d0, d1) -> (0)>
#map2 = affine_map<(d0, d1) -> (0, 0, 0, 0)>
#map3 = affine_map<(d0, d1) -> (0, 0, 0)>
module attributes {stable_mosaic.version = 14 : i64} {
  func.func @_sc_agg(%arg0: i32, %arg1: i32, %arg2: memref<10000x128xf32, #tpu.memory_space<hbm>>, %arg3: memref<327680xi32, #tpu.memory_space<hbm>>, %arg4: memref<32x80x1x128xi32, #tpu.memory_space<hbm>>, %arg5: memref<632x128xf32, #tpu.memory_space<hbm>>, %arg6: memref<2x10112x128xf32, #tpu.memory_space<hbm>>, %arg7: memref<5120xi32, #tpu.memory_space<vmem>>, %arg8: memref<80x1x128xi32, #tpu.memory_space<vmem>>, %arg9: memref<128x128xf32, #tpu.memory_space<vmem>>, %arg10: memref<128x128xf32, #tpu.memory_space<vmem>>, %arg11: memref<10112x128xf32, #tpu.memory_space<vmem_shared>>, %arg12: memref<!tpu.dma_semaphore, #tpu.memory_space<semaphore_mem>>, %arg13: memref<!tpu.dma_semaphore, #tpu.memory_space<semaphore_mem>>) attributes {dimension_semantics = [#tpu.dimension_semantics<core_parallel>, #tpu.dimension_semantics<subcore_parallel>], iteration_bounds = array<i64: 2, 16>, scalar_prefetch = 0 : i64, scratch_operands = 7 : i64, tpu.core_type = #tpu.core_type<sc_vector_subcore>, window_params = [{transform_indices = #map}, {transform_indices = #map1}, {transform_indices = #map2}, {transform_indices = #map}, {transform_indices = #map3}]} {
    %mul3A = arith.constant 16 : i32
    %mul3A_0 = arith.muli %arg0, %mul3A : i32
    %add3A = arith.addi %mul3A_0, %arg1 : i32
    %mul3A_1 = arith.constant 10240 : i32
    %mul3A_2 = arith.muli %add3A, %mul3A_1 : i32
    "tpu.region"() ({
      %run_scoped3A = tpu.sem_alloc : memref<!tpu.dma_semaphore, #tpu.memory_space<semaphore_mem>>
      %dma_start3A_34 = arith.constant 0 : i32
      %dma_start3A_35 = arith.constant 0 : i32
      %dma_start3A_36 = arith.constant 0 : i32
      %dma_start3A_37 = tpu.memref_slice %arg4[%add3A, %dma_start3A_34, %dma_start3A_35, %dma_start3A_36] : memref<32x80x1x128xi32, #tpu.memory_space<hbm>> -> memref<1x80x1x128xi32, #tpu.memory_space<hbm>>
      %dma_start3A_38 = tpu.memref_squeeze %dma_start3A_37 : memref<1x80x1x128xi32, #tpu.memory_space<hbm>> -> memref<80x1x128xi32, #tpu.memory_space<hbm>>
      %dma_start3A_39 = arith.constant 0 : i32
      %dma_start3A_40 = arith.constant 0 : i32
      %dma_start3A_41 = arith.constant 0 : i32
      %dma_start3A_42 = tpu.memref_slice %arg4[%add3A, %dma_start3A_39, %dma_start3A_40, %dma_start3A_41] : memref<32x80x1x128xi32, #tpu.memory_space<hbm>> -> memref<1x80x1x128xi32, #tpu.memory_space<hbm>>
      %dma_start3A_43 = tpu.memref_squeeze %dma_start3A_42 : memref<1x80x1x128xi32, #tpu.memory_space<hbm>> -> memref<80x1x128xi32, #tpu.memory_space<hbm>>
      tpu.enqueue_dma source(%dma_start3A_43 : memref<80x1x128xi32, #tpu.memory_space<hbm>>) target(%arg8 : memref<80x1x128xi32, #tpu.memory_space<vmem>>) target_semaphore(%run_scoped3A : memref<!tpu.dma_semaphore, #tpu.memory_space<semaphore_mem>>)
      %dma_wait3A = arith.constant 0 : i32
      %dma_wait3A_44 = arith.constant 0 : i32
      %dma_wait3A_45 = arith.constant 0 : i32
      %dma_wait3A_46 = tpu.memref_slice %arg4[%add3A, %dma_wait3A, %dma_wait3A_44, %dma_wait3A_45] : memref<32x80x1x128xi32, #tpu.memory_space<hbm>> -> memref<1x80x1x128xi32, #tpu.memory_space<hbm>>
      %dma_wait3A_47 = tpu.memref_squeeze %dma_wait3A_46 : memref<1x80x1x128xi32, #tpu.memory_space<hbm>> -> memref<80x1x128xi32, #tpu.memory_space<hbm>>
      %dma_wait3A_48 = arith.constant 0 : i32
      %dma_wait3A_49 = arith.constant 0 : i32
      %dma_wait3A_50 = arith.constant 0 : i32
      %dma_wait3A_51 = tpu.memref_slice %arg4[%add3A, %dma_wait3A_48, %dma_wait3A_49, %dma_wait3A_50] : memref<32x80x1x128xi32, #tpu.memory_space<hbm>> -> memref<1x80x1x128xi32, #tpu.memory_space<hbm>>
      %dma_wait3A_52 = tpu.memref_squeeze %dma_wait3A_51 : memref<1x80x1x128xi32, #tpu.memory_space<hbm>> -> memref<80x1x128xi32, #tpu.memory_space<hbm>>
      tpu.wait_dma2 semaphore(%run_scoped3A : memref<!tpu.dma_semaphore, #tpu.memory_space<semaphore_mem>>) src(%dma_wait3A_52 : memref<80x1x128xi32, #tpu.memory_space<hbm>>) dst(%arg8 : memref<80x1x128xi32, #tpu.memory_space<vmem>>)
      tpu.yield
    }) : () -> ()
    %mul3A_3 = arith.constant 632 : i32
    %mul3A_4 = arith.muli %arg1, %mul3A_3 : i32
    "tpu.region"() ({
      %run_scoped3A = tpu.sem_alloc : memref<!tpu.dma_semaphore, #tpu.memory_space<semaphore_mem>>
      %dma_start3A_34 = arith.constant 0 : i32
      %dma_start3A_35 = tpu.memref_slice %arg11[%mul3A_4, %dma_start3A_34] : memref<10112x128xf32, #tpu.memory_space<vmem_shared>> -> memref<632x128xf32, #tpu.memory_space<vmem_shared>>
      tpu.enqueue_dma source(%arg5 : memref<632x128xf32, #tpu.memory_space<hbm>>) target(%dma_start3A_35 : memref<632x128xf32, #tpu.memory_space<vmem_shared>>) target_semaphore(%run_scoped3A : memref<!tpu.dma_semaphore, #tpu.memory_space<semaphore_mem>>)
      %dma_wait3A = arith.constant 0 : i32
      %dma_wait3A_36 = tpu.memref_slice %arg11[%mul3A_4, %dma_wait3A] : memref<10112x128xf32, #tpu.memory_space<vmem_shared>> -> memref<632x128xf32, #tpu.memory_space<vmem_shared>>
      tpu.wait_dma2 semaphore(%run_scoped3A : memref<!tpu.dma_semaphore, #tpu.memory_space<semaphore_mem>>) src(%arg5 : memref<632x128xf32, #tpu.memory_space<hbm>>) dst(%dma_wait3A_36 : memref<632x128xf32, #tpu.memory_space<vmem_shared>>)
      tpu.yield
    }) : () -> ()
    %barrier3A = arith.constant 0 : index
    tpu.barrier barrier_id(%barrier3A)
    %add3A_5 = arith.constant 0 : i32
    %add3A_6 = arith.addi %mul3A_2, %add3A_5 : i32
    "tpu.region"() ({
      %run_scoped3A = tpu.sem_alloc : memref<!tpu.dma_semaphore, #tpu.memory_space<semaphore_mem>>
      %dma_start3A_34 = tpu.memref_slice %arg3[%add3A_6] : memref<327680xi32, #tpu.memory_space<hbm>> -> memref<5120xi32, #tpu.memory_space<hbm>>
      %dma_start3A_35 = tpu.memref_slice %arg3[%add3A_6] : memref<327680xi32, #tpu.memory_space<hbm>> -> memref<5120xi32, #tpu.memory_space<hbm>>
      tpu.enqueue_dma source(%dma_start3A_35 : memref<5120xi32, #tpu.memory_space<hbm>>) target(%arg7 : memref<5120xi32, #tpu.memory_space<vmem>>) target_semaphore(%run_scoped3A : memref<!tpu.dma_semaphore, #tpu.memory_space<semaphore_mem>>)
      %dma_wait3A = tpu.memref_slice %arg3[%add3A_6] : memref<327680xi32, #tpu.memory_space<hbm>> -> memref<5120xi32, #tpu.memory_space<hbm>>
      %dma_wait3A_36 = tpu.memref_slice %arg3[%add3A_6] : memref<327680xi32, #tpu.memory_space<hbm>> -> memref<5120xi32, #tpu.memory_space<hbm>>
      tpu.wait_dma2 semaphore(%run_scoped3A : memref<!tpu.dma_semaphore, #tpu.memory_space<semaphore_mem>>) src(%dma_wait3A_36 : memref<5120xi32, #tpu.memory_space<hbm>>) dst(%arg7 : memref<5120xi32, #tpu.memory_space<vmem>>)
      tpu.yield
    }) : () -> ()
    %dma_start3A = arith.constant 0 : i32
    %dma_start3A_7 = tpu.memref_slice %arg7[%dma_start3A] : memref<5120xi32, #tpu.memory_space<vmem>> -> memref<128xi32, #tpu.memory_space<vmem>>
    %dma_start3A_8 = arith.constant 0 : i32
    %dma_start3A_9 = arith.constant 0 : i32
    %dma_start3A_10 = tpu.memref_slice %arg2[%dma_start3A_8, %dma_start3A_9] : memref<10000x128xf32, #tpu.memory_space<hbm>> -> memref<10000x128xf32, #tpu.memory_space<hbm>>
    tpu.enqueue_indirect_dma source(%dma_start3A_10 : memref<10000x128xf32, #tpu.memory_space<hbm>>) target(%arg9 : memref<128x128xf32, #tpu.memory_space<vmem>>) offsets(%dma_start3A_7 : memref<128xi32, #tpu.memory_space<vmem>>) semaphore(%arg12 : memref<!tpu.dma_semaphore, #tpu.memory_space<semaphore_mem>>)
    %scan3A = arith.constant 0 : i32
    %scan3A_11 = arith.constant 0 : i32
    %scan3A_12 = arith.constant 20 : i32
    %scan3A_13 = arith.addi %scan3A_11, %scan3A_12 : i32
    %scan3A_14 = arith.constant 1 : i32
    scf.for %scan3A_34 = %scan3A_11 to %scan3A_13 step %scan3A_14  : i32 {
      %mul3A_35 = arith.constant 2 : i32
      %mul3A_36 = arith.muli %mul3A_35, %scan3A_34 : i32
      %add3A_37 = arith.constant 0 : i32
      %add3A_38 = arith.addi %mul3A_36, %add3A_37 : i32
      %mul3A_39 = arith.constant 128 : i32
      %mul3A_40 = arith.muli %add3A_38, %mul3A_39 : i32
      %dma_wait3A = tpu.memref_slice %arg7[%mul3A_40] : memref<5120xi32, #tpu.memory_space<vmem>> -> memref<128xi32, #tpu.memory_space<vmem>>
      %dma_wait3A_41 = arith.constant 0 : i32
      %dma_wait3A_42 = arith.constant 0 : i32
      %dma_wait3A_43 = tpu.memref_slice %arg2[%dma_wait3A_41, %dma_wait3A_42] : memref<10000x128xf32, #tpu.memory_space<hbm>> -> memref<10000x128xf32, #tpu.memory_space<hbm>>
      tpu.wait_indirect_dma semaphore(%arg12 : memref<!tpu.dma_semaphore, #tpu.memory_space<semaphore_mem>>) src(%dma_wait3A_43 : memref<10000x128xf32, #tpu.memory_space<hbm>>) dst(%arg9 : memref<128x128xf32, #tpu.memory_space<vmem>>)
      %add3A_44 = arith.constant 1 : i32
      %add3A_45 = arith.addi %add3A_38, %add3A_44 : i32
      %mul3A_46 = arith.constant 128 : i32
      %mul3A_47 = arith.muli %add3A_45, %mul3A_46 : i32
      %dma_start3A_48 = tpu.memref_slice %arg7[%mul3A_47] : memref<5120xi32, #tpu.memory_space<vmem>> -> memref<128xi32, #tpu.memory_space<vmem>>
      %dma_start3A_49 = arith.constant 0 : i32
      %dma_start3A_50 = arith.constant 0 : i32
      %dma_start3A_51 = tpu.memref_slice %arg2[%dma_start3A_49, %dma_start3A_50] : memref<10000x128xf32, #tpu.memory_space<hbm>> -> memref<10000x128xf32, #tpu.memory_space<hbm>>
      tpu.enqueue_indirect_dma source(%dma_start3A_51 : memref<10000x128xf32, #tpu.memory_space<hbm>>) target(%arg10 : memref<128x128xf32, #tpu.memory_space<vmem>>) offsets(%dma_start3A_48 : memref<128xi32, #tpu.memory_space<vmem>>) semaphore(%arg13 : memref<!tpu.dma_semaphore, #tpu.memory_space<semaphore_mem>>)
      %add3A_52 = arith.constant 0 : i32
      %add3A_53 = arith.addi %add3A_52, %add3A_38 : i32
      %run_scoped3A = arith.constant 0 : i32
      "tpu.region"() ({
        %run_scoped3A_69 = tpu.sem_alloc : memref<!tpu.dma_semaphore, #tpu.memory_space<semaphore_mem>>
        %dma_start3A_70 = arith.constant 0 : i32
        %dma_start3A_71 = tpu.memref_slice %arg8[%add3A_53, %run_scoped3A, %dma_start3A_70] : memref<80x1x128xi32, #tpu.memory_space<vmem>> -> memref<1x1x128xi32, #tpu.memory_space<vmem>>
        %dma_start3A_72 = tpu.memref_squeeze %dma_start3A_71 : memref<1x1x128xi32, #tpu.memory_space<vmem>> -> memref<128xi32, #tpu.memory_space<vmem>>
        %dma_start3A_73 = arith.constant 0 : i32
        %dma_start3A_74 = arith.constant 0 : i32
        %dma_start3A_75 = tpu.memref_slice %arg11[%dma_start3A_73, %dma_start3A_74] : memref<10112x128xf32, #tpu.memory_space<vmem_shared>> -> memref<10112x128xf32, #tpu.memory_space<vmem_shared>>
        tpu.enqueue_indirect_dma source(%arg9 : memref<128x128xf32, #tpu.memory_space<vmem>>) target(%dma_start3A_75 : memref<10112x128xf32, #tpu.memory_space<vmem_shared>>) offsets(%dma_start3A_72 : memref<128xi32, #tpu.memory_space<vmem>>) semaphore(%run_scoped3A_69 : memref<!tpu.dma_semaphore, #tpu.memory_space<semaphore_mem>>) {add = true}
        %dma_wait3A_76 = arith.constant 0 : i32
        %dma_wait3A_77 = tpu.memref_slice %arg8[%add3A_53, %run_scoped3A, %dma_wait3A_76] : memref<80x1x128xi32, #tpu.memory_space<vmem>> -> memref<1x1x128xi32, #tpu.memory_space<vmem>>
        %dma_wait3A_78 = tpu.memref_squeeze %dma_wait3A_77 : memref<1x1x128xi32, #tpu.memory_space<vmem>> -> memref<128xi32, #tpu.memory_space<vmem>>
        %dma_wait3A_79 = arith.constant 0 : i32
        %dma_wait3A_80 = arith.constant 0 : i32
        %dma_wait3A_81 = tpu.memref_slice %arg11[%dma_wait3A_79, %dma_wait3A_80] : memref<10112x128xf32, #tpu.memory_space<vmem_shared>> -> memref<10112x128xf32, #tpu.memory_space<vmem_shared>>
        tpu.wait_indirect_dma semaphore(%run_scoped3A_69 : memref<!tpu.dma_semaphore, #tpu.memory_space<semaphore_mem>>) src(%arg9 : memref<128x128xf32, #tpu.memory_space<vmem>>) dst(%dma_wait3A_81 : memref<10112x128xf32, #tpu.memory_space<vmem_shared>>)
        tpu.yield
      }) : () -> ()
      %mul3A_54 = arith.constant 2 : i32
      %mul3A_55 = arith.muli %mul3A_54, %scan3A_34 : i32
      %add3A_56 = arith.constant 1 : i32
      %add3A_57 = arith.addi %mul3A_55, %add3A_56 : i32
      %mul3A_58 = arith.constant 128 : i32
      %mul3A_59 = arith.muli %add3A_57, %mul3A_58 : i32
      %dma_wait3A_60 = tpu.memref_slice %arg7[%mul3A_59] : memref<5120xi32, #tpu.memory_space<vmem>> -> memref<128xi32, #tpu.memory_space<vmem>>
      %dma_wait3A_61 = arith.constant 0 : i32
      %dma_wait3A_62 = arith.constant 0 : i32
      %dma_wait3A_63 = tpu.memref_slice %arg2[%dma_wait3A_61, %dma_wait3A_62] : memref<10000x128xf32, #tpu.memory_space<hbm>> -> memref<10000x128xf32, #tpu.memory_space<hbm>>
      tpu.wait_indirect_dma semaphore(%arg13 : memref<!tpu.dma_semaphore, #tpu.memory_space<semaphore_mem>>) src(%dma_wait3A_63 : memref<10000x128xf32, #tpu.memory_space<hbm>>) dst(%arg10 : memref<128x128xf32, #tpu.memory_space<vmem>>)
      %ne3A = arith.constant 19 : i32
      %ne3A_64 = arith.cmpi ne, %scan3A_34, %ne3A : i32
      %convert_element_type3A = arith.extui %ne3A_64 : i1 to i32
      %cond3A = arith.constant 0 : i32
      %cond3A_65 = arith.cmpi ne, %convert_element_type3A, %cond3A : i32
      scf.if %cond3A_65 {
        %add3A_69 = arith.constant 1 : i32
        %add3A_70 = arith.addi %add3A_57, %add3A_69 : i32
        %mul3A_71 = arith.constant 128 : i32
        %mul3A_72 = arith.muli %add3A_70, %mul3A_71 : i32
        %dma_start3A_73 = tpu.memref_slice %arg7[%mul3A_72] : memref<5120xi32, #tpu.memory_space<vmem>> -> memref<128xi32, #tpu.memory_space<vmem>>
        %dma_start3A_74 = arith.constant 0 : i32
        %dma_start3A_75 = arith.constant 0 : i32
        %dma_start3A_76 = tpu.memref_slice %arg2[%dma_start3A_74, %dma_start3A_75] : memref<10000x128xf32, #tpu.memory_space<hbm>> -> memref<10000x128xf32, #tpu.memory_space<hbm>>
        tpu.enqueue_indirect_dma source(%dma_start3A_76 : memref<10000x128xf32, #tpu.memory_space<hbm>>) target(%arg9 : memref<128x128xf32, #tpu.memory_space<vmem>>) offsets(%dma_start3A_73 : memref<128xi32, #tpu.memory_space<vmem>>) semaphore(%arg12 : memref<!tpu.dma_semaphore, #tpu.memory_space<semaphore_mem>>)
      } else {
      }
      %add3A_66 = arith.constant 0 : i32
      %add3A_67 = arith.addi %add3A_66, %add3A_57 : i32
      %run_scoped3A_68 = arith.constant 0 : i32
      "tpu.region"() ({
        %run_scoped3A_69 = tpu.sem_alloc : memref<!tpu.dma_semaphore, #tpu.memory_space<semaphore_mem>>
        %dma_start3A_70 = arith.constant 0 : i32
        %dma_start3A_71 = tpu.memref_slice %arg8[%add3A_67, %run_scoped3A_68, %dma_start3A_70] : memref<80x1x128xi32, #tpu.memory_space<vmem>> -> memref<1x1x128xi32, #tpu.memory_space<vmem>>
        %dma_start3A_72 = tpu.memref_squeeze %dma_start3A_71 : memref<1x1x128xi32, #tpu.memory_space<vmem>> -> memref<128xi32, #tpu.memory_space<vmem>>
        %dma_start3A_73 = arith.constant 0 : i32
        %dma_start3A_74 = arith.constant 0 : i32
        %dma_start3A_75 = tpu.memref_slice %arg11[%dma_start3A_73, %dma_start3A_74] : memref<10112x128xf32, #tpu.memory_space<vmem_shared>> -> memref<10112x128xf32, #tpu.memory_space<vmem_shared>>
        tpu.enqueue_indirect_dma source(%arg10 : memref<128x128xf32, #tpu.memory_space<vmem>>) target(%dma_start3A_75 : memref<10112x128xf32, #tpu.memory_space<vmem_shared>>) offsets(%dma_start3A_72 : memref<128xi32, #tpu.memory_space<vmem>>) semaphore(%run_scoped3A_69 : memref<!tpu.dma_semaphore, #tpu.memory_space<semaphore_mem>>) {add = true}
        %dma_wait3A_76 = arith.constant 0 : i32
        %dma_wait3A_77 = tpu.memref_slice %arg8[%add3A_67, %run_scoped3A_68, %dma_wait3A_76] : memref<80x1x128xi32, #tpu.memory_space<vmem>> -> memref<1x1x128xi32, #tpu.memory_space<vmem>>
        %dma_wait3A_78 = tpu.memref_squeeze %dma_wait3A_77 : memref<1x1x128xi32, #tpu.memory_space<vmem>> -> memref<128xi32, #tpu.memory_space<vmem>>
        %dma_wait3A_79 = arith.constant 0 : i32
        %dma_wait3A_80 = arith.constant 0 : i32
        %dma_wait3A_81 = tpu.memref_slice %arg11[%dma_wait3A_79, %dma_wait3A_80] : memref<10112x128xf32, #tpu.memory_space<vmem_shared>> -> memref<10112x128xf32, #tpu.memory_space<vmem_shared>>
        tpu.wait_indirect_dma semaphore(%run_scoped3A_69 : memref<!tpu.dma_semaphore, #tpu.memory_space<semaphore_mem>>) src(%arg10 : memref<128x128xf32, #tpu.memory_space<vmem>>) dst(%dma_wait3A_81 : memref<10112x128xf32, #tpu.memory_space<vmem_shared>>)
        tpu.yield
      }) : () -> ()
    }
    %scan3A_15 = arith.constant 20 : i32
    %add3A_16 = arith.constant 5120 : i32
    %add3A_17 = arith.addi %mul3A_2, %add3A_16 : i32
    "tpu.region"() ({
      %run_scoped3A = tpu.sem_alloc : memref<!tpu.dma_semaphore, #tpu.memory_space<semaphore_mem>>
      %dma_start3A_34 = tpu.memref_slice %arg3[%add3A_17] : memref<327680xi32, #tpu.memory_space<hbm>> -> memref<5120xi32, #tpu.memory_space<hbm>>
      %dma_start3A_35 = tpu.memref_slice %arg3[%add3A_17] : memref<327680xi32, #tpu.memory_space<hbm>> -> memref<5120xi32, #tpu.memory_space<hbm>>
      tpu.enqueue_dma source(%dma_start3A_35 : memref<5120xi32, #tpu.memory_space<hbm>>) target(%arg7 : memref<5120xi32, #tpu.memory_space<vmem>>) target_semaphore(%run_scoped3A : memref<!tpu.dma_semaphore, #tpu.memory_space<semaphore_mem>>)
      %dma_wait3A = tpu.memref_slice %arg3[%add3A_17] : memref<327680xi32, #tpu.memory_space<hbm>> -> memref<5120xi32, #tpu.memory_space<hbm>>
      %dma_wait3A_36 = tpu.memref_slice %arg3[%add3A_17] : memref<327680xi32, #tpu.memory_space<hbm>> -> memref<5120xi32, #tpu.memory_space<hbm>>
      tpu.wait_dma2 semaphore(%run_scoped3A : memref<!tpu.dma_semaphore, #tpu.memory_space<semaphore_mem>>) src(%dma_wait3A_36 : memref<5120xi32, #tpu.memory_space<hbm>>) dst(%arg7 : memref<5120xi32, #tpu.memory_space<vmem>>)
      tpu.yield
    }) : () -> ()
    %dma_start3A_18 = arith.constant 0 : i32
    %dma_start3A_19 = tpu.memref_slice %arg7[%dma_start3A_18] : memref<5120xi32, #tpu.memory_space<vmem>> -> memref<128xi32, #tpu.memory_space<vmem>>
    %dma_start3A_20 = arith.constant 0 : i32
    %dma_start3A_21 = arith.constant 0 : i32
    %dma_start3A_22 = tpu.memref_slice %arg2[%dma_start3A_20, %dma_start3A_21] : memref<10000x128xf32, #tpu.memory_space<hbm>> -> memref<10000x128xf32, #tpu.memory_space<hbm>>
    tpu.enqueue_indirect_dma source(%dma_start3A_22 : memref<10000x128xf32, #tpu.memory_space<hbm>>) target(%arg9 : memref<128x128xf32, #tpu.memory_space<vmem>>) offsets(%dma_start3A_19 : memref<128xi32, #tpu.memory_space<vmem>>) semaphore(%arg12 : memref<!tpu.dma_semaphore, #tpu.memory_space<semaphore_mem>>)
    %scan3A_23 = arith.constant 0 : i32
    %scan3A_24 = arith.constant 0 : i32
    %scan3A_25 = arith.constant 20 : i32
    %scan3A_26 = arith.addi %scan3A_24, %scan3A_25 : i32
    %scan3A_27 = arith.constant 1 : i32
    scf.for %scan3A_34 = %scan3A_24 to %scan3A_26 step %scan3A_27  : i32 {
      %mul3A_35 = arith.constant 2 : i32
      %mul3A_36 = arith.muli %mul3A_35, %scan3A_34 : i32
      %add3A_37 = arith.constant 0 : i32
      %add3A_38 = arith.addi %mul3A_36, %add3A_37 : i32
      %mul3A_39 = arith.constant 128 : i32
      %mul3A_40 = arith.muli %add3A_38, %mul3A_39 : i32
      %dma_wait3A = tpu.memref_slice %arg7[%mul3A_40] : memref<5120xi32, #tpu.memory_space<vmem>> -> memref<128xi32, #tpu.memory_space<vmem>>
      %dma_wait3A_41 = arith.constant 0 : i32
      %dma_wait3A_42 = arith.constant 0 : i32
      %dma_wait3A_43 = tpu.memref_slice %arg2[%dma_wait3A_41, %dma_wait3A_42] : memref<10000x128xf32, #tpu.memory_space<hbm>> -> memref<10000x128xf32, #tpu.memory_space<hbm>>
      tpu.wait_indirect_dma semaphore(%arg12 : memref<!tpu.dma_semaphore, #tpu.memory_space<semaphore_mem>>) src(%dma_wait3A_43 : memref<10000x128xf32, #tpu.memory_space<hbm>>) dst(%arg9 : memref<128x128xf32, #tpu.memory_space<vmem>>)
      %add3A_44 = arith.constant 1 : i32
      %add3A_45 = arith.addi %add3A_38, %add3A_44 : i32
      %mul3A_46 = arith.constant 128 : i32
      %mul3A_47 = arith.muli %add3A_45, %mul3A_46 : i32
      %dma_start3A_48 = tpu.memref_slice %arg7[%mul3A_47] : memref<5120xi32, #tpu.memory_space<vmem>> -> memref<128xi32, #tpu.memory_space<vmem>>
      %dma_start3A_49 = arith.constant 0 : i32
      %dma_start3A_50 = arith.constant 0 : i32
      %dma_start3A_51 = tpu.memref_slice %arg2[%dma_start3A_49, %dma_start3A_50] : memref<10000x128xf32, #tpu.memory_space<hbm>> -> memref<10000x128xf32, #tpu.memory_space<hbm>>
      tpu.enqueue_indirect_dma source(%dma_start3A_51 : memref<10000x128xf32, #tpu.memory_space<hbm>>) target(%arg10 : memref<128x128xf32, #tpu.memory_space<vmem>>) offsets(%dma_start3A_48 : memref<128xi32, #tpu.memory_space<vmem>>) semaphore(%arg13 : memref<!tpu.dma_semaphore, #tpu.memory_space<semaphore_mem>>)
      %add3A_52 = arith.constant 40 : i32
      %add3A_53 = arith.addi %add3A_52, %add3A_38 : i32
      %run_scoped3A = arith.constant 0 : i32
      "tpu.region"() ({
        %run_scoped3A_69 = tpu.sem_alloc : memref<!tpu.dma_semaphore, #tpu.memory_space<semaphore_mem>>
        %dma_start3A_70 = arith.constant 0 : i32
        %dma_start3A_71 = tpu.memref_slice %arg8[%add3A_53, %run_scoped3A, %dma_start3A_70] : memref<80x1x128xi32, #tpu.memory_space<vmem>> -> memref<1x1x128xi32, #tpu.memory_space<vmem>>
        %dma_start3A_72 = tpu.memref_squeeze %dma_start3A_71 : memref<1x1x128xi32, #tpu.memory_space<vmem>> -> memref<128xi32, #tpu.memory_space<vmem>>
        %dma_start3A_73 = arith.constant 0 : i32
        %dma_start3A_74 = arith.constant 0 : i32
        %dma_start3A_75 = tpu.memref_slice %arg11[%dma_start3A_73, %dma_start3A_74] : memref<10112x128xf32, #tpu.memory_space<vmem_shared>> -> memref<10112x128xf32, #tpu.memory_space<vmem_shared>>
        tpu.enqueue_indirect_dma source(%arg9 : memref<128x128xf32, #tpu.memory_space<vmem>>) target(%dma_start3A_75 : memref<10112x128xf32, #tpu.memory_space<vmem_shared>>) offsets(%dma_start3A_72 : memref<128xi32, #tpu.memory_space<vmem>>) semaphore(%run_scoped3A_69 : memref<!tpu.dma_semaphore, #tpu.memory_space<semaphore_mem>>) {add = true}
        %dma_wait3A_76 = arith.constant 0 : i32
        %dma_wait3A_77 = tpu.memref_slice %arg8[%add3A_53, %run_scoped3A, %dma_wait3A_76] : memref<80x1x128xi32, #tpu.memory_space<vmem>> -> memref<1x1x128xi32, #tpu.memory_space<vmem>>
        %dma_wait3A_78 = tpu.memref_squeeze %dma_wait3A_77 : memref<1x1x128xi32, #tpu.memory_space<vmem>> -> memref<128xi32, #tpu.memory_space<vmem>>
        %dma_wait3A_79 = arith.constant 0 : i32
        %dma_wait3A_80 = arith.constant 0 : i32
        %dma_wait3A_81 = tpu.memref_slice %arg11[%dma_wait3A_79, %dma_wait3A_80] : memref<10112x128xf32, #tpu.memory_space<vmem_shared>> -> memref<10112x128xf32, #tpu.memory_space<vmem_shared>>
        tpu.wait_indirect_dma semaphore(%run_scoped3A_69 : memref<!tpu.dma_semaphore, #tpu.memory_space<semaphore_mem>>) src(%arg9 : memref<128x128xf32, #tpu.memory_space<vmem>>) dst(%dma_wait3A_81 : memref<10112x128xf32, #tpu.memory_space<vmem_shared>>)
        tpu.yield
      }) : () -> ()
      %mul3A_54 = arith.constant 2 : i32
      %mul3A_55 = arith.muli %mul3A_54, %scan3A_34 : i32
      %add3A_56 = arith.constant 1 : i32
      %add3A_57 = arith.addi %mul3A_55, %add3A_56 : i32
      %mul3A_58 = arith.constant 128 : i32
      %mul3A_59 = arith.muli %add3A_57, %mul3A_58 : i32
      %dma_wait3A_60 = tpu.memref_slice %arg7[%mul3A_59] : memref<5120xi32, #tpu.memory_space<vmem>> -> memref<128xi32, #tpu.memory_space<vmem>>
      %dma_wait3A_61 = arith.constant 0 : i32
      %dma_wait3A_62 = arith.constant 0 : i32
      %dma_wait3A_63 = tpu.memref_slice %arg2[%dma_wait3A_61, %dma_wait3A_62] : memref<10000x128xf32, #tpu.memory_space<hbm>> -> memref<10000x128xf32, #tpu.memory_space<hbm>>
      tpu.wait_indirect_dma semaphore(%arg13 : memref<!tpu.dma_semaphore, #tpu.memory_space<semaphore_mem>>) src(%dma_wait3A_63 : memref<10000x128xf32, #tpu.memory_space<hbm>>) dst(%arg10 : memref<128x128xf32, #tpu.memory_space<vmem>>)
      %ne3A = arith.constant 19 : i32
      %ne3A_64 = arith.cmpi ne, %scan3A_34, %ne3A : i32
      %convert_element_type3A = arith.extui %ne3A_64 : i1 to i32
      %cond3A = arith.constant 0 : i32
      %cond3A_65 = arith.cmpi ne, %convert_element_type3A, %cond3A : i32
      scf.if %cond3A_65 {
        %add3A_69 = arith.constant 1 : i32
        %add3A_70 = arith.addi %add3A_57, %add3A_69 : i32
        %mul3A_71 = arith.constant 128 : i32
        %mul3A_72 = arith.muli %add3A_70, %mul3A_71 : i32
        %dma_start3A_73 = tpu.memref_slice %arg7[%mul3A_72] : memref<5120xi32, #tpu.memory_space<vmem>> -> memref<128xi32, #tpu.memory_space<vmem>>
        %dma_start3A_74 = arith.constant 0 : i32
        %dma_start3A_75 = arith.constant 0 : i32
        %dma_start3A_76 = tpu.memref_slice %arg2[%dma_start3A_74, %dma_start3A_75] : memref<10000x128xf32, #tpu.memory_space<hbm>> -> memref<10000x128xf32, #tpu.memory_space<hbm>>
        tpu.enqueue_indirect_dma source(%dma_start3A_76 : memref<10000x128xf32, #tpu.memory_space<hbm>>) target(%arg9 : memref<128x128xf32, #tpu.memory_space<vmem>>) offsets(%dma_start3A_73 : memref<128xi32, #tpu.memory_space<vmem>>) semaphore(%arg12 : memref<!tpu.dma_semaphore, #tpu.memory_space<semaphore_mem>>)
      } else {
      }
      %add3A_66 = arith.constant 40 : i32
      %add3A_67 = arith.addi %add3A_66, %add3A_57 : i32
      %run_scoped3A_68 = arith.constant 0 : i32
      "tpu.region"() ({
        %run_scoped3A_69 = tpu.sem_alloc : memref<!tpu.dma_semaphore, #tpu.memory_space<semaphore_mem>>
        %dma_start3A_70 = arith.constant 0 : i32
        %dma_start3A_71 = tpu.memref_slice %arg8[%add3A_67, %run_scoped3A_68, %dma_start3A_70] : memref<80x1x128xi32, #tpu.memory_space<vmem>> -> memref<1x1x128xi32, #tpu.memory_space<vmem>>
        %dma_start3A_72 = tpu.memref_squeeze %dma_start3A_71 : memref<1x1x128xi32, #tpu.memory_space<vmem>> -> memref<128xi32, #tpu.memory_space<vmem>>
        %dma_start3A_73 = arith.constant 0 : i32
        %dma_start3A_74 = arith.constant 0 : i32
        %dma_start3A_75 = tpu.memref_slice %arg11[%dma_start3A_73, %dma_start3A_74] : memref<10112x128xf32, #tpu.memory_space<vmem_shared>> -> memref<10112x128xf32, #tpu.memory_space<vmem_shared>>
        tpu.enqueue_indirect_dma source(%arg10 : memref<128x128xf32, #tpu.memory_space<vmem>>) target(%dma_start3A_75 : memref<10112x128xf32, #tpu.memory_space<vmem_shared>>) offsets(%dma_start3A_72 : memref<128xi32, #tpu.memory_space<vmem>>) semaphore(%run_scoped3A_69 : memref<!tpu.dma_semaphore, #tpu.memory_space<semaphore_mem>>) {add = true}
        %dma_wait3A_76 = arith.constant 0 : i32
        %dma_wait3A_77 = tpu.memref_slice %arg8[%add3A_67, %run_scoped3A_68, %dma_wait3A_76] : memref<80x1x128xi32, #tpu.memory_space<vmem>> -> memref<1x1x128xi32, #tpu.memory_space<vmem>>
        %dma_wait3A_78 = tpu.memref_squeeze %dma_wait3A_77 : memref<1x1x128xi32, #tpu.memory_space<vmem>> -> memref<128xi32, #tpu.memory_space<vmem>>
        %dma_wait3A_79 = arith.constant 0 : i32
        %dma_wait3A_80 = arith.constant 0 : i32
        %dma_wait3A_81 = tpu.memref_slice %arg11[%dma_wait3A_79, %dma_wait3A_80] : memref<10112x128xf32, #tpu.memory_space<vmem_shared>> -> memref<10112x128xf32, #tpu.memory_space<vmem_shared>>
        tpu.wait_indirect_dma semaphore(%run_scoped3A_69 : memref<!tpu.dma_semaphore, #tpu.memory_space<semaphore_mem>>) src(%arg10 : memref<128x128xf32, #tpu.memory_space<vmem>>) dst(%dma_wait3A_81 : memref<10112x128xf32, #tpu.memory_space<vmem_shared>>)
        tpu.yield
      }) : () -> ()
    }
    %scan3A_28 = arith.constant 20 : i32
    %barrier3A_29 = arith.constant 0 : index
    tpu.barrier barrier_id(%barrier3A_29)
    %mul3A_30 = arith.constant 632 : i32
    %mul3A_31 = arith.muli %arg1, %mul3A_30 : i32
    %mul3A_32 = arith.constant 632 : i32
    %mul3A_33 = arith.muli %arg1, %mul3A_32 : i32
    "tpu.region"() ({
      %run_scoped3A = tpu.sem_alloc : memref<!tpu.dma_semaphore, #tpu.memory_space<semaphore_mem>>
      %dma_start3A_34 = arith.constant 0 : i32
      %dma_start3A_35 = tpu.memref_slice %arg6[%arg0, %mul3A_33, %dma_start3A_34] : memref<2x10112x128xf32, #tpu.memory_space<hbm>> -> memref<1x632x128xf32, #tpu.memory_space<hbm>>
      %dma_start3A_36 = tpu.memref_squeeze %dma_start3A_35 : memref<1x632x128xf32, #tpu.memory_space<hbm>> -> memref<632x128xf32, #tpu.memory_space<hbm>>
      %dma_start3A_37 = arith.constant 0 : i32
      %dma_start3A_38 = tpu.memref_slice %arg11[%mul3A_31, %dma_start3A_37] : memref<10112x128xf32, #tpu.memory_space<vmem_shared>> -> memref<632x128xf32, #tpu.memory_space<vmem_shared>>
      tpu.enqueue_dma source(%dma_start3A_38 : memref<632x128xf32, #tpu.memory_space<vmem_shared>>) target(%dma_start3A_36 : memref<632x128xf32, #tpu.memory_space<hbm>>) target_semaphore(%run_scoped3A : memref<!tpu.dma_semaphore, #tpu.memory_space<semaphore_mem>>)
      %dma_wait3A = arith.constant 0 : i32
      %dma_wait3A_39 = tpu.memref_slice %arg6[%arg0, %mul3A_33, %dma_wait3A] : memref<2x10112x128xf32, #tpu.memory_space<hbm>> -> memref<1x632x128xf32, #tpu.memory_space<hbm>>
      %dma_wait3A_40 = tpu.memref_squeeze %dma_wait3A_39 : memref<1x632x128xf32, #tpu.memory_space<hbm>> -> memref<632x128xf32, #tpu.memory_space<hbm>>
      %dma_wait3A_41 = arith.constant 0 : i32
      %dma_wait3A_42 = tpu.memref_slice %arg11[%mul3A_31, %dma_wait3A_41] : memref<10112x128xf32, #tpu.memory_space<vmem_shared>> -> memref<632x128xf32, #tpu.memory_space<vmem_shared>>
      tpu.wait_dma2 semaphore(%run_scoped3A : memref<!tpu.dma_semaphore, #tpu.memory_space<semaphore_mem>>) src(%dma_wait3A_42 : memref<632x128xf32, #tpu.memory_space<vmem_shared>>) dst(%dma_wait3A_40 : memref<632x128xf32, #tpu.memory_space<hbm>>)
      tpu.yield
    }) : () -> ()
    return
  }
}

module attributes {stable_mosaic.version = 14 : i64} {
  func.func @body(%arg0: i32, %arg1: memref<2000x128xf32, #tpu.memory_space<vmem>>, %arg2: memref<2x2000x128xf32, #tpu.memory_space<vmem>>, %arg3: memref<2x2000x128xf32, #tpu.memory_space<vmem>>, %arg4: memref<128x128xf32, #tpu.memory_space<vmem>>, %arg5: memref<128x128xf32, #tpu.memory_space<vmem>>, %arg6: memref<1x128xf32, #tpu.memory_space<vmem>>, %arg7: memref<2000x128xf32, #tpu.memory_space<vmem>>) attributes {dimension_semantics = [#tpu.dimension_semantics<arbitrary>], iteration_bounds = array<i64: 5>, scalar_prefetch = 0 : i64, scratch_operands = 0 : i64, tpu.core_type = #tpu.core_type<tc>, window_params = [{transform_indices = @transform_0, window_bounds = array<i64: 2000, 128>}, {transform_indices = @transform_1, window_bounds = array<i64: 2, 2000, 128>}, {transform_indices = @transform_2, window_bounds = array<i64: 2, 2000, 128>}, {pipeline_mode = #tpu.pipeline_mode<synchronous>, transform_indices = @transform_3, window_bounds = array<i64: 128, 128>}, {pipeline_mode = #tpu.pipeline_mode<synchronous>, transform_indices = @transform_4, window_bounds = array<i64: 128, 128>}, {pipeline_mode = #tpu.pipeline_mode<synchronous>, transform_indices = @transform_5, window_bounds = array<i64: 1, 128>}, {transform_indices = @transform_6, window_bounds = array<i64: 2000, 128>}]} {
    %get3A = arith.constant 0 : index
    %get3A_0 = arith.constant 0 : index
    %get3A_1 = vector.load %arg1[%get3A, %get3A_0] : memref<2000x128xf32, #tpu.memory_space<vmem>>, vector<2000x128xf32>
    %get3A_2 = arith.constant 0 : index
    %get3A_3 = arith.constant 0 : index
    %get3A_4 = vector.load %arg4[%get3A_2, %get3A_3] : memref<128x128xf32, #tpu.memory_space<vmem>>, vector<128x128xf32>
    %dot_general3A = arith.constant dense<0.000000e+00> : vector<2000x128xf32>
    %dot_general3A_5 = tpu.matmul %get3A_1, %get3A_4, %dot_general3A {dimension_numbers = #tpu.dot_dimension_numbers<[1], [0], [0], [1], [0, 0, 1, 1], [], []>, transpose_lhs_hint = false} : vector<2000x128xf32>, vector<128x128xf32>, vector<2000x128xf32> -> vector<2000x128xf32>
    %get3A_6 = arith.constant 0 : index
    %get3A_7 = arith.constant 0 : index
    %get3A_8 = arith.constant 0 : index
    %get3A_9 = vector.load %arg3[%get3A_6, %get3A_7, %get3A_8] : memref<2x2000x128xf32, #tpu.memory_space<vmem>>, vector<1x2000x1xf32>
    %get3A_10 = vector.shape_cast %get3A_9 : vector<1x2000x1xf32> to vector<2000xf32>
    %get3A_11 = arith.constant 1 : index
    %get3A_12 = arith.constant 0 : index
    %get3A_13 = arith.constant 0 : index
    %get3A_14 = vector.load %arg3[%get3A_11, %get3A_12, %get3A_13] : memref<2x2000x128xf32, #tpu.memory_space<vmem>>, vector<1x2000x1xf32>
    %get3A_15 = vector.shape_cast %get3A_14 : vector<1x2000x1xf32> to vector<2000xf32>
    %add3A = arith.addf %get3A_10, %get3A_15 : vector<2000xf32>
    %max3A = arith.constant 1.000000e+00 : f32
    %max3A_16 = vector.broadcast %max3A : f32 to vector<2000xf32>
    %max3A_17 = arith.maximumf %add3A, %max3A_16 : vector<2000xf32>
    %div3A = arith.constant 1.000000e+00 : f32
    %div3A_18 = vector.broadcast %div3A : f32 to vector<2000xf32>
    %div3A_19 = arith.divf %div3A_18, %max3A_17 : vector<2000xf32>
    %get3A_20 = arith.constant 0 : index
    %get3A_21 = arith.constant 0 : index
    %get3A_22 = arith.constant 0 : index
    %get3A_23 = vector.load %arg2[%get3A_20, %get3A_21, %get3A_22] : memref<2x2000x128xf32, #tpu.memory_space<vmem>>, vector<1x2000x128xf32>
    %get3A_24 = vector.shape_cast %get3A_23 : vector<1x2000x128xf32> to vector<2000x128xf32>
    %get3A_25 = arith.constant 1 : index
    %get3A_26 = arith.constant 0 : index
    %get3A_27 = arith.constant 0 : index
    %get3A_28 = vector.load %arg2[%get3A_25, %get3A_26, %get3A_27] : memref<2x2000x128xf32, #tpu.memory_space<vmem>>, vector<1x2000x128xf32>
    %get3A_29 = vector.shape_cast %get3A_28 : vector<1x2000x128xf32> to vector<2000x128xf32>
    %add3A_30 = arith.addf %get3A_24, %get3A_29 : vector<2000x128xf32>
    %broadcast_in_dim3A = vector.shape_cast %div3A_19 : vector<2000xf32> to vector<2000x1xf32>
    %mul3A = vector.broadcast %broadcast_in_dim3A : vector<2000x1xf32> to vector<2000x128xf32>
    %mul3A_31 = arith.mulf %add3A_30, %mul3A : vector<2000x128xf32>
    %get3A_32 = arith.constant 0 : index
    %get3A_33 = arith.constant 0 : index
    %get3A_34 = vector.load %arg5[%get3A_32, %get3A_33] : memref<128x128xf32, #tpu.memory_space<vmem>>, vector<128x128xf32>
    %dot_general3A_35 = arith.constant dense<0.000000e+00> : vector<2000x128xf32>
    %dot_general3A_36 = tpu.matmul %mul3A_31, %get3A_34, %dot_general3A_35 {dimension_numbers = #tpu.dot_dimension_numbers<[1], [0], [0], [1], [0, 0, 1, 1], [], []>, transpose_lhs_hint = false} : vector<2000x128xf32>, vector<128x128xf32>, vector<2000x128xf32> -> vector<2000x128xf32>
    %add3A_37 = arith.addf %dot_general3A_5, %dot_general3A_36 : vector<2000x128xf32>
    %get3A_38 = arith.constant 0 : index
    %get3A_39 = arith.constant 0 : index
    %get3A_40 = vector.load %arg6[%get3A_38, %get3A_39] : memref<1x128xf32, #tpu.memory_space<vmem>>, vector<1x128xf32>
    %add3A_41 = vector.broadcast %get3A_40 : vector<1x128xf32> to vector<2000x128xf32>
    %add3A_42 = arith.addf %add3A_37, %add3A_41 : vector<2000x128xf32>
    %max3A_43 = arith.constant 0.000000e+00 : f32
    %max3A_44 = vector.broadcast %max3A_43 : f32 to vector<2000x128xf32>
    %max3A_45 = arith.maximumf %add3A_42, %max3A_44 : vector<2000x128xf32>
    %swap3A = arith.constant 0 : index
    %swap3A_46 = arith.constant 0 : index
    %swap3A_47 = vector.load %arg7[%swap3A, %swap3A_46] : memref<2000x128xf32, #tpu.memory_space<vmem>>, vector<2000x128xf32>
    tpu.vector_store %arg7[%swap3A, %swap3A_46], %max3A_45 {strides = array<i32>} : memref<2000x128xf32, #tpu.memory_space<vmem>>, vector<2000x128xf32>,
    return
  }
  func.func @transform_0(%arg0: i32) -> (i32, i32) {
    %c0_i32 = arith.constant 0 : i32
    %c0_i32_0 = arith.constant 0 : i32
    return %arg0, %c0_i32 : i32, i32
  }
  func.func @transform_1(%arg0: i32) -> (i32, i32, i32) {
    %c0_i32 = arith.constant 0 : i32
    %c0_i32_0 = arith.constant 0 : i32
    %c0_i32_1 = arith.constant 0 : i32
    return %c0_i32, %arg0, %c0_i32_0 : i32, i32, i32
  }
  func.func @transform_2(%arg0: i32) -> (i32, i32, i32) {
    %c0_i32 = arith.constant 0 : i32
    %c0_i32_0 = arith.constant 0 : i32
    %c0_i32_1 = arith.constant 0 : i32
    return %c0_i32, %arg0, %c0_i32_0 : i32, i32, i32
  }
  func.func @transform_3(%arg0: i32) -> (i32, i32) {
    %c0_i32 = arith.constant 0 : i32
    %c0_i32_0 = arith.constant 0 : i32
    %c0_i32_1 = arith.constant 0 : i32
    return %c0_i32, %c0_i32_0 : i32, i32
  }
  func.func @transform_4(%arg0: i32) -> (i32, i32) {
    %c0_i32 = arith.constant 0 : i32
    %c0_i32_0 = arith.constant 0 : i32
    %c0_i32_1 = arith.constant 0 : i32
    return %c0_i32, %c0_i32_0 : i32, i32
  }
  func.func @transform_5(%arg0: i32) -> (i32, i32) {
    %c0_i32 = arith.constant 0 : i32
    %c0_i32_0 = arith.constant 0 : i32
    %c0_i32_1 = arith.constant 0 : i32
    return %c0_i32, %c0_i32_0 : i32, i32
  }
  func.func @transform_6(%arg0: i32) -> (i32, i32) {
    %c0_i32 = arith.constant 0 : i32
    %c0_i32_0 = arith.constant 0 : i32
    return %arg0, %c0_i32 : i32, i32
  }
}

module attributes {stable_mosaic.version = 14 : i64} {
  func.func @body(%arg0: i32, %arg1: memref<2000x128xf32, #tpu.memory_space<vmem>>, %arg2: memref<2x2000x128xf32, #tpu.memory_space<vmem>>, %arg3: memref<2x2000x128xf32, #tpu.memory_space<vmem>>, %arg4: memref<128x128xf32, #tpu.memory_space<vmem>>, %arg5: memref<128x128xf32, #tpu.memory_space<vmem>>, %arg6: memref<1x128xf32, #tpu.memory_space<vmem>>, %arg7: memref<128x128xf32, #tpu.memory_space<vmem>>, %arg8: memref<128x128xf32, #tpu.memory_space<vmem>>, %arg9: memref<1x128xf32, #tpu.memory_space<vmem>>, %arg10: memref<2000x128xf32, #tpu.memory_space<vmem>>, %arg11: memref<2000x128xf32, #tpu.memory_space<vmem>>, %arg12: memref<1x128xf32, #tpu.memory_space<vmem>>) attributes {dimension_semantics = [#tpu.dimension_semantics<arbitrary>], iteration_bounds = array<i64: 5>, scalar_prefetch = 0 : i64, scratch_operands = 0 : i64, tpu.core_type = #tpu.core_type<tc>, window_params = [{transform_indices = @transform_0, window_bounds = array<i64: 2000, 128>}, {transform_indices = @transform_1, window_bounds = array<i64: 2, 2000, 128>}, {transform_indices = @transform_2, window_bounds = array<i64: 2, 2000, 128>}, {pipeline_mode = #tpu.pipeline_mode<synchronous>, transform_indices = @transform_3, window_bounds = array<i64: 128, 128>}, {pipeline_mode = #tpu.pipeline_mode<synchronous>, transform_indices = @transform_4, window_bounds = array<i64: 128, 128>}, {pipeline_mode = #tpu.pipeline_mode<synchronous>, transform_indices = @transform_5, window_bounds = array<i64: 1, 128>}, {pipeline_mode = #tpu.pipeline_mode<synchronous>, transform_indices = @transform_6, window_bounds = array<i64: 128, 128>}, {pipeline_mode = #tpu.pipeline_mode<synchronous>, transform_indices = @transform_7, window_bounds = array<i64: 128, 128>}, {pipeline_mode = #tpu.pipeline_mode<synchronous>, transform_indices = @transform_8, window_bounds = array<i64: 1, 128>}, {transform_indices = @transform_9, window_bounds = array<i64: 2000, 128>}, {transform_indices = @transform_10, window_bounds = array<i64: 2000, 128>}, {pipeline_mode = #tpu.pipeline_mode<synchronous>, transform_indices = @transform_11, window_bounds = array<i64: 1, 128>}]} {
    %get3A = arith.constant 0 : index
    %get3A_0 = arith.constant 0 : index
    %get3A_1 = vector.load %arg1[%get3A, %get3A_0] : memref<2000x128xf32, #tpu.memory_space<vmem>>, vector<2000x128xf32>
    %get3A_2 = arith.constant 0 : index
    %get3A_3 = arith.constant 0 : index
    %get3A_4 = arith.constant 0 : index
    %get3A_5 = vector.load %arg3[%get3A_2, %get3A_3, %get3A_4] : memref<2x2000x128xf32, #tpu.memory_space<vmem>>, vector<1x2000x1xf32>
    %get3A_6 = vector.shape_cast %get3A_5 : vector<1x2000x1xf32> to vector<2000xf32>
    %get3A_7 = arith.constant 1 : index
    %get3A_8 = arith.constant 0 : index
    %get3A_9 = arith.constant 0 : index
    %get3A_10 = vector.load %arg3[%get3A_7, %get3A_8, %get3A_9] : memref<2x2000x128xf32, #tpu.memory_space<vmem>>, vector<1x2000x1xf32>
    %get3A_11 = vector.shape_cast %get3A_10 : vector<1x2000x1xf32> to vector<2000xf32>
    %add3A = arith.addf %get3A_6, %get3A_11 : vector<2000xf32>
    %max3A = arith.constant 1.000000e+00 : f32
    %max3A_12 = vector.broadcast %max3A : f32 to vector<2000xf32>
    %max3A_13 = arith.maximumf %add3A, %max3A_12 : vector<2000xf32>
    %div3A = arith.constant 1.000000e+00 : f32
    %div3A_14 = vector.broadcast %div3A : f32 to vector<2000xf32>
    %div3A_15 = arith.divf %div3A_14, %max3A_13 : vector<2000xf32>
    %get3A_16 = arith.constant 0 : index
    %get3A_17 = arith.constant 0 : index
    %get3A_18 = arith.constant 0 : index
    %get3A_19 = vector.load %arg2[%get3A_16, %get3A_17, %get3A_18] : memref<2x2000x128xf32, #tpu.memory_space<vmem>>, vector<1x2000x128xf32>
    %get3A_20 = vector.shape_cast %get3A_19 : vector<1x2000x128xf32> to vector<2000x128xf32>
    %get3A_21 = arith.constant 1 : index
    %get3A_22 = arith.constant 0 : index
    %get3A_23 = arith.constant 0 : index
    %get3A_24 = vector.load %arg2[%get3A_21, %get3A_22, %get3A_23] : memref<2x2000x128xf32, #tpu.memory_space<vmem>>, vector<1x2000x128xf32>
    %get3A_25 = vector.shape_cast %get3A_24 : vector<1x2000x128xf32> to vector<2000x128xf32>
    %add3A_26 = arith.addf %get3A_20, %get3A_25 : vector<2000x128xf32>
    %broadcast_in_dim3A = vector.shape_cast %div3A_15 : vector<2000xf32> to vector<2000x1xf32>
    %mul3A = vector.broadcast %broadcast_in_dim3A : vector<2000x1xf32> to vector<2000x128xf32>
    %mul3A_27 = arith.mulf %add3A_26, %mul3A : vector<2000x128xf32>
    %get3A_28 = arith.constant 0 : index
    %get3A_29 = arith.constant 0 : index
    %get3A_30 = vector.load %arg4[%get3A_28, %get3A_29] : memref<128x128xf32, #tpu.memory_space<vmem>>, vector<128x128xf32>
    %dot_general3A = arith.constant dense<0.000000e+00> : vector<2000x128xf32>
    %dot_general3A_31 = tpu.matmul %get3A_1, %get3A_30, %dot_general3A {dimension_numbers = #tpu.dot_dimension_numbers<[1], [0], [0], [1], [0, 0, 1, 1], [], []>, transpose_lhs_hint = false} : vector<2000x128xf32>, vector<128x128xf32>, vector<2000x128xf32> -> vector<2000x128xf32>
    %get3A_32 = arith.constant 0 : index
    %get3A_33 = arith.constant 0 : index
    %get3A_34 = vector.load %arg5[%get3A_32, %get3A_33] : memref<128x128xf32, #tpu.memory_space<vmem>>, vector<128x128xf32>
    %dot_general3A_35 = arith.constant dense<0.000000e+00> : vector<2000x128xf32>
    %dot_general3A_36 = tpu.matmul %mul3A_27, %get3A_34, %dot_general3A_35 {dimension_numbers = #tpu.dot_dimension_numbers<[1], [0], [0], [1], [0, 0, 1, 1], [], []>, transpose_lhs_hint = false} : vector<2000x128xf32>, vector<128x128xf32>, vector<2000x128xf32> -> vector<2000x128xf32>
    %add3A_37 = arith.addf %dot_general3A_31, %dot_general3A_36 : vector<2000x128xf32>
    %get3A_38 = arith.constant 0 : index
    %get3A_39 = arith.constant 0 : index
    %get3A_40 = vector.load %arg6[%get3A_38, %get3A_39] : memref<1x128xf32, #tpu.memory_space<vmem>>, vector<1x128xf32>
    %add3A_41 = vector.broadcast %get3A_40 : vector<1x128xf32> to vector<2000x128xf32>
    %add3A_42 = arith.addf %add3A_37, %add3A_41 : vector<2000x128xf32>
    %get3A_43 = arith.constant 0 : index
    %get3A_44 = arith.constant 0 : index
    %get3A_45 = vector.load %arg7[%get3A_43, %get3A_44] : memref<128x128xf32, #tpu.memory_space<vmem>>, vector<128x128xf32>
    %dot_general3A_46 = arith.constant dense<0.000000e+00> : vector<2000x128xf32>
    %dot_general3A_47 = tpu.matmul %get3A_1, %get3A_45, %dot_general3A_46 {dimension_numbers = #tpu.dot_dimension_numbers<[1], [0], [0], [1], [0, 0, 1, 1], [], []>, transpose_lhs_hint = false} : vector<2000x128xf32>, vector<128x128xf32>, vector<2000x128xf32> -> vector<2000x128xf32>
    %get3A_48 = arith.constant 0 : index
    %get3A_49 = arith.constant 0 : index
    %get3A_50 = vector.load %arg8[%get3A_48, %get3A_49] : memref<128x128xf32, #tpu.memory_space<vmem>>, vector<128x128xf32>
    %dot_general3A_51 = arith.constant dense<0.000000e+00> : vector<2000x128xf32>
    %dot_general3A_52 = tpu.matmul %mul3A_27, %get3A_50, %dot_general3A_51 {dimension_numbers = #tpu.dot_dimension_numbers<[1], [0], [0], [1], [0, 0, 1, 1], [], []>, transpose_lhs_hint = false} : vector<2000x128xf32>, vector<128x128xf32>, vector<2000x128xf32> -> vector<2000x128xf32>
    %add3A_53 = arith.addf %dot_general3A_47, %dot_general3A_52 : vector<2000x128xf32>
    %get3A_54 = arith.constant 0 : index
    %get3A_55 = arith.constant 0 : index
    %get3A_56 = vector.load %arg9[%get3A_54, %get3A_55] : memref<1x128xf32, #tpu.memory_space<vmem>>, vector<1x128xf32>
    %add3A_57 = vector.broadcast %get3A_56 : vector<1x128xf32> to vector<2000x128xf32>
    %add3A_58 = arith.addf %add3A_53, %add3A_57 : vector<2000x128xf32>
    %min3A = arith.constant 1.000000e+01 : f32
    %min3A_59 = vector.broadcast %min3A : f32 to vector<2000x128xf32>
    %min3A_60 = arith.minimumf %add3A_58, %min3A_59 : vector<2000x128xf32>
    %exp3A = math.exp %min3A_60 : vector<2000x128xf32>
    %get3A_61 = arith.constant 0 : index
    %get3A_62 = arith.constant 0 : index
    %get3A_63 = vector.load %arg10[%get3A_61, %get3A_62] : memref<2000x128xf32, #tpu.memory_space<vmem>>, vector<2000x128xf32>
    %mul3A_64 = arith.mulf %get3A_63, %exp3A : vector<2000x128xf32>
    %add3A_65 = arith.addf %add3A_42, %mul3A_64 : vector<2000x128xf32>
    %swap3A = arith.constant 0 : index
    %swap3A_66 = arith.constant 0 : index
    %swap3A_67 = vector.load %arg11[%swap3A, %swap3A_66] : memref<2000x128xf32, #tpu.memory_space<vmem>>, vector<2000x128xf32>
    tpu.vector_store %arg11[%swap3A, %swap3A_66], %add3A_65 {strides = array<i32>} : memref<2000x128xf32, #tpu.memory_space<vmem>>, vector<2000x128xf32>,
    %mul3A_68 = arith.constant 2.000000e+00 : f32
    %mul3A_69 = vector.broadcast %mul3A_68 : f32 to vector<2000x128xf32>
    %mul3A_70 = arith.mulf %mul3A_69, %min3A_60 : vector<2000x128xf32>
    %add3A_71 = arith.constant 1.000000e+00 : f32
    %add3A_72 = vector.broadcast %add3A_71 : f32 to vector<2000x128xf32>
    %add3A_73 = arith.addf %add3A_72, %mul3A_70 : vector<2000x128xf32>
    %mul3A_74 = arith.mulf %add3A_42, %add3A_42 : vector<2000x128xf32>
    %sub3A = arith.subf %add3A_73, %mul3A_74 : vector<2000x128xf32>
    %mul3A_75 = arith.mulf %exp3A, %exp3A : vector<2000x128xf32>
    %sub3A_76 = arith.subf %sub3A, %mul3A_75 : vector<2000x128xf32>
    %reduce_sum3A = vector.shape_cast %sub3A_76 : vector<2000x128xf32> to vector<1x2000x128xf32>
    %reduce_sum3A_77 = arith.constant dense<0.000000e+00> : vector<1xf32>
    %reduce_sum3A_78 = vector.multi_reduction <add>, %reduce_sum3A, %reduce_sum3A_77 [1, 2] : vector<1x2000x128xf32> to vector<1xf32>
    %reduce_sum3A_79 = vector.shape_cast %reduce_sum3A_78 : vector<1xf32> to vector<1x1x1xf32>
    %reduce_sum3A_80 = vector.extract %reduce_sum3A_79[0, 0, 0] : f32 from vector<1x1x1xf32>
    %eq3A = arith.constant 0 : i32
    %eq3A_81 = arith.cmpi eq, %arg0, %eq3A : i32
    %convert_element_type3A = arith.extui %eq3A_81 : i1 to i32
    %cond3A = arith.constant 0 : i32
    %cond3A_82 = arith.cmpi ne, %convert_element_type3A, %cond3A : i32
    scf.if %cond3A_82 {
      %broadcast_in_dim3A_93 = arith.constant 0.000000e+00 : f32
      %broadcast_in_dim3A_94 = vector.broadcast %broadcast_in_dim3A_93 : f32 to vector<1x128xf32>
      %swap3A_95 = arith.constant 0 : index
      %swap3A_96 = arith.constant 0 : index
      %swap3A_97 = vector.load %arg12[%swap3A_95, %swap3A_96] : memref<1x128xf32, #tpu.memory_space<vmem>>, vector<1x128xf32>
      tpu.vector_store %arg12[%swap3A_95, %swap3A_96], %broadcast_in_dim3A_94 {strides = array<i32>} : memref<1x128xf32, #tpu.memory_space<vmem>>, vector<1x128xf32>,
    } else {
    }
    %get3A_83 = arith.constant 0 : index
    %get3A_84 = arith.constant 0 : index
    %get3A_85 = vector.load %arg12[%get3A_83, %get3A_84] : memref<1x128xf32, #tpu.memory_space<vmem>>, vector<1x128xf32>
    %div3A_86 = arith.constant 1.280000e+02 : f32
    %div3A_87 = arith.divf %reduce_sum3A_80, %div3A_86 : f32
    %broadcast_in_dim3A_88 = vector.broadcast %div3A_87 : f32 to vector<1x128xf32>
    %add3A_89 = arith.addf %get3A_85, %broadcast_in_dim3A_88 : vector<1x128xf32>
    %swap3A_90 = arith.constant 0 : index
    %swap3A_91 = arith.constant 0 : index
    %swap3A_92 = vector.load %arg12[%swap3A_90, %swap3A_91] : memref<1x128xf32, #tpu.memory_space<vmem>>, vector<1x128xf32>
    tpu.vector_store %arg12[%swap3A_90, %swap3A_91], %add3A_89 {strides = array<i32>} : memref<1x128xf32, #tpu.memory_space<vmem>>, vector<1x128xf32>,
    return
  }
  func.func @transform_0(%arg0: i32) -> (i32, i32) {
    %c0_i32 = arith.constant 0 : i32
    %c0_i32_0 = arith.constant 0 : i32
    return %arg0, %c0_i32 : i32, i32
  }
  func.func @transform_1(%arg0: i32) -> (i32, i32, i32) {
    %c0_i32 = arith.constant 0 : i32
    %c0_i32_0 = arith.constant 0 : i32
    %c0_i32_1 = arith.constant 0 : i32
    return %c0_i32, %arg0, %c0_i32_0 : i32, i32, i32
  }
  func.func @transform_2(%arg0: i32) -> (i32, i32, i32) {
    %c0_i32 = arith.constant 0 : i32
    %c0_i32_0 = arith.constant 0 : i32
    %c0_i32_1 = arith.constant 0 : i32
    return %c0_i32, %arg0, %c0_i32_0 : i32, i32, i32
  }
  func.func @transform_3(%arg0: i32) -> (i32, i32) {
    %c0_i32 = arith.constant 0 : i32
    %c0_i32_0 = arith.constant 0 : i32
    %c0_i32_1 = arith.constant 0 : i32
    return %c0_i32, %c0_i32_0 : i32, i32
  }
  func.func @transform_4(%arg0: i32) -> (i32, i32) {
    %c0_i32 = arith.constant 0 : i32
    %c0_i32_0 = arith.constant 0 : i32
    %c0_i32_1 = arith.constant 0 : i32
    return %c0_i32, %c0_i32_0 : i32, i32
  }
  func.func @transform_5(%arg0: i32) -> (i32, i32) {
    %c0_i32 = arith.constant 0 : i32
    %c0_i32_0 = arith.constant 0 : i32
    %c0_i32_1 = arith.constant 0 : i32
    return %c0_i32, %c0_i32_0 : i32, i32
  }
  func.func @transform_6(%arg0: i32) -> (i32, i32) {
    %c0_i32 = arith.constant 0 : i32
    %c0_i32_0 = arith.constant 0 : i32
    %c0_i32_1 = arith.constant 0 : i32
    return %c0_i32, %c0_i32_0 : i32, i32
  }
  func.func @transform_7(%arg0: i32) -> (i32, i32) {
    %c0_i32 = arith.constant 0 : i32
    %c0_i32_0 = arith.constant 0 : i32
    %c0_i32_1 = arith.constant 0 : i32
    return %c0_i32, %c0_i32_0 : i32, i32
  }
  func.func @transform_8(%arg0: i32) -> (i32, i32) {
    %c0_i32 = arith.constant 0 : i32
    %c0_i32_0 = arith.constant 0 : i32
    %c0_i32_1 = arith.constant 0 : i32
    return %c0_i32, %c0_i32_0 : i32, i32
  }
  func.func @transform_9(%arg0: i32) -> (i32, i32) {
    %c0_i32 = arith.constant 0 : i32
    %c0_i32_0 = arith.constant 0 : i32
    return %arg0, %c0_i32 : i32, i32
  }
  func.func @transform_10(%arg0: i32) -> (i32, i32) {
    %c0_i32 = arith.constant 0 : i32
    %c0_i32_0 = arith.constant 0 : i32
    return %arg0, %c0_i32 : i32, i32
  }
  func.func @transform_11(%arg0: i32) -> (i32, i32) {
    %c0_i32 = arith.constant 0 : i32
    %c0_i32_0 = arith.constant 0 : i32
    %c0_i32_1 = arith.constant 0 : i32
    return %c0_i32, %c0_i32_0 : i32, i32
  }
}

module attributes {stable_mosaic.version = 14 : i64} {
  func.func @body(%arg0: i32, %arg1: memref<2000x128xf32, #tpu.memory_space<vmem>>, %arg2: memref<2x2000x128xf32, #tpu.memory_space<vmem>>, %arg3: memref<2x2000x128xf32, #tpu.memory_space<vmem>>, %arg4: memref<128x128xf32, #tpu.memory_space<vmem>>, %arg5: memref<128x128xf32, #tpu.memory_space<vmem>>, %arg6: memref<1x128xf32, #tpu.memory_space<vmem>>, %arg7: memref<2000x128xf32, #tpu.memory_space<vmem>>) attributes {dimension_semantics = [#tpu.dimension_semantics<arbitrary>], iteration_bounds = array<i64: 5>, scalar_prefetch = 0 : i64, scratch_operands = 0 : i64, tpu.core_type = #tpu.core_type<tc>, window_params = [{transform_indices = @transform_0, window_bounds = array<i64: 2000, 128>}, {transform_indices = @transform_1, window_bounds = array<i64: 2, 2000, 128>}, {transform_indices = @transform_2, window_bounds = array<i64: 2, 2000, 128>}, {pipeline_mode = #tpu.pipeline_mode<synchronous>, transform_indices = @transform_3, window_bounds = array<i64: 128, 128>}, {pipeline_mode = #tpu.pipeline_mode<synchronous>, transform_indices = @transform_4, window_bounds = array<i64: 128, 128>}, {pipeline_mode = #tpu.pipeline_mode<synchronous>, transform_indices = @transform_5, window_bounds = array<i64: 1, 128>}, {transform_indices = @transform_6, window_bounds = array<i64: 2000, 128>}]} {
    %get3A = arith.constant 0 : index
    %get3A_0 = arith.constant 0 : index
    %get3A_1 = vector.load %arg1[%get3A, %get3A_0] : memref<2000x128xf32, #tpu.memory_space<vmem>>, vector<2000x128xf32>
    %get3A_2 = arith.constant 0 : index
    %get3A_3 = arith.constant 0 : index
    %get3A_4 = vector.load %arg4[%get3A_2, %get3A_3] : memref<128x128xf32, #tpu.memory_space<vmem>>, vector<128x128xf32>
    %dot_general3A = arith.constant dense<0.000000e+00> : vector<2000x128xf32>
    %dot_general3A_5 = tpu.matmul %get3A_1, %get3A_4, %dot_general3A {dimension_numbers = #tpu.dot_dimension_numbers<[1], [0], [0], [1], [0, 0, 1, 1], [], []>, transpose_lhs_hint = false} : vector<2000x128xf32>, vector<128x128xf32>, vector<2000x128xf32> -> vector<2000x128xf32>
    %get3A_6 = arith.constant 0 : index
    %get3A_7 = arith.constant 0 : index
    %get3A_8 = arith.constant 0 : index
    %get3A_9 = vector.load %arg3[%get3A_6, %get3A_7, %get3A_8] : memref<2x2000x128xf32, #tpu.memory_space<vmem>>, vector<1x2000x1xf32>
    %get3A_10 = vector.shape_cast %get3A_9 : vector<1x2000x1xf32> to vector<2000xf32>
    %get3A_11 = arith.constant 1 : index
    %get3A_12 = arith.constant 0 : index
    %get3A_13 = arith.constant 0 : index
    %get3A_14 = vector.load %arg3[%get3A_11, %get3A_12, %get3A_13] : memref<2x2000x128xf32, #tpu.memory_space<vmem>>, vector<1x2000x1xf32>
    %get3A_15 = vector.shape_cast %get3A_14 : vector<1x2000x1xf32> to vector<2000xf32>
    %add3A = arith.addf %get3A_10, %get3A_15 : vector<2000xf32>
    %max3A = arith.constant 1.000000e+00 : f32
    %max3A_16 = vector.broadcast %max3A : f32 to vector<2000xf32>
    %max3A_17 = arith.maximumf %add3A, %max3A_16 : vector<2000xf32>
    %div3A = arith.constant 1.000000e+00 : f32
    %div3A_18 = vector.broadcast %div3A : f32 to vector<2000xf32>
    %div3A_19 = arith.divf %div3A_18, %max3A_17 : vector<2000xf32>
    %get3A_20 = arith.constant 0 : index
    %get3A_21 = arith.constant 0 : index
    %get3A_22 = arith.constant 0 : index
    %get3A_23 = vector.load %arg2[%get3A_20, %get3A_21, %get3A_22] : memref<2x2000x128xf32, #tpu.memory_space<vmem>>, vector<1x2000x128xf32>
    %get3A_24 = vector.shape_cast %get3A_23 : vector<1x2000x128xf32> to vector<2000x128xf32>
    %get3A_25 = arith.constant 1 : index
    %get3A_26 = arith.constant 0 : index
    %get3A_27 = arith.constant 0 : index
    %get3A_28 = vector.load %arg2[%get3A_25, %get3A_26, %get3A_27] : memref<2x2000x128xf32, #tpu.memory_space<vmem>>, vector<1x2000x128xf32>
    %get3A_29 = vector.shape_cast %get3A_28 : vector<1x2000x128xf32> to vector<2000x128xf32>
    %add3A_30 = arith.addf %get3A_24, %get3A_29 : vector<2000x128xf32>
    %broadcast_in_dim3A = vector.shape_cast %div3A_19 : vector<2000xf32> to vector<2000x1xf32>
    %mul3A = vector.broadcast %broadcast_in_dim3A : vector<2000x1xf32> to vector<2000x128xf32>
    %mul3A_31 = arith.mulf %add3A_30, %mul3A : vector<2000x128xf32>
    %get3A_32 = arith.constant 0 : index
    %get3A_33 = arith.constant 0 : index
    %get3A_34 = vector.load %arg5[%get3A_32, %get3A_33] : memref<128x128xf32, #tpu.memory_space<vmem>>, vector<128x128xf32>
    %dot_general3A_35 = arith.constant dense<0.000000e+00> : vector<2000x128xf32>
    %dot_general3A_36 = tpu.matmul %mul3A_31, %get3A_34, %dot_general3A_35 {dimension_numbers = #tpu.dot_dimension_numbers<[1], [0], [0], [1], [0, 0, 1, 1], [], []>, transpose_lhs_hint = false} : vector<2000x128xf32>, vector<128x128xf32>, vector<2000x128xf32> -> vector<2000x128xf32>
    %add3A_37 = arith.addf %dot_general3A_5, %dot_general3A_36 : vector<2000x128xf32>
    %get3A_38 = arith.constant 0 : index
    %get3A_39 = arith.constant 0 : index
    %get3A_40 = vector.load %arg6[%get3A_38, %get3A_39] : memref<1x128xf32, #tpu.memory_space<vmem>>, vector<1x128xf32>
    %add3A_41 = vector.broadcast %get3A_40 : vector<1x128xf32> to vector<2000x128xf32>
    %add3A_42 = arith.addf %add3A_37, %add3A_41 : vector<2000x128xf32>
    %swap3A = arith.constant 0 : index
    %swap3A_43 = arith.constant 0 : index
    %swap3A_44 = vector.load %arg7[%swap3A, %swap3A_43] : memref<2000x128xf32, #tpu.memory_space<vmem>>, vector<2000x128xf32>
    tpu.vector_store %arg7[%swap3A, %swap3A_43], %add3A_42 {strides = array<i32>} : memref<2000x128xf32, #tpu.memory_space<vmem>>, vector<2000x128xf32>,
    return
  }
  func.func @transform_0(%arg0: i32) -> (i32, i32) {
    %c0_i32 = arith.constant 0 : i32
    %c0_i32_0 = arith.constant 0 : i32
    return %arg0, %c0_i32 : i32, i32
  }
  func.func @transform_1(%arg0: i32) -> (i32, i32, i32) {
    %c0_i32 = arith.constant 0 : i32
    %c0_i32_0 = arith.constant 0 : i32
    %c0_i32_1 = arith.constant 0 : i32
    return %c0_i32, %arg0, %c0_i32_0 : i32, i32, i32
  }
  func.func @transform_2(%arg0: i32) -> (i32, i32, i32) {
    %c0_i32 = arith.constant 0 : i32
    %c0_i32_0 = arith.constant 0 : i32
    %c0_i32_1 = arith.constant 0 : i32
    return %c0_i32, %arg0, %c0_i32_0 : i32, i32, i32
  }
  func.func @transform_3(%arg0: i32) -> (i32, i32) {
    %c0_i32 = arith.constant 0 : i32
    %c0_i32_0 = arith.constant 0 : i32
    %c0_i32_1 = arith.constant 0 : i32
    return %c0_i32, %c0_i32_0 : i32, i32
  }
  func.func @transform_4(%arg0: i32) -> (i32, i32) {
    %c0_i32 = arith.constant 0 : i32
    %c0_i32_0 = arith.constant 0 : i32
    %c0_i32_1 = arith.constant 0 : i32
    return %c0_i32, %c0_i32_0 : i32, i32
  }
  func.func @transform_5(%arg0: i32) -> (i32, i32) {
    %c0_i32 = arith.constant 0 : i32
    %c0_i32_0 = arith.constant 0 : i32
    %c0_i32_1 = arith.constant 0 : i32
    return %c0_i32, %c0_i32_0 : i32, i32
  }
  func.func @transform_6(%arg0: i32) -> (i32, i32) {
    %c0_i32 = arith.constant 0 : i32
    %c0_i32_0 = arith.constant 0 : i32
    return %arg0, %c0_i32 : i32, i32
  }
}

</mosaic_0001>

<sc_bundles>
// kernel: kernel.11.cloned.1.call-start
scs
__scs_entry_jumppad:
0x0: {  	(pc) =	sbr.rel $0x88, $3  }
0x1: {  	(tag) =	ssettag $0x0;
	lr =	simm.s32 $0x1  }
0x2: {  	[smem:$0x3F8F] =	sst lr;
	_ =	strace $0xD0000000  }
0x3: {  	_ = 	snop  }
0x4: {  	_ = 	snop  }
0x5: {  	_ = 	snop  }
0x6: {  	_ = 	snop  }
0x7: {  	_ = 	snop  }
__scs_overlays_trampoline_lowered:
0x8: {  	[smem:$0x3F9E] =	sst s0  }
0x9: {  	[smem:$0x3F9F] =	sst s1  }
0xa: {  	[smem:$0x3FA0] =	sst s2  }
0xb: {  	[smem:$0x3FA1] =	sst s3  }
0xc: {  	[smem:$0x3FA2] =	sst s4  }
0xd: {  	[smem:$0x3FA3] =	sst s5  }
0xe: {  	[smem:$0x3FA4] =	sst s6  }
0xf: {  	[smem:$0x3FA5] =	sst s7  }
0x10: {  	[smem:$0x3FA6] =	sst s8  }
0x11: {  	[smem:$0x3FA7] =	sst s9;
	s0 =	simm.s32 @!p0 $0x0  }
0x12: {  	s1 =	sld [smem:$0x3F8D];
	s0 =	simm.s32 @p0 $0x1  }
0x13: {  	[smem:$0x3FA8] =	sst s0;
	s0 =	simm.s32 @!p1 $0x0  }
0x14: {  	s2 =	sld [smem:$0x3F8C];
	s0 =	simm.s32 @p1 $0x1  }
0x15: {  	[smem:$0x3FA9] =	sst s0;
	s0 =	simm.s32 @!p2 $0x0  }
0x16: {  	s3 =	sld [smem:$0x3FDB];
	s0 =	simm.s32 @p2 $0x1  }
0x17: {  	s4 =	simm.s32 $0x1BF5;
	[smem:$0x3FAB] =	sst s0  }
0x18: {  	s0 =	sld [smem:$0x3F8E];
	_ =	swait.ge [sflag:s4], $0x0  }
0x19: {  	s7 =	sld [smem:$0x3F8F]  }
0x1a: {  	s8 =	sadd.s32 $0xFFFFE003, lr  }
0x1b: {  	s9 =	sadd.s32 $0xFFFFFEF7, lr;
	s5 =	simm.s32 $0xFFFFFFFF;
	p2 =	slt.u32 s8, $0xFFFFF086  }
0x1c: {  	p1 =	slt.u32 s9, $0xF7A;
	s5 =	simm.s32 @!p2 $0x0  }
0x1d: {  	s5 =	simm.s32 @p1 $0x1;
	p0 =	seq.s32 s7, s2  }
0x1e: {  	s7 =	smul.u32 @!p0 $0xF7A, s2;
	p2 =	seq.s32 @!p0 s5, $0x0  }
0x1f: {  	s9 =	smul.u32 $0xF7A, s1;
	s8 =	simm.s32 @!p0 $0x1BF5;
	p2 =	por !p2, p0  }
0x20: {  	[sflag:s8] =	ssyncset.s32 @!p0 $0xFFFFF086;
	s6 =	sadd.s32 @!p0 s3, s7;
	s7 =	simm.s32 @!p0 $0x108  }
0x21: {  	s3 =	sadd.s32 s3, s9;
	s6 =	sadd.s32 @!p0 $0x88, s6;
	s7 =	simm.s32 @p2 $0x1082  }
0x22: {  	[simem:s7], [sflag:s8] =	dma.local @!p0 [hbm:s6], $0xF7A  }
0x23: {  	s9 =	sor.u32 $0xD0000000, s2;
	s6 =	simm.s32 $0x108;
	_ =	swait.ge @!p0 [sflag:s8], $0x0  }
0x24: {  	s3 =	sadd.s32 $0x88, s3;
	s6 =	simm.s32 @!p1 $0x1082;
	[sflag:s4] =	ssyncset.s32 $0xFFFFF086  }
0x25: {  	[simem:s6], [sflag:s4] =	dma.local [hbm:s3], $0xF7A  }
0x26: {  	[smem:$0x3F8F] =	sst s1;
	(tag) =	ssettag s2;
	_ =	strace s9  }
0x27: {  	s1 =	sld [smem:$0x3F9F]  }
0x28: {  	s2 =	sld [smem:$0x3FA0]  }
0x29: {  	s4 =	sld [smem:$0x3FA2]  }
0x2a: {  	p0 =	seq.s32 s5, $0x0;
	s5 =	sld [smem:$0x3FA3]  }
0x2b: {  	s6 =	sld [smem:$0x3FA4]  }
0x2c: {  	s7 =	sld [smem:$0x3FA5]  }
0x2d: {  	s3 =	simm.s32 $0x108;
	s8 =	sld [smem:$0x3FA6]  }
0x2e: {  	s3 =	simm.s32 @!p0 $0x1082;
	s9 =	sld [smem:$0x3FA7]  }
0x2f: {  	lr =	sadd.s32 s0, s3;
	s0 =	sld [smem:$0x3F9E]  }
0x30: {  	s3 =	sld [smem:$0x3FA1]  }
0x31: {  	[smem:$0x3FAA] =	sst s10  }
0x32: {  	s10 =	sld [smem:$0x3FA8];
	_ =	sdelay $0x3  }
0x33: {  	p0 =	seq.s32 s10, $0x1;
	s10 =	sld [smem:$0x3FAA];
	_ =	sdelay $0x3  }
0x34: {  	[smem:$0x3FAA] =	sst s10  }
0x35: {  	s10 =	sld [smem:$0x3FA9];
	_ =	sdelay $0x3  }
0x36: {  	p1 =	seq.s32 s10, $0x1;
	s10 =	sld [smem:$0x3FAA];
	_ =	sdelay $0x3  }
0x37: {  	[smem:$0x3FAA] =	sst s10  }
0x38: {  	s10 =	sld [smem:$0x3FAB]  }
0x39: {  	_ = 	snop;
	(pc) =	sbr.ind lr, $3  }
0x3a: {  	_ = 	snop  }
0x3b: {  	_ = 	snop  }
0x3c: {  	p2 =	seq.s32 s10, $0x1;
	s10 =	sld [smem:$0x3FAA]  }
0x3d: {  	_ =	shalt  }
0x3e: {  	_ =	shalt  }
0x3f: {  	_ =	shalt  }
0x40: {  	_ =	shalt  }
0x41: {  	_ =	shalt  }
0x42: {  	_ =	shalt  }
0x43: {  	_ =	shalt  }
0x44: {  	_ =	shalt  }
0x45: {  	_ =	shalt  }
0x46: {  	_ =	shalt  }
0x47: {  	_ =	shalt  }
0x48: {  	_ =	shalt  }
0x49: {  	_ =	shalt  }
0x4a: {  	_ =	shalt  }
0x4b: {  	_ =	shalt  }
0x4c: {  	_ =	shalt  }
0x4d: {  	_ =	shalt  }
0x4e: {  	_ =	shalt  }
0x4f: {  	_ =	shalt  }
0x50: {  	_ =	shalt  }
0x51: {  	_ =	shalt  }
0x52: {  	_ =	shalt  }
0x53: {  	_ =	shalt  }
0x54: {  	_ =	shalt  }
0x55: {  	_ =	shalt  }
0x56: {  	_ =	shalt  }
0x57: {  	_ =	shalt  }
0x58: {  	_ =	shalt  }
0x59: {  	_ =	shalt  }
0x5a: {  	_ =	shalt  }
0x5b: {  	_ =	shalt  }
0x5c: {  	_ =	shalt  }
0x5d: {  	_ =	shalt  }
0x5e: {  	_ =	shalt  }
0x5f: {  	_ =	shalt  }
0x60: {  	_ =	shalt  }
0x61: {  	_ =	shalt  }
0x62: {  	_ =	shalt  }
0x63: {  	_ =	shalt  }
0x64: {  	_ =	shalt  }
0x65: {  	_ =	shalt  }
0x66: {  	_ =	shalt  }
0x67: {  	_ =	shalt  }
0x68: {  	_ =	shalt  }
0x69: {  	_ =	shalt  }
0x6a: {  	_ =	shalt  }
0x6b: {  	_ =	shalt  }
0x6c: {  	_ =	shalt  }
0x6d: {  	_ =	shalt  }
0x6e: {  	_ =	shalt  }
0x6f: {  	_ =	shalt  }
0x70: {  	_ =	shalt  }
0x71: {  	_ =	shalt  }
0x72: {  	_ =	shalt  }
0x73: {  	_ =	shalt  }
0x74: {  	_ =	shalt  }
0x75: {  	_ =	shalt  }
0x76: {  	_ =	shalt  }
0x77: {  	_ =	shalt  }
0x78: {  	_ =	shalt  }
0x79: {  	_ =	shalt  }
0x7a: {  	_ =	shalt  }
0x7b: {  	_ =	shalt  }
0x7c: {  	_ =	shalt  }
0x7d: {  	_ =	shalt  }
0x7e: {  	_ =	shalt  }
0x7f: {  	_ =	shalt  }
0x80: {  	_ =	shalt  }
0x81: {  	_ =	shalt  }
0x82: {  	_ =	shalt  }
0x83: {  	_ =	shalt  }
0x84: {  	_ =	shalt  }
0x85: {  	_ =	shalt  }
0x86: {  	_ =	shalt  }
0x87: {  	_ =	shalt  }
.Lfunc_end0:
.L_simem_size_0:
called_computation_lowered:
.L_overlay_start_0:
0x88: {  	s2 =	sld [smem:$0x3FD9]  }
0x89: {  	s3 =	sld [smem:$0x3FFE];
	_ =	sdelay $0x1  }
0x8a: {  	s1 =	srdreg.scid  }
0x8b: {  	s0 =	sand.u32 $0x1, s1  }
0x8c: {  	s14 =	sshll.u32 s0, $0xA;
	s2 =	sadd.s32 s3, s2  }
0x8d: {  	s2 =	sadd.s32 s2, s14  }
0x8e: {  	[smem:$0x3FB6] =	sst s2  }
0x8f: {  	_ = 	snop  }
0x90: {  	s2 =	sld [smem:$0x3FD0];
	_ =	sdelay $0x2  }
0x91: {  	s15 =	simm.s32 $0xA;
	s4 =	simm.s32 $0x10  }
0x92: {  	[smem:s4], [sflag:s15] =	dma.local [hbm:s2], $0x1  }
0x93: {  	_ =	swait.eq [sflag:s15], $0x1  }
0x94: {  	[sflag:s15] =	ssyncset.done $0x0  }
0x95: {  	[sflag:s15] =	ssyncadd.s32 $0xFFFFFFFF  }
0x96: {  	s16 =	sld [smem:$0x10];
	(tm) =	ssettm $0x1  }
0x97: {  	s17 =	sld [smem:$0x3FFB];
	_ =	sdelay $0x3  }
0x98: {  	_ =	strace s17  }
0x99: {  	s3 =	sld [smem:$0x3FFC];
	_ =	sdelay $0x3  }
0x9a: {  	_ =	strace s3  }
0x9b: {  	s3 =	sld [smem:$0x3FFD];
	_ =	sdelay $0x3  }
0x9c: {  	_ =	strace s3  }
0x9d: {  	_ =	strace $0x8FFFFFFF  }
0x9e: {  	s18 =	sld [smem:$0x3FDB];
	_ =	sdelay $0x1  }
0x9f: {  	s19 =	simm.s32 $_scs_section_size  }
0xa0: {  	s5 =	simm.s32 $_size__tile_overlayer_lowered;
	s6 =	simm.s32 $_tile_overlayer_lowered  }
0xa1: {  	s22 =	simm.s32 $0x1BFF;
	s21 =	sshll.u32 s6, $0x1;
	s3 =	sadd.s32 s19, s18  }
0xa2: {  	s7 =	simm.s32 $0x0;
	s20 =	sshll.u32 s5, $0x1;
	s5 =	sadd.s32 s21, s3  }
0xa3: {  	[timem:s7], [sflag:s22] =	dma.local [hbm:s5], s20  }
0xa4: {  	_ =	swait.ge [sflag:s22], s20  }
0xa5: {  	s4 =	ssub.s32 $0x0, s20;
	[sflag:s22] =	ssyncset.done $0x0  }
0xa6: {  	[sflag:s22] =	ssyncadd.s32 s4;
	_ =	sdelay $0x1  }
0xa7: {  	s23 =	simm.s32 $0x1B8B  }
0xa8: {  	_ =	swait.ge [sflag:s23], $0x1  }
0xa9: {  	[sflag:s23] =	ssyncset.done $0x0  }
0xaa: {  	s25 =	simm.s32 $0x1B8E;
	s24 =	sld [smem:$0x3FFE];
	[sflag:s23] =	ssyncadd.s32 $0xFFFFFFFF  }
0xab: {  	s26 =	simm.s32 $execute0_lowered;
	[smem:$0x3FD2] =	sst s25  }
0xac: {  	s5 =	sshll.u32 s26, $0x1;
	_ =	strace $0x80000046;
	[dreg:$0x1] =	wrdreg $0xFFFFFFFF  }
0xad: {  	s28 =	simm.s32 $_size_execute0_lowered;
	s3 =	sadd.s32 s3, s5;
	[dreg:$0x0] =	wrdreg $0x0  }
0xae: {  	s5 =	sshll.u32 s28, $0x1;
	[dreg:$0x2] =	wrdreg s3  }
0xaf: {  	[dreg:$0x3] =	wrdreg s5  }
0xb0: {  	[dreg:$0x4] =	wrdreg $0xC0  }
0xb1: {  	_ =	task [dreg:s7], $0x5FFFF  }
0xb2: {  	[dreg:$0x1] =	wrdreg $0xFFFFFFFF  }
0xb3: {  	[dreg:$0x0] =	wrdreg $0x60  }
0xb4: {  	[dreg:$0x2] =	wrdreg s24  }
0xb5: {  	[dreg:$0x3] =	wrdreg s16  }
0xb6: {  	[dreg:$0x4] =	wrdreg $0x68000  }
0xb7: {  	[dreg:$0x5] =	wrdreg $0x9  }
0xb8: {  	_ =	task.clear_ibuf [dreg:s7], $0x6FFFF;
	_ =	strace $0x90000046  }
0xb9: {  	s29 =	simm.s32 $0x9;
	_ =	strace $0x80000048  }
0xba: {  	_ =	swait.ge [sflag:s29], $0x1  }
0xbb: {  	[sflag:s29] =	ssyncadd.s32 $0xFFFFFFFF  }
0xbc: {  	_ =	strace $0x90000048  }
0xbd: {  	_ =	sfence  }
0xbe: {  	s30 =	sld [smem:$0x0];
	_ =	sdelay $0x2  }
0xbf: {  	s31 =	sshll.u32 s1, $0xD;
	s1 =	sshrl.u32 s1, $0x2  }
0xc0: {  	s3 =	sand.u32 $0x4000, s31;
	s1 =	sadd.s32 s1, s30  }
0xc1: {  	s0 =	sor.u32 s3, s0;
	s1 =	sshll.u32 s1, $0x11  }
0xc2: {  	s0 =	sor.u32 s1, s0  }
0xc3: {  	s0 =	sadd.s32 $0x8F2B, s0  }
0xc4: {  	[sflag:s0] =	ssyncadd.remote.s32 $0x1  }
0xc5: {  	_ =	sfence.sel $0xFFFF  }
0xc6: {  	[dreg:$0x0] =	wrdreg $0xFFFFFFFF;
	(pc) =	sbr.abs _section_cstart, $3  }
0xc7: {  	[dreg:$0x1] =	wrdreg $0xFFFFFFFF  }
0xc8: {  	_ =	task.clear_ibuf [dreg:s7], $0x2FFFF;
	_ =	strace $0x9FFFFFFF  }
0xc9: {  	(tm) =	ssettm $0x7FFFFFFF  }
tec
execute0_lowered:
.L_overlay_start_1:
0x0: {  	(tag) =	ssettag $0x1  }
0x1: {  	s7 =	rddreg [dreg:$0x0]  }
0x2: {  	s0 =	srdreg.scid;
	s2 =	rddreg [dreg:$0x1]  }
0x3: {  	s3 =	rddreg [dreg:$0x2];
	s4 =	simm.s32 $0x0;
	s6 =	sand.u32 $0x1, s0  }
0x4: {  	s13 =	simm.s32 $0x80;
	s0 =	stileid.u32;
	s8 =	smul.u32 $0x13C000, s6  }
0x5: {  	s14 =	simm.s32 $0x0;
	[smem:$0x7FF] =	sst s4;
	s9 =	smul.u32 $0x13C00, s0  }
0x6: {  	s1 =	sshll.u32 s6, $0x4;
	s30 =	smul.u32 $0x4F000, s0;
	s6 =	ssub.s32 $0x2, s6  }
0x7: {  	s11 =	sshll.u32 s0, $0x6;
	s1 =	sor.u32 s0, s1;
	s31 =	sshrl.u32 s6, $0x1  }
0x8: {  	s11 =	sor.u32 $0x1C01, s11;
	s5 =	smul.u32 $0x500, s1;
	s1 =	rddreg [dreg:$0x3]  }
0x9: {  	_ =	strace $0x80000047;
	s8 =	sadd.s32 s9, s8;
	s9 =	sshrl.u32 s30, $0x2  }
0xa: {  	s8 =	sshrl.u32 s8, $0x3;
	s12 =	sadd.s32 s9, s3;
	s9 =	simm.s32 $0x2800  }
0xb: {  	s10 =	sadd.s32 s5, s7;
	s5 =	sadd.s32 $0xEE00, s7;
	s7 =	sadd.s32 s8, s7  }
0xc: {  	s8 =	ssub.s32 s6, s31;
	s12 =	sshrl.u32 s12, $0x3;
	s6 =	sadd.s32 $0x4E00, s10  }
0xd: {  	s7 =	sadd.s32 $0xF600, s7;
	s8 =	smax.u32 s8, $0x1;
	s10 =	simm.s32 $0x1  }
.LBB2_1:
0xe: {  	[tilespmem:s9], [sflag:$0x1] =	stream.linear.gather [hbm4b:s5+s4], $0x4000, $0x38;
	[tilespmem:$0x1A400] =	vst v63  }
0xf: {  	_ =	swait.ge [sflag:s10], $0x4000  }
0x10: {  	[sflag:s10] =	ssyncset.done $0x0  }
0x11: {  	[sflag:s10] =	ssyncadd.s32 $0xFFFFC000  }
0x12: {  	[tilespmem:s4], [sflag:$0x1] =	stream.linear.gather [hbm4b:s6+s4], $0x2800, $0x38;
	[tilespmem:$0x1A400] =	vst v63  }
0x13: {  	_ =	swait.ge [sflag:s10], $0x2800  }
0x14: {  	[sflag:s10] =	ssyncset.done $0x0  }
0x15: {  	[sflag:s10] =	ssyncadd.s32 $0xFFFFD800  }
0x16: {  	[spmem:s12], [sflag:s11] =	dma.local [hbm:s2], $0x2780  }
0x17: {  	_ =	swait.ge [sflag:s10], $0x2780  }
0x18: {  	[sflag:s10] =	ssyncset.done $0x0  }
0x19: {  	[sflag:s10] =	ssyncadd.s32 $0xFFFFD880  }
0x1a: {  	s15 =	simm.s32 $0x0;
	[bflag:$0x0] =	sbarrier.arrive $0xFFFF  }
0x1b: {  	[spmem:s3] =	stream.indirect.scatter.add.f32 [tilespmem:s9], [sflag:$0x1], $0x80, s15, s13, $0xb8;
	[tilespmem:$0x1A400] =	vst v63  }
0x1c: {  	_ =	swait.ge [sflag:s10], $0x4000  }
0x1d: {  	s15 =	simm.s32 $0x200;
	[sflag:s10] =	ssyncset.done $0x0  }
.LBB2_2:
0x1e: {  	s16 =	sshra.s32 s15, $0x2;
	[sflag:s10] =	ssyncadd.s32 $0xFFFFC000;
	p0 =	sne.s32 s15, $0x9E00  }
0x1f: {  	[spmem:s3] =	stream.indirect.scatter.add.f32 [tilespmem:s9], [sflag:$0x1], $0x80, s16, s13, $0xb8;
	[tilespmem:$0x1A400] =	vst v63  }
.Ltmp0:
0x20: {  	_ = 	snop;
	(pc) =	sbr.rel @p0 .LBB2_2-.Ltmp0, $4  }
0x21: {  	_ = 	snop  }
0x22: {  	s15 =	sadd.s32 $0x200, s15  }
0x23: {  	_ =	swait.ge [sflag:s10], $0x4000  }
0x24: {  	[sflag:s10] =	ssyncset.done $0x0  }
0x25: {  	s14 =	sadd.s32 $0x1, s14  }
0x26: {  	[sflag:s10] =	ssyncadd.s32 $0xFFFFC000;
	p0 =	sne.s32 s14, s8  }
.Ltmp1:
0x27: {  	[bflag:$0x0] =	sbarrier.arrive $0xFFFF;
	(pc) =	sbr.rel @p0 .LBB2_1-.Ltmp1, $4  }
0x28: {  	[hbm:s7], [sflag:s11] =	dma.local [spmem:s12], $0x2780  }
0x29: {  	_ =	swait.ge [sflag:s10], $0x2780  }
0x2a: {  	[sflag:s10] =	ssyncset.done $0x0  }
0x2b: {  	[sflag:s10] =	ssyncadd.s32 $0xFFFFD880  }
0x2c: {  	_ =	sfence.sel $0x180000  }
0x2d: {  	[bflag:$0x0] =	sbarrier.arrive $0xFFFF  }
0x2e: {  	p0 =	sne.s32 s0, $0x0;
	_ =	strace $0x90000047  }
0x2f: {  	s0 =	sadd.s32 @!p0 $0x100000, s1;
	[bflag:$0x2] =	sbarrier.arrive $0xFFFF  }
0x30: {  	[sflag:s0] =	ssyncadd.tile.s32 @!p0 $0x1;
	_ =	shalt  }
.Lfunc_end2:
_tile_overlayer_lowered:
.L_overlay_start_2:
0x31: {  	(tag) =	ssettag $0x2  }
0x32: {  	s0 =	rddreg [dreg:$0x0];
	s2 =	stileid.u32  }
0x33: {  	s1 =	rddreg [dreg:$0x1];
	p0 =	sne.s32 s2, $0x0  }
0x34: {  	s3 =	rddreg [dreg:$0x2];
	[bflag:$0x3] =	sbarrier.arrive $0xFFFF;
	s2 =	simm.s32 @!p0 $0x1C01  }
0x35: {  	[timem:s3], [sflag:s2] =	dma.local @!p0 [hbm:s0], s1  }
0x36: {  	s0 =	simm.s32 @!p0 $0x1  }
0x37: {  	_ =	swait.ge @!p0 [sflag:s0], s1  }
0x38: {  	s1 =	ssub.s32 @!p0 $0x0, s1;
	[sflag:s0] =	ssyncset.done @!p0 $0x0  }
0x39: {  	[sflag:s0] =	ssyncadd.s32 @!p0 s1  }
0x3a: {  	[bflag:$0x3] =	sbarrier.arrive $0xFFFF  }
0x3b: {  	_ =	shalt  }

// kernel: kernel.14.cloned.1.call-start
scs
__scs_entry_jumppad:
0x0: {  	(pc) =	sbr.rel $0x88, $3  }
0x1: {  	(tag) =	ssettag $0x0;
	lr =	simm.s32 $0x1  }
0x2: {  	[smem:$0x3F8F] =	sst lr;
	_ =	strace $0xD0000000  }
0x3: {  	_ = 	snop  }
0x4: {  	_ = 	snop  }
0x5: {  	_ = 	snop  }
0x6: {  	_ = 	snop  }
0x7: {  	_ = 	snop  }
__scs_overlays_trampoline_lowered:
0x8: {  	[smem:$0x3F9E] =	sst s0  }
0x9: {  	[smem:$0x3F9F] =	sst s1  }
0xa: {  	[smem:$0x3FA0] =	sst s2  }
0xb: {  	[smem:$0x3FA1] =	sst s3  }
0xc: {  	[smem:$0x3FA2] =	sst s4  }
0xd: {  	[smem:$0x3FA3] =	sst s5  }
0xe: {  	[smem:$0x3FA4] =	sst s6  }
0xf: {  	[smem:$0x3FA5] =	sst s7  }
0x10: {  	[smem:$0x3FA6] =	sst s8  }
0x11: {  	[smem:$0x3FA7] =	sst s9;
	s0 =	simm.s32 @!p0 $0x0  }
0x12: {  	s1 =	sld [smem:$0x3F8D];
	s0 =	simm.s32 @p0 $0x1  }
0x13: {  	[smem:$0x3FA8] =	sst s0;
	s0 =	simm.s32 @!p1 $0x0  }
0x14: {  	s2 =	sld [smem:$0x3F8C];
	s0 =	simm.s32 @p1 $0x1  }
0x15: {  	[smem:$0x3FA9] =	sst s0;
	s0 =	simm.s32 @!p2 $0x0  }
0x16: {  	s3 =	sld [smem:$0x3FDB];
	s0 =	simm.s32 @p2 $0x1  }
0x17: {  	s4 =	simm.s32 $0x1BF5;
	[smem:$0x3FAB] =	sst s0  }
0x18: {  	s0 =	sld [smem:$0x3F8E];
	_ =	swait.ge [sflag:s4], $0x0  }
0x19: {  	s7 =	sld [smem:$0x3F8F]  }
0x1a: {  	s8 =	sadd.s32 $0xFFFFE003, lr  }
0x1b: {  	s9 =	sadd.s32 $0xFFFFFEF7, lr;
	s5 =	simm.s32 $0xFFFFFFFF;
	p2 =	slt.u32 s8, $0xFFFFF086  }
0x1c: {  	p1 =	slt.u32 s9, $0xF7A;
	s5 =	simm.s32 @!p2 $0x0  }
0x1d: {  	s5 =	simm.s32 @p1 $0x1;
	p0 =	seq.s32 s7, s2  }
0x1e: {  	s7 =	smul.u32 @!p0 $0xF7A, s2;
	p2 =	seq.s32 @!p0 s5, $0x0  }
0x1f: {  	s9 =	smul.u32 $0xF7A, s1;
	s8 =	simm.s32 @!p0 $0x1BF5;
	p2 =	por !p2, p0  }
0x20: {  	[sflag:s8] =	ssyncset.s32 @!p0 $0xFFFFF086;
	s6 =	sadd.s32 @!p0 s3, s7;
	s7 =	simm.s32 @!p0 $0x108  }
0x21: {  	s3 =	sadd.s32 s3, s9;
	s6 =	sadd.s32 @!p0 $0x88, s6;
	s7 =	simm.s32 @p2 $0x1082  }
0x22: {  	[simem:s7], [sflag:s8] =	dma.local @!p0 [hbm:s6], $0xF7A  }
0x23: {  	s9 =	sor.u32 $0xD0000000, s2;
	s6 =	simm.s32 $0x108;
	_ =	swait.ge @!p0 [sflag:s8], $0x0  }
0x24: {  	s3 =	sadd.s32 $0x88, s3;
	s6 =	simm.s32 @!p1 $0x1082;
	[sflag:s4] =	ssyncset.s32 $0xFFFFF086  }
0x25: {  	[simem:s6], [sflag:s4] =	dma.local [hbm:s3], $0xF7A  }
0x26: {  	[smem:$0x3F8F] =	sst s1;
	(tag) =	ssettag s2;
	_ =	strace s9  }
0x27: {  	s1 =	sld [smem:$0x3F9F]  }
0x28: {  	s2 =	sld [smem:$0x3FA0]  }
0x29: {  	s4 =	sld [smem:$0x3FA2]  }
0x2a: {  	p0 =	seq.s32 s5, $0x0;
	s5 =	sld [smem:$0x3FA3]  }
0x2b: {  	s6 =	sld [smem:$0x3FA4]  }
0x2c: {  	s7 =	sld [smem:$0x3FA5]  }
0x2d: {  	s3 =	simm.s32 $0x108;
	s8 =	sld [smem:$0x3FA6]  }
0x2e: {  	s3 =	simm.s32 @!p0 $0x1082;
	s9 =	sld [smem:$0x3FA7]  }
0x2f: {  	lr =	sadd.s32 s0, s3;
	s0 =	sld [smem:$0x3F9E]  }
0x30: {  	s3 =	sld [smem:$0x3FA1]  }
0x31: {  	[smem:$0x3FAA] =	sst s10  }
0x32: {  	s10 =	sld [smem:$0x3FA8];
	_ =	sdelay $0x3  }
0x33: {  	p0 =	seq.s32 s10, $0x1;
	s10 =	sld [smem:$0x3FAA];
	_ =	sdelay $0x3  }
0x34: {  	[smem:$0x3FAA] =	sst s10  }
0x35: {  	s10 =	sld [smem:$0x3FA9];
	_ =	sdelay $0x3  }
0x36: {  	p1 =	seq.s32 s10, $0x1;
	s10 =	sld [smem:$0x3FAA];
	_ =	sdelay $0x3  }
0x37: {  	[smem:$0x3FAA] =	sst s10  }
0x38: {  	s10 =	sld [smem:$0x3FAB]  }
0x39: {  	_ = 	snop;
	(pc) =	sbr.ind lr, $3  }
0x3a: {  	_ = 	snop  }
0x3b: {  	_ = 	snop  }
0x3c: {  	p2 =	seq.s32 s10, $0x1;
	s10 =	sld [smem:$0x3FAA]  }
0x3d: {  	_ =	shalt  }
0x3e: {  	_ =	shalt  }
0x3f: {  	_ =	shalt  }
0x40: {  	_ =	shalt  }
0x41: {  	_ =	shalt  }
0x42: {  	_ =	shalt  }
0x43: {  	_ =	shalt  }
0x44: {  	_ =	shalt  }
0x45: {  	_ =	shalt  }
0x46: {  	_ =	shalt  }
0x47: {  	_ =	shalt  }
0x48: {  	_ =	shalt  }
0x49: {  	_ =	shalt  }
0x4a: {  	_ =	shalt  }
0x4b: {  	_ =	shalt  }
0x4c: {  	_ =	shalt  }
0x4d: {  	_ =	shalt  }
0x4e: {  	_ =	shalt  }
0x4f: {  	_ =	shalt  }
0x50: {  	_ =	shalt  }
0x51: {  	_ =	shalt  }
0x52: {  	_ =	shalt  }
0x53: {  	_ =	shalt  }
0x54: {  	_ =	shalt  }
0x55: {  	_ =	shalt  }
0x56: {  	_ =	shalt  }
0x57: {  	_ =	shalt  }
0x58: {  	_ =	shalt  }
0x59: {  	_ =	shalt  }
0x5a: {  	_ =	shalt  }
0x5b: {  	_ =	shalt  }
0x5c: {  	_ =	shalt  }
0x5d: {  	_ =	shalt  }
0x5e: {  	_ =	shalt  }
0x5f: {  	_ =	shalt  }
0x60: {  	_ =	shalt  }
0x61: {  	_ =	shalt  }
0x62: {  	_ =	shalt  }
0x63: {  	_ =	shalt  }
0x64: {  	_ =	shalt  }
0x65: {  	_ =	shalt  }
0x66: {  	_ =	shalt  }
0x67: {  	_ =	shalt  }
0x68: {  	_ =	shalt  }
0x69: {  	_ =	shalt  }
0x6a: {  	_ =	shalt  }
0x6b: {  	_ =	shalt  }
0x6c: {  	_ =	shalt  }
0x6d: {  	_ =	shalt  }
0x6e: {  	_ =	shalt  }
0x6f: {  	_ =	shalt  }
0x70: {  	_ =	shalt  }
0x71: {  	_ =	shalt  }
0x72: {  	_ =	shalt  }
0x73: {  	_ =	shalt  }
0x74: {  	_ =	shalt  }
0x75: {  	_ =	shalt  }
0x76: {  	_ =	shalt  }
0x77: {  	_ =	shalt  }
0x78: {  	_ =	shalt  }
0x79: {  	_ =	shalt  }
0x7a: {  	_ =	shalt  }
0x7b: {  	_ =	shalt  }
0x7c: {  	_ =	shalt  }
0x7d: {  	_ =	shalt  }
0x7e: {  	_ =	shalt  }
0x7f: {  	_ =	shalt  }
0x80: {  	_ =	shalt  }
0x81: {  	_ =	shalt  }
0x82: {  	_ =	shalt  }
0x83: {  	_ =	shalt  }
0x84: {  	_ =	shalt  }
0x85: {  	_ =	shalt  }
0x86: {  	_ =	shalt  }
0x87: {  	_ =	shalt  }
.Lfunc_end0:
.L_simem_size_0:
called_computation.1_lowered:
.L_overlay_start_0:
0x88: {  	s2 =	sld [smem:$0x3FD9]  }
0x89: {  	s3 =	sld [smem:$0x3FFE];
	_ =	sdelay $0x1  }
0x8a: {  	s1 =	srdreg.scid  }
0x8b: {  	s0 =	sand.u32 $0x1, s1  }
0x8c: {  	s17 =	sshll.u32 s0, $0xA;
	s2 =	sadd.s32 s3, s2  }
0x8d: {  	s2 =	sadd.s32 s2, s17  }
0x8e: {  	[smem:$0x3FB6] =	sst s2  }
0x8f: {  	_ = 	snop  }
0x90: {  	s2 =	sld [smem:$0x3FC9];
	(tm) =	ssettm $0x1  }
0x91: {  	s18 =	sld [smem:$0x3FFB];
	_ =	sdelay $0x3  }
0x92: {  	_ =	strace s18  }
0x93: {  	s3 =	sld [smem:$0x3FFC];
	_ =	sdelay $0x3  }
0x94: {  	_ =	strace s3  }
0x95: {  	s3 =	sld [smem:$0x3FFD];
	_ =	sdelay $0x3  }
0x96: {  	_ =	strace s3  }
0x97: {  	_ =	strace $0x8FFFFFFF  }
0x98: {  	s19 =	sld [smem:$0x3FDB];
	_ =	sdelay $0x1  }
0x99: {  	s4 =	simm.s32 $_scs_section_size  }
0x9a: {  	s5 =	simm.s32 $_size__tile_overlayer_lowered;
	s6 =	simm.s32 $_tile_overlayer_lowered  }
0x9b: {  	s22 =	simm.s32 $0x1BFF;
	s21 =	sshll.u32 s6, $0x1;
	s3 =	sadd.s32 s4, s19  }
0x9c: {  	s7 =	simm.s32 $0x0;
	s20 =	sshll.u32 s5, $0x1;
	s5 =	sadd.s32 s21, s3  }
0x9d: {  	[timem:s7], [sflag:s22] =	dma.local [hbm:s5], s20  }
0x9e: {  	_ =	swait.ge [sflag:s22], s20  }
0x9f: {  	s4 =	ssub.s32 $0x0, s20;
	[sflag:s22] =	ssyncset.done $0x0  }
0xa0: {  	[sflag:s22] =	ssyncadd.s32 s4;
	_ =	sdelay $0x1  }
0xa1: {  	s23 =	simm.s32 $0x1B8B  }
0xa2: {  	_ =	swait.ge [sflag:s23], $0x1  }
0xa3: {  	[sflag:s23] =	ssyncset.done $0x0  }
0xa4: {  	s25 =	simm.s32 $0x1B8E;
	s24 =	sld [smem:$0x3FFE];
	[sflag:s23] =	ssyncadd.s32 $0xFFFFFFFF  }
0xa5: {  	s26 =	simm.s32 $execute0_lowered;
	[smem:$0x3FD2] =	sst s25  }
0xa6: {  	s5 =	sshll.u32 s26, $0x1;
	_ =	strace $0x80000049;
	[dreg:$0x1] =	wrdreg $0xFFFFFFFF  }
0xa7: {  	s28 =	simm.s32 $_size_execute0_lowered;
	s3 =	sadd.s32 s3, s5;
	[dreg:$0x0] =	wrdreg $0x0  }
0xa8: {  	s5 =	sshll.u32 s28, $0x1;
	[dreg:$0x2] =	wrdreg s3  }
0xa9: {  	[dreg:$0x3] =	wrdreg s5  }
0xaa: {  	[dreg:$0x4] =	wrdreg $0xC0  }
0xab: {  	_ =	task [dreg:s7], $0x5FFFF  }
0xac: {  	[dreg:$0x1] =	wrdreg $0xFFFFFFFF  }
0xad: {  	[dreg:$0x0] =	wrdreg $0x60  }
0xae: {  	[dreg:$0x2] =	wrdreg s2  }
0xaf: {  	[dreg:$0x3] =	wrdreg s24  }
0xb0: {  	[dreg:$0x4] =	wrdreg $0xBC000  }
0xb1: {  	[dreg:$0x5] =	wrdreg $0x9  }
0xb2: {  	_ =	task.clear_ibuf [dreg:s7], $0x6FFFF;
	_ =	strace $0x90000049  }
0xb3: {  	s29 =	simm.s32 $0x9;
	_ =	strace $0x8000004B  }
0xb4: {  	_ =	swait.ge [sflag:s29], $0x1  }
0xb5: {  	[sflag:s29] =	ssyncadd.s32 $0xFFFFFFFF  }
0xb6: {  	_ =	strace $0x9000004B  }
0xb7: {  	_ =	sfence  }
0xb8: {  	s30 =	sld [smem:$0x0];
	_ =	sdelay $0x2  }
0xb9: {  	s31 =	sshll.u32 s1, $0xD;
	s1 =	sshrl.u32 s1, $0x2  }
0xba: {  	s3 =	sand.u32 $0x4000, s31;
	s1 =	sadd.s32 s1, s30  }
0xbb: {  	s0 =	sor.u32 s3, s0;
	s1 =	sshll.u32 s1, $0x11  }
0xbc: {  	s0 =	sor.u32 s1, s0  }
0xbd: {  	s0 =	sadd.s32 $0x8F2B, s0  }
0xbe: {  	[sflag:s0] =	ssyncadd.remote.s32 $0x1  }
0xbf: {  	_ =	sfence.sel $0xFFFF  }
0xc0: {  	[dreg:$0x0] =	wrdreg $0xFFFFFFFF;
	(pc) =	sbr.abs _section_cstart, $3  }
0xc1: {  	[dreg:$0x1] =	wrdreg $0xFFFFFFFF  }
0xc2: {  	_ =	task.clear_ibuf [dreg:s7], $0x2FFFF;
	_ =	strace $0x9FFFFFFF  }
0xc3: {  	(tm) =	ssettm $0x7FFFFFFF  }
tec
execute0_lowered:
.L_overlay_start_1:
0x0: {  	(tag) =	ssettag $0x1  }
0x1: {  	s2 =	rddreg [dreg:$0x0]  }
0x2: {  	s0 =	srdreg.scid;
	s6 =	rddreg [dreg:$0x1]  }
0x3: {  	s3 =	rddreg [dreg:$0x2];
	s4 =	simm.s32 $0x0;
	s15 =	simm.s32 $0x80  }
0x4: {  	s16 =	simm.s32 $0x3C00;
	s17 =	simm.s32 $0x1;
	s18 =	simm.s32 $0x7C00  }
0x5: {  	s19 =	simm.s32 $0x2;
	s20 =	simm.s32 $0x1380;
	s21 =	simm.s32 $0x2700  }
0x6: {  	s22 =	simm.s32 $0x2780;
	s23 =	simm.s32 $0x3B00;
	s5 =	sand.u32 $0x1, s0  }
0x7: {  	s24 =	simm.s32 $0x3B80;
	s0 =	stileid.u32;
	s8 =	smul.u32 $0x13C000, s5  }
0x8: {  	s25 =	simm.s32 $0x0;
	[smem:$0x7FF] =	sst s4;
	s9 =	smul.u32 $0x13C00, s0  }
0x9: {  	s1 =	sshll.u32 s5, $0x4;
	s28 =	ssub.s32 $0x2, s5;
	s29 =	smul.u32 $0x4F000, s0  }
0xa: {  	s5 =	sadd.s32 $0x68600, s6;
	s13 =	sshll.u32 s0, $0x6;
	s1 =	sor.u32 s0, s1  }
0xb: {  	s30 =	sshrl.u32 s28, $0x1;
	s13 =	sor.u32 $0x1C03, s13;
	s7 =	smul.u32 $0x2800, s1  }
0xc: {  	s1 =	rddreg [dreg:$0x3];
	_ =	strace $0x8000004A;
	s26 =	sadd.s32 s9, s8  }
0xd: {  	s12 =	ssub.s32 s28, s30;
	s31 =	sshrl.u32 s29, $0x2;
	s7 =	sshrl.u32 s7, $0x3  }
0xe: {  	s14 =	sadd.s32 s31, s3;
	s10 =	sadd.s32 s7, s6;
	s7 =	sshrl.u32 s26, $0x3  }
0xf: {  	s14 =	sshrl.u32 s14, $0x3;
	s11 =	sadd.s32 s7, s6;
	s6 =	sadd.s32 $0x4E00, s10  }
0x10: {  	s7 =	sadd.s32 $0x5E600, s10;
	s8 =	sadd.s32 $0x5E880, s10;
	s10 =	smax.u32 s12, $0x1  }
0x11: {  	s12 =	simm.s32 $0x3;
	s9 =	sadd.s32 $0x6AE00, s11;
	s11 =	simm.s32 $0x1400  }
.LBB2_1:
0x12: {  	[tilespmem:s11], [sflag:$0x3] =	stream.linear.gather [hbm4b:s6+s4], $0x2800, $0x38;
	[tilespmem:$0x1F800] =	vst v63  }
0x13: {  	_ =	swait.ge [sflag:s12], $0x2800  }
0x14: {  	[sflag:s12] =	ssyncset.done $0x0  }
0x15: {  	[sflag:s12] =	ssyncadd.s32 $0xFFFFD800  }
0x16: {  	[spmem:s14], [sflag:s13] =	dma.local [hbm:s5], $0x2780  }
0x17: {  	_ =	swait.ge [sflag:s12], $0x2780  }
0x18: {  	[sflag:s12] =	ssyncset.done $0x0  }
0x19: {  	[sflag:s12] =	ssyncadd.s32 $0xFFFFD880  }
0x1a: {  	[bflag:$0x0] =	sbarrier.arrive $0xFFFF  }
0x1b: {  	[tilespmem:s4], [sflag:$0x3] =	stream.linear.gather [hbm4b:s7+s4], $0x1400, $0x38;
	[tilespmem:$0x1F800] =	vst v63  }
0x1c: {  	_ =	swait.ge [sflag:s12], $0x1400  }
0x1d: {  	[sflag:s12] =	ssyncset.done $0x0  }
0x1e: {  	[sflag:s12] =	ssyncadd.s32 $0xFFFFEC00  }
0x1f: {  	[tilespmem:s16], [sflag:$0x1] =	stream.indirect.gather [hbm4b:s2+s15], $0x80, s4, s15, $0xb8;
	[tilespmem:$0x1F800] =	vst v63  }
0x20: {  	_ =	swait.ge [sflag:s17], $0x4000  }
0x21: {  	[sflag:s17] =	ssyncset.done $0x0  }
0x22: {  	s26 =	simm.s32 $0x80;
	[sflag:s17] =	ssyncadd.s32 $0xFFFFC000  }
0x23: {  	[tilespmem:s18], [sflag:$0x2] =	stream.indirect.gather [hbm4b:s2+s15], $0x80, s26, s15, $0xb8;
	[tilespmem:$0x1F800] =	vst v63  }
0x24: {  	s29 =	simm.s32 $0x1400  }
0x25: {  	[spmem:s3] =	stream.indirect.scatter.add.f32 [tilespmem:s16], [sflag:$0x3], $0x80, s29, s15, $0xb8;
	[tilespmem:$0x1F800] =	vst v63  }
0x26: {  	_ =	swait.ge [sflag:s12], $0x4000  }
0x27: {  	[sflag:s12] =	ssyncset.done $0x0  }
0x28: {  	[sflag:s12] =	ssyncadd.s32 $0xFFFFC000  }
0x29: {  	_ =	swait.ge [sflag:s19], $0x4000  }
0x2a: {  	[sflag:s19] =	ssyncset.done $0x0  }
0x2b: {  	s30 =	simm.s32 $0x100;
	[sflag:s19] =	ssyncadd.s32 $0xFFFFC000  }
0x2c: {  	[tilespmem:s16], [sflag:$0x1] =	stream.indirect.gather [hbm4b:s2+s15], $0x80, s30, s15, $0xb8;
	[tilespmem:$0x1F800] =	vst v63  }
0x2d: {  	s31 =	simm.s32 $0x1480  }
0x2e: {  	[spmem:s3] =	stream.indirect.scatter.add.f32 [tilespmem:s18], [sflag:$0x3], $0x80, s31, s15, $0xb8;
	[tilespmem:$0x1F800] =	vst v63  }
0x2f: {  	_ =	swait.ge [sflag:s12], $0x4000  }
0x30: {  	s26 =	simm.s32 $0x400;
	[sflag:s12] =	ssyncset.done $0x0  }
.LBB2_2:
0x31: {  	p0 =	sne.s32 s26, $0x4800  }
0x32: {  	[sflag:s12] =	ssyncadd.s32 $0xFFFFC000;
	s28 =	smov.u32 s26;
	s26 =	sadd.s32 $0x400, s26  }
0x33: {  	_ = 	snop  }
0x34: {  	_ =	swait.ge [sflag:s17], $0x4000  }
0x35: {  	s28 =	sshra.s32 s28, $0x2;
	[sflag:s17] =	ssyncset.done $0x0  }
0x36: {  	s29 =	sadd.s32 $0x80, s28;
	[sflag:s17] =	ssyncadd.s32 $0xFFFFC000  }
0x37: {  	[tilespmem:s18], [sflag:$0x2] =	stream.indirect.gather [hbm4b:s2+s15], $0x80, s29, s15, $0xb8;
	[tilespmem:$0x1F800] =	vst v63  }
0x38: {  	s29 =	sadd.s32 $0x1400, s28  }
0x39: {  	[spmem:s3] =	stream.indirect.scatter.add.f32 [tilespmem:s16], [sflag:$0x3], $0x80, s29, s15, $0xb8;
	[tilespmem:$0x1F800] =	vst v63  }
0x3a: {  	_ =	swait.ge [sflag:s12], $0x4000  }
0x3b: {  	[sflag:s12] =	ssyncset.done $0x0  }
0x3c: {  	[sflag:s12] =	ssyncadd.s32 $0xFFFFC000  }
0x3d: {  	_ =	swait.ge [sflag:s19], $0x4000  }
0x3e: {  	[sflag:s19] =	ssyncset.done $0x0  }
0x3f: {  	s29 =	sadd.s32 $0x100, s28;
	[sflag:s19] =	ssyncadd.s32 $0xFFFFC000  }
0x40: {  	[tilespmem:s16], [sflag:$0x1] =	stream.indirect.gather [hbm4b:s2+s15], $0x80, s29, s15, $0xb8;
	[tilespmem:$0x1F800] =	vst v63  }
.Ltmp0:
0x41: {  	_ = 	snop;
	(pc) =	sbr.rel @p0 .LBB2_2-.Ltmp0, $4  }
0x42: {  	s28 =	sadd.s32 $0x1480, s28  }
0x43: {  	[spmem:s3] =	stream.indirect.scatter.add.f32 [tilespmem:s18], [sflag:$0x3], $0x80, s28, s15, $0xb8;
	[tilespmem:$0x1F800] =	vst v63  }
0x44: {  	_ =	swait.ge [sflag:s12], $0x4000  }
0x45: {  	[sflag:s12] =	ssyncset.done $0x0  }
0x46: {  	[sflag:s12] =	ssyncadd.s32 $0xFFFFC000  }
0x47: {  	_ =	swait.ge [sflag:s17], $0x4000  }
0x48: {  	[sflag:s17] =	ssyncset.done $0x0  }
0x49: {  	[sflag:s17] =	ssyncadd.s32 $0xFFFFC000  }
0x4a: {  	[tilespmem:s18], [sflag:$0x2] =	stream.indirect.gather [hbm4b:s2+s15], $0x80, s20, s15, $0xb8;
	[tilespmem:$0x1F800] =	vst v63  }
0x4b: {  	_ = 	snop  }
0x4c: {  	[spmem:s3] =	stream.indirect.scatter.add.f32 [tilespmem:s16], [sflag:$0x3], $0x80, s21, s15, $0xb8;
	[tilespmem:$0x1F800] =	vst v63  }
0x4d: {  	_ =	swait.ge [sflag:s12], $0x4000  }
0x4e: {  	[sflag:s12] =	ssyncset.done $0x0  }
0x4f: {  	[sflag:s12] =	ssyncadd.s32 $0xFFFFC000  }
0x50: {  	_ =	swait.ge [sflag:s19], $0x4000  }
0x51: {  	[sflag:s19] =	ssyncset.done $0x0  }
0x52: {  	[sflag:s19] =	ssyncadd.s32 $0xFFFFC000  }
0x53: {  	[spmem:s3] =	stream.indirect.scatter.add.f32 [tilespmem:s18], [sflag:$0x3], $0x80, s22, s15, $0xb8;
	[tilespmem:$0x1F800] =	vst v63  }
0x54: {  	_ =	swait.ge [sflag:s12], $0x4000  }
0x55: {  	[sflag:s12] =	ssyncset.done $0x0  }
0x56: {  	[sflag:s12] =	ssyncadd.s32 $0xFFFFC000  }
0x57: {  	[tilespmem:s4], [sflag:$0x3] =	stream.linear.gather [hbm4b:s8+s4], $0x1400, $0x38;
	[tilespmem:$0x1F800] =	vst v63  }
0x58: {  	_ =	swait.ge [sflag:s12], $0x1400  }
0x59: {  	[sflag:s12] =	ssyncset.done $0x0  }
0x5a: {  	[sflag:s12] =	ssyncadd.s32 $0xFFFFEC00  }
0x5b: {  	[tilespmem:s16], [sflag:$0x1] =	stream.indirect.gather [hbm4b:s2+s15], $0x80, s4, s15, $0xb8;
	[tilespmem:$0x1F800] =	vst v63  }
0x5c: {  	_ =	swait.ge [sflag:s17], $0x4000  }
0x5d: {  	[sflag:s17] =	ssyncset.done $0x0  }
0x5e: {  	s26 =	simm.s32 $0x80;
	[sflag:s17] =	ssyncadd.s32 $0xFFFFC000  }
0x5f: {  	[tilespmem:s18], [sflag:$0x2] =	stream.indirect.gather [hbm4b:s2+s15], $0x80, s26, s15, $0xb8;
	[tilespmem:$0x1F800] =	vst v63  }
0x60: {  	s29 =	simm.s32 $0x2800  }
0x61: {  	[spmem:s3] =	stream.indirect.scatter.add.f32 [tilespmem:s16], [sflag:$0x3], $0x80, s29, s15, $0xb8;
	[tilespmem:$0x1F800] =	vst v63  }
0x62: {  	_ =	swait.ge [sflag:s12], $0x4000  }
0x63: {  	[sflag:s12] =	ssyncset.done $0x0  }
0x64: {  	[sflag:s12] =	ssyncadd.s32 $0xFFFFC000  }
0x65: {  	_ =	swait.ge [sflag:s19], $0x4000  }
0x66: {  	[sflag:s19] =	ssyncset.done $0x0  }
0x67: {  	s30 =	simm.s32 $0x100;
	[sflag:s19] =	ssyncadd.s32 $0xFFFFC000  }
0x68: {  	[tilespmem:s16], [sflag:$0x1] =	stream.indirect.gather [hbm4b:s2+s15], $0x80, s30, s15, $0xb8;
	[tilespmem:$0x1F800] =	vst v63  }
0x69: {  	s31 =	simm.s32 $0x2880  }
0x6a: {  	[spmem:s3] =	stream.indirect.scatter.add.f32 [tilespmem:s18], [sflag:$0x3], $0x80, s31, s15, $0xb8;
	[tilespmem:$0x1F800] =	vst v63  }
0x6b: {  	_ =	swait.ge [sflag:s12], $0x4000  }
0x6c: {  	s26 =	simm.s32 $0xFFFFB800;
	[sflag:s12] =	ssyncset.done $0x0  }
.LBB2_4:
0x6d: {  	p0 =	sne.s32 s26, $0xFFFFFC00  }
0x6e: {  	[sflag:s12] =	ssyncadd.s32 $0xFFFFC000;
	s28 =	smov.u32 s26;
	s26 =	sadd.s32 $0x400, s26  }
0x6f: {  	_ = 	snop  }
0x70: {  	_ =	swait.ge [sflag:s17], $0x4000  }
0x71: {  	s28 =	sshra.s32 s28, $0x2;
	[sflag:s17] =	ssyncset.done $0x0  }
0x72: {  	s29 =	sadd.s32 $0x1380, s28;
	[sflag:s17] =	ssyncadd.s32 $0xFFFFC000  }
0x73: {  	[tilespmem:s18], [sflag:$0x2] =	stream.indirect.gather [hbm4b:s2+s15], $0x80, s29, s15, $0xb8;
	[tilespmem:$0x1F800] =	vst v63  }
0x74: {  	s29 =	sadd.s32 $0x3B00, s28  }
0x75: {  	[spmem:s3] =	stream.indirect.scatter.add.f32 [tilespmem:s16], [sflag:$0x3], $0x80, s29, s15, $0xb8;
	[tilespmem:$0x1F800] =	vst v63  }
0x76: {  	_ =	swait.ge [sflag:s12], $0x4000  }
0x77: {  	[sflag:s12] =	ssyncset.done $0x0  }
0x78: {  	[sflag:s12] =	ssyncadd.s32 $0xFFFFC000  }
0x79: {  	_ =	swait.ge [sflag:s19], $0x4000  }
0x7a: {  	[sflag:s19] =	ssyncset.done $0x0  }
0x7b: {  	s29 =	sadd.s32 $0x1400, s28;
	[sflag:s19] =	ssyncadd.s32 $0xFFFFC000  }
0x7c: {  	[tilespmem:s16], [sflag:$0x1] =	stream.indirect.gather [hbm4b:s2+s15], $0x80, s29, s15, $0xb8;
	[tilespmem:$0x1F800] =	vst v63  }
.Ltmp1:
0x7d: {  	_ = 	snop;
	(pc) =	sbr.rel @p0 .LBB2_4-.Ltmp1, $4  }
0x7e: {  	s28 =	sadd.s32 $0x3B80, s28  }
0x7f: {  	[spmem:s3] =	stream.indirect.scatter.add.f32 [tilespmem:s18], [sflag:$0x3], $0x80, s28, s15, $0xb8;
	[tilespmem:$0x1F800] =	vst v63  }
0x80: {  	_ =	swait.ge [sflag:s12], $0x4000  }
0x81: {  	[sflag:s12] =	ssyncset.done $0x0  }
0x82: {  	[sflag:s12] =	ssyncadd.s32 $0xFFFFC000  }
0x83: {  	_ =	swait.ge [sflag:s17], $0x4000  }
0x84: {  	[sflag:s17] =	ssyncset.done $0x0  }
0x85: {  	[sflag:s17] =	ssyncadd.s32 $0xFFFFC000  }
0x86: {  	[tilespmem:s18], [sflag:$0x2] =	stream.indirect.gather [hbm4b:s2+s15], $0x80, s20, s15, $0xb8;
	[tilespmem:$0x1F800] =	vst v63  }
0x87: {  	_ = 	snop  }
0x88: {  	[spmem:s3] =	stream.indirect.scatter.add.f32 [tilespmem:s16], [sflag:$0x3], $0x80, s23, s15, $0xb8;
	[tilespmem:$0x1F800] =	vst v63  }
0x89: {  	_ =	swait.ge [sflag:s12], $0x4000  }
0x8a: {  	[sflag:s12] =	ssyncset.done $0x0  }
0x8b: {  	[sflag:s12] =	ssyncadd.s32 $0xFFFFC000  }
0x8c: {  	_ =	swait.ge [sflag:s19], $0x4000  }
0x8d: {  	[sflag:s19] =	ssyncset.done $0x0  }
0x8e: {  	[sflag:s19] =	ssyncadd.s32 $0xFFFFC000  }
0x8f: {  	[spmem:s3] =	stream.indirect.scatter.add.f32 [tilespmem:s18], [sflag:$0x3], $0x80, s24, s15, $0xb8;
	[tilespmem:$0x1F800] =	vst v63  }
0x90: {  	_ =	swait.ge [sflag:s12], $0x4000  }
0x91: {  	s25 =	sadd.s32 $0x1, s25;
	[sflag:s12] =	ssyncset.done $0x0  }
0x92: {  	p0 =	sne.s32 s25, s10;
	[sflag:s12] =	ssyncadd.s32 $0xFFFFC000  }
.Ltmp2:
0x93: {  	[bflag:$0x0] =	sbarrier.arrive $0xFFFF;
	(pc) =	sbr.rel @p0 .LBB2_1-.Ltmp2, $4  }
0x94: {  	[hbm:s9], [sflag:s13] =	dma.local [spmem:s14], $0x2780  }
0x95: {  	_ =	swait.ge [sflag:s12], $0x2780  }
0x96: {  	[sflag:s12] =	ssyncset.done $0x0  }
0x97: {  	[sflag:s12] =	ssyncadd.s32 $0xFFFFD880  }
0x98: {  	_ =	sfence.sel $0x180000  }
0x99: {  	[bflag:$0x0] =	sbarrier.arrive $0xFFFF  }
0x9a: {  	p0 =	sne.s32 s0, $0x0;
	_ =	strace $0x9000004A  }
0x9b: {  	s0 =	sadd.s32 @!p0 $0x100000, s1;
	[bflag:$0x2] =	sbarrier.arrive $0xFFFF  }
0x9c: {  	[sflag:s0] =	ssyncadd.tile.s32 @!p0 $0x1;
	_ =	shalt  }
.Lfunc_end2:
_tile_overlayer_lowered:
.L_overlay_start_2:
0x9d: {  	(tag) =	ssettag $0x2  }
0x9e: {  	s0 =	rddreg [dreg:$0x0];
	s2 =	stileid.u32  }
0x9f: {  	s1 =	rddreg [dreg:$0x1];
	p0 =	sne.s32 s2, $0x0  }
0xa0: {  	s3 =	rddreg [dreg:$0x2];
	[bflag:$0x3] =	sbarrier.arrive $0xFFFF;
	s2 =	simm.s32 @!p0 $0x1C03  }
0xa1: {  	[timem:s3], [sflag:s2] =	dma.local @!p0 [hbm:s0], s1  }
0xa2: {  	s0 =	simm.s32 @!p0 $0x3  }
0xa3: {  	_ =	swait.ge @!p0 [sflag:s0], s1  }
0xa4: {  	s1 =	ssub.s32 @!p0 $0x0, s1;
	[sflag:s0] =	ssyncset.done @!p0 $0x0  }
0xa5: {  	[sflag:s0] =	ssyncadd.s32 @!p0 s1  }
0xa6: {  	[bflag:$0x3] =	sbarrier.arrive $0xFFFF  }
0xa7: {  	_ =	shalt  }

// kernel: kernel.17.cloned.1.call-start
scs
__scs_entry_jumppad:
0x0: {  	(pc) =	sbr.rel $0x88, $3  }
0x1: {  	(tag) =	ssettag $0x0;
	lr =	simm.s32 $0x1  }
0x2: {  	[smem:$0x3F8F] =	sst lr;
	_ =	strace $0xD0000000  }
0x3: {  	_ = 	snop  }
0x4: {  	_ = 	snop  }
0x5: {  	_ = 	snop  }
0x6: {  	_ = 	snop  }
0x7: {  	_ = 	snop  }
__scs_overlays_trampoline_lowered:
0x8: {  	[smem:$0x3F9E] =	sst s0  }
0x9: {  	[smem:$0x3F9F] =	sst s1  }
0xa: {  	[smem:$0x3FA0] =	sst s2  }
0xb: {  	[smem:$0x3FA1] =	sst s3  }
0xc: {  	[smem:$0x3FA2] =	sst s4  }
0xd: {  	[smem:$0x3FA3] =	sst s5  }
0xe: {  	[smem:$0x3FA4] =	sst s6  }
0xf: {  	[smem:$0x3FA5] =	sst s7  }
0x10: {  	[smem:$0x3FA6] =	sst s8  }
0x11: {  	[smem:$0x3FA7] =	sst s9;
	s0 =	simm.s32 @!p0 $0x0  }
0x12: {  	s1 =	sld [smem:$0x3F8D];
	s0 =	simm.s32 @p0 $0x1  }
0x13: {  	[smem:$0x3FA8] =	sst s0;
	s0 =	simm.s32 @!p1 $0x0  }
0x14: {  	s2 =	sld [smem:$0x3F8C];
	s0 =	simm.s32 @p1 $0x1  }
0x15: {  	[smem:$0x3FA9] =	sst s0;
	s0 =	simm.s32 @!p2 $0x0  }
0x16: {  	s3 =	sld [smem:$0x3FDB];
	s0 =	simm.s32 @p2 $0x1  }
0x17: {  	s4 =	simm.s32 $0x1BF5;
	[smem:$0x3FAB] =	sst s0  }
0x18: {  	s0 =	sld [smem:$0x3F8E];
	_ =	swait.ge [sflag:s4], $0x0  }
0x19: {  	s7 =	sld [smem:$0x3F8F]  }
0x1a: {  	s8 =	sadd.s32 $0xFFFFE003, lr  }
0x1b: {  	s9 =	sadd.s32 $0xFFFFFEF7, lr;
	s5 =	simm.s32 $0xFFFFFFFF;
	p2 =	slt.u32 s8, $0xFFFFF086  }
0x1c: {  	p1 =	slt.u32 s9, $0xF7A;
	s5 =	simm.s32 @!p2 $0x0  }
0x1d: {  	s5 =	simm.s32 @p1 $0x1;
	p0 =	seq.s32 s7, s2  }
0x1e: {  	s7 =	smul.u32 @!p0 $0xF7A, s2;
	p2 =	seq.s32 @!p0 s5, $0x0  }
0x1f: {  	s9 =	smul.u32 $0xF7A, s1;
	s8 =	simm.s32 @!p0 $0x1BF5;
	p2 =	por !p2, p0  }
0x20: {  	[sflag:s8] =	ssyncset.s32 @!p0 $0xFFFFF086;
	s6 =	sadd.s32 @!p0 s3, s7;
	s7 =	simm.s32 @!p0 $0x108  }
0x21: {  	s3 =	sadd.s32 s3, s9;
	s6 =	sadd.s32 @!p0 $0x88, s6;
	s7 =	simm.s32 @p2 $0x1082  }
0x22: {  	[simem:s7], [sflag:s8] =	dma.local @!p0 [hbm:s6], $0xF7A  }
0x23: {  	s9 =	sor.u32 $0xD0000000, s2;
	s6 =	simm.s32 $0x108;
	_ =	swait.ge @!p0 [sflag:s8], $0x0  }
0x24: {  	s3 =	sadd.s32 $0x88, s3;
	s6 =	simm.s32 @!p1 $0x1082;
	[sflag:s4] =	ssyncset.s32 $0xFFFFF086  }
0x25: {  	[simem:s6], [sflag:s4] =	dma.local [hbm:s3], $0xF7A  }
0x26: {  	[smem:$0x3F8F] =	sst s1;
	(tag) =	ssettag s2;
	_ =	strace s9  }
0x27: {  	s1 =	sld [smem:$0x3F9F]  }
0x28: {  	s2 =	sld [smem:$0x3FA0]  }
0x29: {  	s4 =	sld [smem:$0x3FA2]  }
0x2a: {  	p0 =	seq.s32 s5, $0x0;
	s5 =	sld [smem:$0x3FA3]  }
0x2b: {  	s6 =	sld [smem:$0x3FA4]  }
0x2c: {  	s7 =	sld [smem:$0x3FA5]  }
0x2d: {  	s3 =	simm.s32 $0x108;
	s8 =	sld [smem:$0x3FA6]  }
0x2e: {  	s3 =	simm.s32 @!p0 $0x1082;
	s9 =	sld [smem:$0x3FA7]  }
0x2f: {  	lr =	sadd.s32 s0, s3;
	s0 =	sld [smem:$0x3F9E]  }
0x30: {  	s3 =	sld [smem:$0x3FA1]  }
0x31: {  	[smem:$0x3FAA] =	sst s10  }
0x32: {  	s10 =	sld [smem:$0x3FA8];
	_ =	sdelay $0x3  }
0x33: {  	p0 =	seq.s32 s10, $0x1;
	s10 =	sld [smem:$0x3FAA];
	_ =	sdelay $0x3  }
0x34: {  	[smem:$0x3FAA] =	sst s10  }
0x35: {  	s10 =	sld [smem:$0x3FA9];
	_ =	sdelay $0x3  }
0x36: {  	p1 =	seq.s32 s10, $0x1;
	s10 =	sld [smem:$0x3FAA];
	_ =	sdelay $0x3  }
0x37: {  	[smem:$0x3FAA] =	sst s10  }
0x38: {  	s10 =	sld [smem:$0x3FAB]  }
0x39: {  	_ = 	snop;
	(pc) =	sbr.ind lr, $3  }
0x3a: {  	_ = 	snop  }
0x3b: {  	_ = 	snop  }
0x3c: {  	p2 =	seq.s32 s10, $0x1;
	s10 =	sld [smem:$0x3FAA]  }
0x3d: {  	_ =	shalt  }
0x3e: {  	_ =	shalt  }
0x3f: {  	_ =	shalt  }
0x40: {  	_ =	shalt  }
0x41: {  	_ =	shalt  }
0x42: {  	_ =	shalt  }
0x43: {  	_ =	shalt  }
0x44: {  	_ =	shalt  }
0x45: {  	_ =	shalt  }
0x46: {  	_ =	shalt  }
0x47: {  	_ =	shalt  }
0x48: {  	_ =	shalt  }
0x49: {  	_ =	shalt  }
0x4a: {  	_ =	shalt  }
0x4b: {  	_ =	shalt  }
0x4c: {  	_ =	shalt  }
0x4d: {  	_ =	shalt  }
0x4e: {  	_ =	shalt  }
0x4f: {  	_ =	shalt  }
0x50: {  	_ =	shalt  }
0x51: {  	_ =	shalt  }
0x52: {  	_ =	shalt  }
0x53: {  	_ =	shalt  }
0x54: {  	_ =	shalt  }
0x55: {  	_ =	shalt  }
0x56: {  	_ =	shalt  }
0x57: {  	_ =	shalt  }
0x58: {  	_ =	shalt  }
0x59: {  	_ =	shalt  }
0x5a: {  	_ =	shalt  }
0x5b: {  	_ =	shalt  }
0x5c: {  	_ =	shalt  }
0x5d: {  	_ =	shalt  }
0x5e: {  	_ =	shalt  }
0x5f: {  	_ =	shalt  }
0x60: {  	_ =	shalt  }
0x61: {  	_ =	shalt  }
0x62: {  	_ =	shalt  }
0x63: {  	_ =	shalt  }
0x64: {  	_ =	shalt  }
0x65: {  	_ =	shalt  }
0x66: {  	_ =	shalt  }
0x67: {  	_ =	shalt  }
0x68: {  	_ =	shalt  }
0x69: {  	_ =	shalt  }
0x6a: {  	_ =	shalt  }
0x6b: {  	_ =	shalt  }
0x6c: {  	_ =	shalt  }
0x6d: {  	_ =	shalt  }
0x6e: {  	_ =	shalt  }
0x6f: {  	_ =	shalt  }
0x70: {  	_ =	shalt  }
0x71: {  	_ =	shalt  }
0x72: {  	_ =	shalt  }
0x73: {  	_ =	shalt  }
0x74: {  	_ =	shalt  }
0x75: {  	_ =	shalt  }
0x76: {  	_ =	shalt  }
0x77: {  	_ =	shalt  }
0x78: {  	_ =	shalt  }
0x79: {  	_ =	shalt  }
0x7a: {  	_ =	shalt  }
0x7b: {  	_ =	shalt  }
0x7c: {  	_ =	shalt  }
0x7d: {  	_ =	shalt  }
0x7e: {  	_ =	shalt  }
0x7f: {  	_ =	shalt  }
0x80: {  	_ =	shalt  }
0x81: {  	_ =	shalt  }
0x82: {  	_ =	shalt  }
0x83: {  	_ =	shalt  }
0x84: {  	_ =	shalt  }
0x85: {  	_ =	shalt  }
0x86: {  	_ =	shalt  }
0x87: {  	_ =	shalt  }
.Lfunc_end0:
.L_simem_size_0:
called_computation.2_lowered:
.L_overlay_start_0:
0x88: {  	s2 =	sld [smem:$0x3FD9]  }
0x89: {  	s3 =	sld [smem:$0x3FFE];
	_ =	sdelay $0x1  }
0x8a: {  	s1 =	srdreg.scid  }
0x8b: {  	s0 =	sand.u32 $0x1, s1  }
0x8c: {  	s14 =	sshll.u32 s0, $0xA;
	s2 =	sadd.s32 s3, s2  }
0x8d: {  	s2 =	sadd.s32 s2, s14  }
0x8e: {  	[smem:$0x3FB6] =	sst s2  }
0x8f: {  	_ = 	snop  }
0x90: {  	s2 =	sld [smem:$0x3FD0];
	_ =	sdelay $0x2  }
0x91: {  	s15 =	simm.s32 $0xA;
	s4 =	simm.s32 $0x10  }
0x92: {  	[smem:s4], [sflag:s15] =	dma.local [hbm:s2], $0x1  }
0x93: {  	_ =	swait.eq [sflag:s15], $0x1  }
0x94: {  	[sflag:s15] =	ssyncset.done $0x0  }
0x95: {  	[sflag:s15] =	ssyncadd.s32 $0xFFFFFFFF  }
0x96: {  	s16 =	sld [smem:$0x10];
	(tm) =	ssettm $0x1  }
0x97: {  	s17 =	sld [smem:$0x3FFB];
	_ =	sdelay $0x3  }
0x98: {  	_ =	strace s17  }
0x99: {  	s3 =	sld [smem:$0x3FFC];
	_ =	sdelay $0x3  }
0x9a: {  	_ =	strace s3  }
0x9b: {  	s3 =	sld [smem:$0x3FFD];
	_ =	sdelay $0x3  }
0x9c: {  	_ =	strace s3  }
0x9d: {  	_ =	strace $0x8FFFFFFF  }
0x9e: {  	s18 =	sld [smem:$0x3FDB];
	_ =	sdelay $0x1  }
0x9f: {  	s19 =	simm.s32 $_scs_section_size  }
0xa0: {  	s5 =	simm.s32 $_size__tile_overlayer_lowered;
	s6 =	simm.s32 $_tile_overlayer_lowered  }
0xa1: {  	s22 =	simm.s32 $0x1BFF;
	s21 =	sshll.u32 s6, $0x1;
	s3 =	sadd.s32 s19, s18  }
0xa2: {  	s7 =	simm.s32 $0x0;
	s20 =	sshll.u32 s5, $0x1;
	s5 =	sadd.s32 s21, s3  }
0xa3: {  	[timem:s7], [sflag:s22] =	dma.local [hbm:s5], s20  }
0xa4: {  	_ =	swait.ge [sflag:s22], s20  }
0xa5: {  	s4 =	ssub.s32 $0x0, s20;
	[sflag:s22] =	ssyncset.done $0x0  }
0xa6: {  	[sflag:s22] =	ssyncadd.s32 s4;
	_ =	sdelay $0x1  }
0xa7: {  	s23 =	simm.s32 $0x1B8B  }
0xa8: {  	_ =	swait.ge [sflag:s23], $0x1  }
0xa9: {  	[sflag:s23] =	ssyncset.done $0x0  }
0xaa: {  	s25 =	simm.s32 $0x1B8E;
	s24 =	sld [smem:$0x3FFE];
	[sflag:s23] =	ssyncadd.s32 $0xFFFFFFFF  }
0xab: {  	s26 =	simm.s32 $execute0_lowered;
	[smem:$0x3FD2] =	sst s25  }
0xac: {  	s5 =	sshll.u32 s26, $0x1;
	_ =	strace $0x8000004C;
	[dreg:$0x1] =	wrdreg $0xFFFFFFFF  }
0xad: {  	s28 =	simm.s32 $_size_execute0_lowered;
	s3 =	sadd.s32 s3, s5;
	[dreg:$0x0] =	wrdreg $0x0  }
0xae: {  	s5 =	sshll.u32 s28, $0x1;
	[dreg:$0x2] =	wrdreg s3  }
0xaf: {  	[dreg:$0x3] =	wrdreg s5  }
0xb0: {  	[dreg:$0x4] =	wrdreg $0xC0  }
0xb1: {  	_ =	task [dreg:s7], $0x5FFFF  }
0xb2: {  	[dreg:$0x1] =	wrdreg $0xFFFFFFFF  }
0xb3: {  	[dreg:$0x0] =	wrdreg $0x60  }
0xb4: {  	[dreg:$0x2] =	wrdreg s16  }
0xb5: {  	[dreg:$0x3] =	wrdreg s24  }
0xb6: {  	[dreg:$0x4] =	wrdreg $0xBC000  }
0xb7: {  	[dreg:$0x5] =	wrdreg $0x9  }
0xb8: {  	_ =	task.clear_ibuf [dreg:s7], $0x6FFFF;
	_ =	strace $0x9000004C  }
0xb9: {  	s29 =	simm.s32 $0x9;
	_ =	strace $0x8000004E  }
0xba: {  	_ =	swait.ge [sflag:s29], $0x1  }
0xbb: {  	[sflag:s29] =	ssyncadd.s32 $0xFFFFFFFF  }
0xbc: {  	_ =	strace $0x9000004E  }
0xbd: {  	_ =	sfence  }
0xbe: {  	s30 =	sld [smem:$0x0];
	_ =	sdelay $0x2  }
0xbf: {  	s31 =	sshll.u32 s1, $0xD;
	s1 =	sshrl.u32 s1, $0x2  }
0xc0: {  	s3 =	sand.u32 $0x4000, s31;
	s1 =	sadd.s32 s1, s30  }
0xc1: {  	s0 =	sor.u32 s3, s0;
	s1 =	sshll.u32 s1, $0x11  }
0xc2: {  	s0 =	sor.u32 s1, s0  }
0xc3: {  	s0 =	sadd.s32 $0x8F2B, s0  }
0xc4: {  	[sflag:s0] =	ssyncadd.remote.s32 $0x1  }
0xc5: {  	_ =	sfence.sel $0xFFFF  }
0xc6: {  	[dreg:$0x0] =	wrdreg $0xFFFFFFFF;
	(pc) =	sbr.abs _section_cstart, $3  }
0xc7: {  	[dreg:$0x1] =	wrdreg $0xFFFFFFFF  }
0xc8: {  	_ =	task.clear_ibuf [dreg:s7], $0x2FFFF;
	_ =	strace $0x9FFFFFFF  }
0xc9: {  	(tm) =	ssettm $0x7FFFFFFF  }
tec
execute0_lowered:
.L_overlay_start_1:
0x0: {  	(tag) =	ssettag $0x1  }
0x1: {  	s2 =	rddreg [dreg:$0x0]  }
0x2: {  	s0 =	srdreg.scid;
	s6 =	rddreg [dreg:$0x1]  }
0x3: {  	s3 =	rddreg [dreg:$0x2];
	s4 =	simm.s32 $0x0;
	s15 =	simm.s32 $0x80  }
0x4: {  	s16 =	simm.s32 $0x3C00;
	s17 =	simm.s32 $0x1;
	s18 =	simm.s32 $0x7C00  }
0x5: {  	s19 =	simm.s32 $0x2;
	s20 =	simm.s32 $0x1380;
	s21 =	simm.s32 $0x2700  }
0x6: {  	s22 =	simm.s32 $0x2780;
	s23 =	simm.s32 $0x3B00;
	s5 =	sand.u32 $0x1, s0  }
0x7: {  	s24 =	simm.s32 $0x3B80;
	s0 =	stileid.u32;
	s8 =	smul.u32 $0x13C000, s5  }
0x8: {  	s25 =	simm.s32 $0x0;
	[smem:$0x7FF] =	sst s4;
	s9 =	smul.u32 $0x13C00, s0  }
0x9: {  	s1 =	sshll.u32 s5, $0x4;
	s28 =	ssub.s32 $0x2, s5;
	s29 =	smul.u32 $0x4F000, s0  }
0xa: {  	s5 =	sadd.s32 $0x68600, s6;
	s13 =	sshll.u32 s0, $0x6;
	s1 =	sor.u32 s0, s1  }
0xb: {  	s30 =	sshrl.u32 s28, $0x1;
	s13 =	sor.u32 $0x1C03, s13;
	s7 =	smul.u32 $0x2800, s1  }
0xc: {  	s1 =	rddreg [dreg:$0x3];
	_ =	strace $0x8000004D;
	s26 =	sadd.s32 s9, s8  }
0xd: {  	s12 =	ssub.s32 s28, s30;
	s31 =	sshrl.u32 s29, $0x2;
	s7 =	sshrl.u32 s7, $0x3  }
0xe: {  	s14 =	sadd.s32 s31, s3;
	s10 =	sadd.s32 s7, s6;
	s7 =	sshrl.u32 s26, $0x3  }
0xf: {  	s14 =	sshrl.u32 s14, $0x3;
	s11 =	sadd.s32 s7, s6;
	s6 =	sadd.s32 $0x4E00, s10  }
0x10: {  	s7 =	sadd.s32 $0x5E600, s10;
	s8 =	sadd.s32 $0x5E880, s10;
	s10 =	smax.u32 s12, $0x1  }
0x11: {  	s12 =	simm.s32 $0x3;
	s9 =	sadd.s32 $0x6AE00, s11;
	s11 =	simm.s32 $0x1400  }
.LBB2_1:
0x12: {  	[tilespmem:s11], [sflag:$0x3] =	stream.linear.gather [hbm4b:s6+s4], $0x2800, $0x38;
	[tilespmem:$0x1F800] =	vst v63  }
0x13: {  	_ =	swait.ge [sflag:s12], $0x2800  }
0x14: {  	[sflag:s12] =	ssyncset.done $0x0  }
0x15: {  	[sflag:s12] =	ssyncadd.s32 $0xFFFFD800  }
0x16: {  	[spmem:s14], [sflag:s13] =	dma.local [hbm:s5], $0x2780  }
0x17: {  	_ =	swait.ge [sflag:s12], $0x2780  }
0x18: {  	[sflag:s12] =	ssyncset.done $0x0  }
0x19: {  	[sflag:s12] =	ssyncadd.s32 $0xFFFFD880  }
0x1a: {  	[bflag:$0x0] =	sbarrier.arrive $0xFFFF  }
0x1b: {  	[tilespmem:s4], [sflag:$0x3] =	stream.linear.gather [hbm4b:s7+s4], $0x1400, $0x38;
	[tilespmem:$0x1F800] =	vst v63  }
0x1c: {  	_ =	swait.ge [sflag:s12], $0x1400  }
0x1d: {  	[sflag:s12] =	ssyncset.done $0x0  }
0x1e: {  	[sflag:s12] =	ssyncadd.s32 $0xFFFFEC00  }
0x1f: {  	[tilespmem:s16], [sflag:$0x1] =	stream.indirect.gather [hbm4b:s2+s15], $0x80, s4, s15, $0xb8;
	[tilespmem:$0x1F800] =	vst v63  }
0x20: {  	_ =	swait.ge [sflag:s17], $0x4000  }
0x21: {  	[sflag:s17] =	ssyncset.done $0x0  }
0x22: {  	s26 =	simm.s32 $0x80;
	[sflag:s17] =	ssyncadd.s32 $0xFFFFC000  }
0x23: {  	[tilespmem:s18], [sflag:$0x2] =	stream.indirect.gather [hbm4b:s2+s15], $0x80, s26, s15, $0xb8;
	[tilespmem:$0x1F800] =	vst v63  }
0x24: {  	s29 =	simm.s32 $0x1400  }
0x25: {  	[spmem:s3] =	stream.indirect.scatter.add.f32 [tilespmem:s16], [sflag:$0x3], $0x80, s29, s15, $0xb8;
	[tilespmem:$0x1F800] =	vst v63  }
0x26: {  	_ =	swait.ge [sflag:s12], $0x4000  }
0x27: {  	[sflag:s12] =	ssyncset.done $0x0  }
0x28: {  	[sflag:s12] =	ssyncadd.s32 $0xFFFFC000  }
0x29: {  	_ =	swait.ge [sflag:s19], $0x4000  }
0x2a: {  	[sflag:s19] =	ssyncset.done $0x0  }
0x2b: {  	s30 =	simm.s32 $0x100;
	[sflag:s19] =	ssyncadd.s32 $0xFFFFC000  }
0x2c: {  	[tilespmem:s16], [sflag:$0x1] =	stream.indirect.gather [hbm4b:s2+s15], $0x80, s30, s15, $0xb8;
	[tilespmem:$0x1F800] =	vst v63  }
0x2d: {  	s31 =	simm.s32 $0x1480  }
0x2e: {  	[spmem:s3] =	stream.indirect.scatter.add.f32 [tilespmem:s18], [sflag:$0x3], $0x80, s31, s15, $0xb8;
	[tilespmem:$0x1F800] =	vst v63  }
0x2f: {  	_ =	swait.ge [sflag:s12], $0x4000  }
0x30: {  	s26 =	simm.s32 $0x400;
	[sflag:s12] =	ssyncset.done $0x0  }
.LBB2_2:
0x31: {  	p0 =	sne.s32 s26, $0x4800  }
0x32: {  	[sflag:s12] =	ssyncadd.s32 $0xFFFFC000;
	s28 =	smov.u32 s26;
	s26 =	sadd.s32 $0x400, s26  }
0x33: {  	_ = 	snop  }
0x34: {  	_ =	swait.ge [sflag:s17], $0x4000  }
0x35: {  	s28 =	sshra.s32 s28, $0x2;
	[sflag:s17] =	ssyncset.done $0x0  }
0x36: {  	s29 =	sadd.s32 $0x80, s28;
	[sflag:s17] =	ssyncadd.s32 $0xFFFFC000  }
0x37: {  	[tilespmem:s18], [sflag:$0x2] =	stream.indirect.gather [hbm4b:s2+s15], $0x80, s29, s15, $0xb8;
	[tilespmem:$0x1F800] =	vst v63  }
0x38: {  	s29 =	sadd.s32 $0x1400, s28  }
0x39: {  	[spmem:s3] =	stream.indirect.scatter.add.f32 [tilespmem:s16], [sflag:$0x3], $0x80, s29, s15, $0xb8;
	[tilespmem:$0x1F800] =	vst v63  }
0x3a: {  	_ =	swait.ge [sflag:s12], $0x4000  }
0x3b: {  	[sflag:s12] =	ssyncset.done $0x0  }
0x3c: {  	[sflag:s12] =	ssyncadd.s32 $0xFFFFC000  }
0x3d: {  	_ =	swait.ge [sflag:s19], $0x4000  }
0x3e: {  	[sflag:s19] =	ssyncset.done $0x0  }
0x3f: {  	s29 =	sadd.s32 $0x100, s28;
	[sflag:s19] =	ssyncadd.s32 $0xFFFFC000  }
0x40: {  	[tilespmem:s16], [sflag:$0x1] =	stream.indirect.gather [hbm4b:s2+s15], $0x80, s29, s15, $0xb8;
	[tilespmem:$0x1F800] =	vst v63  }
.Ltmp0:
0x41: {  	_ = 	snop;
	(pc) =	sbr.rel @p0 .LBB2_2-.Ltmp0, $4  }
0x42: {  	s28 =	sadd.s32 $0x1480, s28  }
0x43: {  	[spmem:s3] =	stream.indirect.scatter.add.f32 [tilespmem:s18], [sflag:$0x3], $0x80, s28, s15, $0xb8;
	[tilespmem:$0x1F800] =	vst v63  }
0x44: {  	_ =	swait.ge [sflag:s12], $0x4000  }
0x45: {  	[sflag:s12] =	ssyncset.done $0x0  }
0x46: {  	[sflag:s12] =	ssyncadd.s32 $0xFFFFC000  }
0x47: {  	_ =	swait.ge [sflag:s17], $0x4000  }
0x48: {  	[sflag:s17] =	ssyncset.done $0x0  }
0x49: {  	[sflag:s17] =	ssyncadd.s32 $0xFFFFC000  }
0x4a: {  	[tilespmem:s18], [sflag:$0x2] =	stream.indirect.gather [hbm4b:s2+s15], $0x80, s20, s15, $0xb8;
	[tilespmem:$0x1F800] =	vst v63  }
0x4b: {  	_ = 	snop  }
0x4c: {  	[spmem:s3] =	stream.indirect.scatter.add.f32 [tilespmem:s16], [sflag:$0x3], $0x80, s21, s15, $0xb8;
	[tilespmem:$0x1F800] =	vst v63  }
0x4d: {  	_ =	swait.ge [sflag:s12], $0x4000  }
0x4e: {  	[sflag:s12] =	ssyncset.done $0x0  }
0x4f: {  	[sflag:s12] =	ssyncadd.s32 $0xFFFFC000  }
0x50: {  	_ =	swait.ge [sflag:s19], $0x4000  }
0x51: {  	[sflag:s19] =	ssyncset.done $0x0  }
0x52: {  	[sflag:s19] =	ssyncadd.s32 $0xFFFFC000  }
0x53: {  	[spmem:s3] =	stream.indirect.scatter.add.f32 [tilespmem:s18], [sflag:$0x3], $0x80, s22, s15, $0xb8;
	[tilespmem:$0x1F800] =	vst v63  }
0x54: {  	_ =	swait.ge [sflag:s12], $0x4000  }
0x55: {  	[sflag:s12] =	ssyncset.done $0x0  }
0x56: {  	[sflag:s12] =	ssyncadd.s32 $0xFFFFC000  }
0x57: {  	[tilespmem:s4], [sflag:$0x3] =	stream.linear.gather [hbm4b:s8+s4], $0x1400, $0x38;
	[tilespmem:$0x1F800] =	vst v63  }
0x58: {  	_ =	swait.ge [sflag:s12], $0x1400  }
0x59: {  	[sflag:s12] =	ssyncset.done $0x0  }
0x5a: {  	[sflag:s12] =	ssyncadd.s32 $0xFFFFEC00  }
0x5b: {  	[tilespmem:s16], [sflag:$0x1] =	stream.indirect.gather [hbm4b:s2+s15], $0x80, s4, s15, $0xb8;
	[tilespmem:$0x1F800] =	vst v63  }
0x5c: {  	_ =	swait.ge [sflag:s17], $0x4000  }
0x5d: {  	[sflag:s17] =	ssyncset.done $0x0  }
0x5e: {  	s26 =	simm.s32 $0x80;
	[sflag:s17] =	ssyncadd.s32 $0xFFFFC000  }
0x5f: {  	[tilespmem:s18], [sflag:$0x2] =	stream.indirect.gather [hbm4b:s2+s15], $0x80, s26, s15, $0xb8;
	[tilespmem:$0x1F800] =	vst v63  }
0x60: {  	s29 =	simm.s32 $0x2800  }
0x61: {  	[spmem:s3] =	stream.indirect.scatter.add.f32 [tilespmem:s16], [sflag:$0x3], $0x80, s29, s15, $0xb8;
	[tilespmem:$0x1F800] =	vst v63  }
0x62: {  	_ =	swait.ge [sflag:s12], $0x4000  }
0x63: {  	[sflag:s12] =	ssyncset.done $0x0  }
0x64: {  	[sflag:s12] =	ssyncadd.s32 $0xFFFFC000  }
0x65: {  	_ =	swait.ge [sflag:s19], $0x4000  }
0x66: {  	[sflag:s19] =	ssyncset.done $0x0  }
0x67: {  	s30 =	simm.s32 $0x100;
	[sflag:s19] =	ssyncadd.s32 $0xFFFFC000  }
0x68: {  	[tilespmem:s16], [sflag:$0x1] =	stream.indirect.gather [hbm4b:s2+s15], $0x80, s30, s15, $0xb8;
	[tilespmem:$0x1F800] =	vst v63  }
0x69: {  	s31 =	simm.s32 $0x2880  }
0x6a: {  	[spmem:s3] =	stream.indirect.scatter.add.f32 [tilespmem:s18], [sflag:$0x3], $0x80, s31, s15, $0xb8;
	[tilespmem:$0x1F800] =	vst v63  }
0x6b: {  	_ =	swait.ge [sflag:s12], $0x4000  }
0x6c: {  	s26 =	simm.s32 $0xFFFFB800;
	[sflag:s12] =	ssyncset.done $0x0  }
.LBB2_4:
0x6d: {  	p0 =	sne.s32 s26, $0xFFFFFC00  }
0x6e: {  	[sflag:s12] =	ssyncadd.s32 $0xFFFFC000;
	s28 =	smov.u32 s26;
	s26 =	sadd.s32 $0x400, s26  }
0x6f: {  	_ = 	snop  }
0x70: {  	_ =	swait.ge [sflag:s17], $0x4000  }
0x71: {  	s28 =	sshra.s32 s28, $0x2;
	[sflag:s17] =	ssyncset.done $0x0  }
0x72: {  	s29 =	sadd.s32 $0x1380, s28;
	[sflag:s17] =	ssyncadd.s32 $0xFFFFC000  }
0x73: {  	[tilespmem:s18], [sflag:$0x2] =	stream.indirect.gather [hbm4b:s2+s15], $0x80, s29, s15, $0xb8;
	[tilespmem:$0x1F800] =	vst v63  }
0x74: {  	s29 =	sadd.s32 $0x3B00, s28  }
0x75: {  	[spmem:s3] =	stream.indirect.scatter.add.f32 [tilespmem:s16], [sflag:$0x3], $0x80, s29, s15, $0xb8;
	[tilespmem:$0x1F800] =	vst v63  }
0x76: {  	_ =	swait.ge [sflag:s12], $0x4000  }
0x77: {  	[sflag:s12] =	ssyncset.done $0x0  }
0x78: {  	[sflag:s12] =	ssyncadd.s32 $0xFFFFC000  }
0x79: {  	_ =	swait.ge [sflag:s19], $0x4000  }
0x7a: {  	[sflag:s19] =	ssyncset.done $0x0  }
0x7b: {  	s29 =	sadd.s32 $0x1400, s28;
	[sflag:s19] =	ssyncadd.s32 $0xFFFFC000  }
0x7c: {  	[tilespmem:s16], [sflag:$0x1] =	stream.indirect.gather [hbm4b:s2+s15], $0x80, s29, s15, $0xb8;
	[tilespmem:$0x1F800] =	vst v63  }
.Ltmp1:
0x7d: {  	_ = 	snop;
	(pc) =	sbr.rel @p0 .LBB2_4-.Ltmp1, $4  }
0x7e: {  	s28 =	sadd.s32 $0x3B80, s28  }
0x7f: {  	[spmem:s3] =	stream.indirect.scatter.add.f32 [tilespmem:s18], [sflag:$0x3], $0x80, s28, s15, $0xb8;
	[tilespmem:$0x1F800] =	vst v63  }
0x80: {  	_ =	swait.ge [sflag:s12], $0x4000  }
0x81: {  	[sflag:s12] =	ssyncset.done $0x0  }
0x82: {  	[sflag:s12] =	ssyncadd.s32 $0xFFFFC000  }
0x83: {  	_ =	swait.ge [sflag:s17], $0x4000  }
0x84: {  	[sflag:s17] =	ssyncset.done $0x0  }
0x85: {  	[sflag:s17] =	ssyncadd.s32 $0xFFFFC000  }
0x86: {  	[tilespmem:s18], [sflag:$0x2] =	stream.indirect.gather [hbm4b:s2+s15], $0x80, s20, s15, $0xb8;
	[tilespmem:$0x1F800] =	vst v63  }
0x87: {  	_ = 	snop  }
0x88: {  	[spmem:s3] =	stream.indirect.scatter.add.f32 [tilespmem:s16], [sflag:$0x3], $0x80, s23, s15, $0xb8;
	[tilespmem:$0x1F800] =	vst v63  }
0x89: {  	_ =	swait.ge [sflag:s12], $0x4000  }
0x8a: {  	[sflag:s12] =	ssyncset.done $0x0  }
0x8b: {  	[sflag:s12] =	ssyncadd.s32 $0xFFFFC000  }
0x8c: {  	_ =	swait.ge [sflag:s19], $0x4000  }
0x8d: {  	[sflag:s19] =	ssyncset.done $0x0  }
0x8e: {  	[sflag:s19] =	ssyncadd.s32 $0xFFFFC000  }
0x8f: {  	[spmem:s3] =	stream.indirect.scatter.add.f32 [tilespmem:s18], [sflag:$0x3], $0x80, s24, s15, $0xb8;
	[tilespmem:$0x1F800] =	vst v63  }
0x90: {  	_ =	swait.ge [sflag:s12], $0x4000  }
0x91: {  	s25 =	sadd.s32 $0x1, s25;
	[sflag:s12] =	ssyncset.done $0x0  }
0x92: {  	p0 =	sne.s32 s25, s10;
	[sflag:s12] =	ssyncadd.s32 $0xFFFFC000  }
.Ltmp2:
0x93: {  	[bflag:$0x0] =	sbarrier.arrive $0xFFFF;
	(pc) =	sbr.rel @p0 .LBB2_1-.Ltmp2, $4  }
0x94: {  	[hbm:s9], [sflag:s13] =	dma.local [spmem:s14], $0x2780  }
0x95: {  	_ =	swait.ge [sflag:s12], $0x2780  }
0x96: {  	[sflag:s12] =	ssyncset.done $0x0  }
0x97: {  	[sflag:s12] =	ssyncadd.s32 $0xFFFFD880  }
0x98: {  	_ =	sfence.sel $0x180000  }
0x99: {  	[bflag:$0x0] =	sbarrier.arrive $0xFFFF  }
0x9a: {  	p0 =	sne.s32 s0, $0x0;
	_ =	strace $0x9000004D  }
0x9b: {  	s0 =	sadd.s32 @!p0 $0x100000, s1;
	[bflag:$0x2] =	sbarrier.arrive $0xFFFF  }
0x9c: {  	[sflag:s0] =	ssyncadd.tile.s32 @!p0 $0x1;
	_ =	shalt  }
.Lfunc_end2:
_tile_overlayer_lowered:
.L_overlay_start_2:
0x9d: {  	(tag) =	ssettag $0x2  }
0x9e: {  	s0 =	rddreg [dreg:$0x0];
	s2 =	stileid.u32  }
0x9f: {  	s1 =	rddreg [dreg:$0x1];
	p0 =	sne.s32 s2, $0x0  }
0xa0: {  	s3 =	rddreg [dreg:$0x2];
	[bflag:$0x3] =	sbarrier.arrive $0xFFFF;
	s2 =	simm.s32 @!p0 $0x1C03  }
0xa1: {  	[timem:s3], [sflag:s2] =	dma.local @!p0 [hbm:s0], s1  }
0xa2: {  	s0 =	simm.s32 @!p0 $0x3  }
0xa3: {  	_ =	swait.ge @!p0 [sflag:s0], s1  }
0xa4: {  	s1 =	ssub.s32 @!p0 $0x0, s1;
	[sflag:s0] =	ssyncset.done @!p0 $0x0  }
0xa5: {  	[sflag:s0] =	ssyncadd.s32 @!p0 s1  }
0xa6: {  	[bflag:$0x3] =	sbarrier.arrive $0xFFFF  }
0xa7: {  	_ =	shalt  }

// kernel: kernel.20.cloned.1.call-start
scs
__scs_entry_jumppad:
0x0: {  	(pc) =	sbr.rel $0x88, $3  }
0x1: {  	(tag) =	ssettag $0x0;
	lr =	simm.s32 $0x1  }
0x2: {  	[smem:$0x3F8F] =	sst lr;
	_ =	strace $0xD0000000  }
0x3: {  	_ = 	snop  }
0x4: {  	_ = 	snop  }
0x5: {  	_ = 	snop  }
0x6: {  	_ = 	snop  }
0x7: {  	_ = 	snop  }
__scs_overlays_trampoline_lowered:
0x8: {  	[smem:$0x3F9E] =	sst s0  }
0x9: {  	[smem:$0x3F9F] =	sst s1  }
0xa: {  	[smem:$0x3FA0] =	sst s2  }
0xb: {  	[smem:$0x3FA1] =	sst s3  }
0xc: {  	[smem:$0x3FA2] =	sst s4  }
0xd: {  	[smem:$0x3FA3] =	sst s5  }
0xe: {  	[smem:$0x3FA4] =	sst s6  }
0xf: {  	[smem:$0x3FA5] =	sst s7  }
0x10: {  	[smem:$0x3FA6] =	sst s8  }
0x11: {  	[smem:$0x3FA7] =	sst s9;
	s0 =	simm.s32 @!p0 $0x0  }
0x12: {  	s1 =	sld [smem:$0x3F8D];
	s0 =	simm.s32 @p0 $0x1  }
0x13: {  	[smem:$0x3FA8] =	sst s0;
	s0 =	simm.s32 @!p1 $0x0  }
0x14: {  	s2 =	sld [smem:$0x3F8C];
	s0 =	simm.s32 @p1 $0x1  }
0x15: {  	[smem:$0x3FA9] =	sst s0;
	s0 =	simm.s32 @!p2 $0x0  }
0x16: {  	s3 =	sld [smem:$0x3FDB];
	s0 =	simm.s32 @p2 $0x1  }
0x17: {  	s4 =	simm.s32 $0x1BF5;
	[smem:$0x3FAB] =	sst s0  }
0x18: {  	s0 =	sld [smem:$0x3F8E];
	_ =	swait.ge [sflag:s4], $0x0  }
0x19: {  	s7 =	sld [smem:$0x3F8F]  }
0x1a: {  	s8 =	sadd.s32 $0xFFFFE003, lr  }
0x1b: {  	s9 =	sadd.s32 $0xFFFFFEF7, lr;
	s5 =	simm.s32 $0xFFFFFFFF;
	p2 =	slt.u32 s8, $0xFFFFF086  }
0x1c: {  	p1 =	slt.u32 s9, $0xF7A;
	s5 =	simm.s32 @!p2 $0x0  }
0x1d: {  	s5 =	simm.s32 @p1 $0x1;
	p0 =	seq.s32 s7, s2  }
0x1e: {  	s7 =	smul.u32 @!p0 $0xF7A, s2;
	p2 =	seq.s32 @!p0 s5, $0x0  }
0x1f: {  	s9 =	smul.u32 $0xF7A, s1;
	s8 =	simm.s32 @!p0 $0x1BF5;
	p2 =	por !p2, p0  }
0x20: {  	[sflag:s8] =	ssyncset.s32 @!p0 $0xFFFFF086;
	s6 =	sadd.s32 @!p0 s3, s7;
	s7 =	simm.s32 @!p0 $0x108  }
0x21: {  	s3 =	sadd.s32 s3, s9;
	s6 =	sadd.s32 @!p0 $0x88, s6;
	s7 =	simm.s32 @p2 $0x1082  }
0x22: {  	[simem:s7], [sflag:s8] =	dma.local @!p0 [hbm:s6], $0xF7A  }
0x23: {  	s9 =	sor.u32 $0xD0000000, s2;
	s6 =	simm.s32 $0x108;
	_ =	swait.ge @!p0 [sflag:s8], $0x0  }
0x24: {  	s3 =	sadd.s32 $0x88, s3;
	s6 =	simm.s32 @!p1 $0x1082;
	[sflag:s4] =	ssyncset.s32 $0xFFFFF086  }
0x25: {  	[simem:s6], [sflag:s4] =	dma.local [hbm:s3], $0xF7A  }
0x26: {  	[smem:$0x3F8F] =	sst s1;
	(tag) =	ssettag s2;
	_ =	strace s9  }
0x27: {  	s1 =	sld [smem:$0x3F9F]  }
0x28: {  	s2 =	sld [smem:$0x3FA0]  }
0x29: {  	s4 =	sld [smem:$0x3FA2]  }
0x2a: {  	p0 =	seq.s32 s5, $0x0;
	s5 =	sld [smem:$0x3FA3]  }
0x2b: {  	s6 =	sld [smem:$0x3FA4]  }
0x2c: {  	s7 =	sld [smem:$0x3FA5]  }
0x2d: {  	s3 =	simm.s32 $0x108;
	s8 =	sld [smem:$0x3FA6]  }
0x2e: {  	s3 =	simm.s32 @!p0 $0x1082;
	s9 =	sld [smem:$0x3FA7]  }
0x2f: {  	lr =	sadd.s32 s0, s3;
	s0 =	sld [smem:$0x3F9E]  }
0x30: {  	s3 =	sld [smem:$0x3FA1]  }
0x31: {  	[smem:$0x3FAA] =	sst s10  }
0x32: {  	s10 =	sld [smem:$0x3FA8];
	_ =	sdelay $0x3  }
0x33: {  	p0 =	seq.s32 s10, $0x1;
	s10 =	sld [smem:$0x3FAA];
	_ =	sdelay $0x3  }
0x34: {  	[smem:$0x3FAA] =	sst s10  }
0x35: {  	s10 =	sld [smem:$0x3FA9];
	_ =	sdelay $0x3  }
0x36: {  	p1 =	seq.s32 s10, $0x1;
	s10 =	sld [smem:$0x3FAA];
	_ =	sdelay $0x3  }
0x37: {  	[smem:$0x3FAA] =	sst s10  }
0x38: {  	s10 =	sld [smem:$0x3FAB]  }
0x39: {  	_ = 	snop;
	(pc) =	sbr.ind lr, $3  }
0x3a: {  	_ = 	snop  }
0x3b: {  	_ = 	snop  }
0x3c: {  	p2 =	seq.s32 s10, $0x1;
	s10 =	sld [smem:$0x3FAA]  }
0x3d: {  	_ =	shalt  }
0x3e: {  	_ =	shalt  }
0x3f: {  	_ =	shalt  }
0x40: {  	_ =	shalt  }
0x41: {  	_ =	shalt  }
0x42: {  	_ =	shalt  }
0x43: {  	_ =	shalt  }
0x44: {  	_ =	shalt  }
0x45: {  	_ =	shalt  }
0x46: {  	_ =	shalt  }
0x47: {  	_ =	shalt  }
0x48: {  	_ =	shalt  }
0x49: {  	_ =	shalt  }
0x4a: {  	_ =	shalt  }
0x4b: {  	_ =	shalt  }
0x4c: {  	_ =	shalt  }
0x4d: {  	_ =	shalt  }
0x4e: {  	_ =	shalt  }
0x4f: {  	_ =	shalt  }
0x50: {  	_ =	shalt  }
0x51: {  	_ =	shalt  }
0x52: {  	_ =	shalt  }
0x53: {  	_ =	shalt  }
0x54: {  	_ =	shalt  }
0x55: {  	_ =	shalt  }
0x56: {  	_ =	shalt  }
0x57: {  	_ =	shalt  }
0x58: {  	_ =	shalt  }
0x59: {  	_ =	shalt  }
0x5a: {  	_ =	shalt  }
0x5b: {  	_ =	shalt  }
0x5c: {  	_ =	shalt  }
0x5d: {  	_ =	shalt  }
0x5e: {  	_ =	shalt  }
0x5f: {  	_ =	shalt  }
0x60: {  	_ =	shalt  }
0x61: {  	_ =	shalt  }
0x62: {  	_ =	shalt  }
0x63: {  	_ =	shalt  }
0x64: {  	_ =	shalt  }
0x65: {  	_ =	shalt  }
0x66: {  	_ =	shalt  }
0x67: {  	_ =	shalt  }
0x68: {  	_ =	shalt  }
0x69: {  	_ =	shalt  }
0x6a: {  	_ =	shalt  }
0x6b: {  	_ =	shalt  }
0x6c: {  	_ =	shalt  }
0x6d: {  	_ =	shalt  }
0x6e: {  	_ =	shalt  }
0x6f: {  	_ =	shalt  }
0x70: {  	_ =	shalt  }
0x71: {  	_ =	shalt  }
0x72: {  	_ =	shalt  }
0x73: {  	_ =	shalt  }
0x74: {  	_ =	shalt  }
0x75: {  	_ =	shalt  }
0x76: {  	_ =	shalt  }
0x77: {  	_ =	shalt  }
0x78: {  	_ =	shalt  }
0x79: {  	_ =	shalt  }
0x7a: {  	_ =	shalt  }
0x7b: {  	_ =	shalt  }
0x7c: {  	_ =	shalt  }
0x7d: {  	_ =	shalt  }
0x7e: {  	_ =	shalt  }
0x7f: {  	_ =	shalt  }
0x80: {  	_ =	shalt  }
0x81: {  	_ =	shalt  }
0x82: {  	_ =	shalt  }
0x83: {  	_ =	shalt  }
0x84: {  	_ =	shalt  }
0x85: {  	_ =	shalt  }
0x86: {  	_ =	shalt  }
0x87: {  	_ =	shalt  }
.Lfunc_end0:
.L_simem_size_0:
called_computation.3_lowered:
.L_overlay_start_0:
0x88: {  	s2 =	sld [smem:$0x3FD9]  }
0x89: {  	s3 =	sld [smem:$0x3FFE];
	_ =	sdelay $0x1  }
0x8a: {  	s1 =	srdreg.scid  }
0x8b: {  	s0 =	sand.u32 $0x1, s1  }
0x8c: {  	s14 =	sshll.u32 s0, $0xA;
	s2 =	sadd.s32 s3, s2  }
0x8d: {  	s2 =	sadd.s32 s2, s14  }
0x8e: {  	[smem:$0x3FB6] =	sst s2  }
0x8f: {  	_ = 	snop  }
0x90: {  	s2 =	sld [smem:$0x3FD0];
	_ =	sdelay $0x2  }
0x91: {  	s15 =	simm.s32 $0xA;
	s4 =	simm.s32 $0x10  }
0x92: {  	[smem:s4], [sflag:s15] =	dma.local [hbm:s2], $0x1  }
0x93: {  	_ =	swait.eq [sflag:s15], $0x1  }
0x94: {  	[sflag:s15] =	ssyncset.done $0x0  }
0x95: {  	[sflag:s15] =	ssyncadd.s32 $0xFFFFFFFF  }
0x96: {  	s16 =	sld [smem:$0x10];
	(tm) =	ssettm $0x1  }
0x97: {  	s17 =	sld [smem:$0x3FFB];
	_ =	sdelay $0x3  }
0x98: {  	_ =	strace s17  }
0x99: {  	s3 =	sld [smem:$0x3FFC];
	_ =	sdelay $0x3  }
0x9a: {  	_ =	strace s3  }
0x9b: {  	s3 =	sld [smem:$0x3FFD];
	_ =	sdelay $0x3  }
0x9c: {  	_ =	strace s3  }
0x9d: {  	_ =	strace $0x8FFFFFFF  }
0x9e: {  	s18 =	sld [smem:$0x3FDB];
	_ =	sdelay $0x1  }
0x9f: {  	s19 =	simm.s32 $_scs_section_size  }
0xa0: {  	s5 =	simm.s32 $_size__tile_overlayer_lowered;
	s6 =	simm.s32 $_tile_overlayer_lowered  }
0xa1: {  	s22 =	simm.s32 $0x1BFF;
	s21 =	sshll.u32 s6, $0x1;
	s3 =	sadd.s32 s19, s18  }
0xa2: {  	s7 =	simm.s32 $0x0;
	s20 =	sshll.u32 s5, $0x1;
	s5 =	sadd.s32 s21, s3  }
0xa3: {  	[timem:s7], [sflag:s22] =	dma.local [hbm:s5], s20  }
0xa4: {  	_ =	swait.ge [sflag:s22], s20  }
0xa5: {  	s4 =	ssub.s32 $0x0, s20;
	[sflag:s22] =	ssyncset.done $0x0  }
0xa6: {  	[sflag:s22] =	ssyncadd.s32 s4;
	_ =	sdelay $0x1  }
0xa7: {  	s23 =	simm.s32 $0x1B8B  }
0xa8: {  	_ =	swait.ge [sflag:s23], $0x1  }
0xa9: {  	[sflag:s23] =	ssyncset.done $0x0  }
0xaa: {  	s25 =	simm.s32 $0x1B8E;
	s24 =	sld [smem:$0x3FFE];
	[sflag:s23] =	ssyncadd.s32 $0xFFFFFFFF  }
0xab: {  	s26 =	simm.s32 $execute0_lowered;
	[smem:$0x3FD2] =	sst s25  }
0xac: {  	s5 =	sshll.u32 s26, $0x1;
	_ =	strace $0x8000004F;
	[dreg:$0x1] =	wrdreg $0xFFFFFFFF  }
0xad: {  	s28 =	simm.s32 $_size_execute0_lowered;
	s3 =	sadd.s32 s3, s5;
	[dreg:$0x0] =	wrdreg $0x0  }
0xae: {  	s5 =	sshll.u32 s28, $0x1;
	[dreg:$0x2] =	wrdreg s3  }
0xaf: {  	[dreg:$0x3] =	wrdreg s5  }
0xb0: {  	[dreg:$0x4] =	wrdreg $0xC0  }
0xb1: {  	_ =	task [dreg:s7], $0x5FFFF  }
0xb2: {  	[dreg:$0x1] =	wrdreg $0xFFFFFFFF  }
0xb3: {  	[dreg:$0x0] =	wrdreg $0x60  }
0xb4: {  	[dreg:$0x2] =	wrdreg s16  }
0xb5: {  	[dreg:$0x3] =	wrdreg s24  }
0xb6: {  	[dreg:$0x4] =	wrdreg $0xBC000  }
0xb7: {  	[dreg:$0x5] =	wrdreg $0x9  }
0xb8: {  	_ =	task.clear_ibuf [dreg:s7], $0x6FFFF;
	_ =	strace $0x9000004F  }
0xb9: {  	s29 =	simm.s32 $0x9;
	_ =	strace $0x80000051  }
0xba: {  	_ =	swait.ge [sflag:s29], $0x1  }
0xbb: {  	[sflag:s29] =	ssyncadd.s32 $0xFFFFFFFF  }
0xbc: {  	_ =	strace $0x90000051  }
0xbd: {  	_ =	sfence  }
0xbe: {  	s30 =	sld [smem:$0x0];
	_ =	sdelay $0x2  }
0xbf: {  	s31 =	sshll.u32 s1, $0xD;
	s1 =	sshrl.u32 s1, $0x2  }
0xc0: {  	s3 =	sand.u32 $0x4000, s31;
	s1 =	sadd.s32 s1, s30  }
0xc1: {  	s0 =	sor.u32 s3, s0;
	s1 =	sshll.u32 s1, $0x11  }
0xc2: {  	s0 =	sor.u32 s1, s0  }
0xc3: {  	s0 =	sadd.s32 $0x8F2B, s0  }
0xc4: {  	[sflag:s0] =	ssyncadd.remote.s32 $0x1  }
0xc5: {  	_ =	sfence.sel $0xFFFF  }
0xc6: {  	[dreg:$0x0] =	wrdreg $0xFFFFFFFF;
	(pc) =	sbr.abs _section_cstart, $3  }
0xc7: {  	[dreg:$0x1] =	wrdreg $0xFFFFFFFF  }
0xc8: {  	_ =	task.clear_ibuf [dreg:s7], $0x2FFFF;
	_ =	strace $0x9FFFFFFF  }
0xc9: {  	(tm) =	ssettm $0x7FFFFFFF  }
tec
execute0_lowered:
.L_overlay_start_1:
0x0: {  	(tag) =	ssettag $0x1  }
0x1: {  	s2 =	rddreg [dreg:$0x0]  }
0x2: {  	s0 =	srdreg.scid;
	s6 =	rddreg [dreg:$0x1]  }
0x3: {  	s3 =	rddreg [dreg:$0x2];
	s4 =	simm.s32 $0x0;
	s15 =	simm.s32 $0x80  }
0x4: {  	s16 =	simm.s32 $0x3C00;
	s17 =	simm.s32 $0x1;
	s18 =	simm.s32 $0x7C00  }
0x5: {  	s19 =	simm.s32 $0x2;
	s20 =	simm.s32 $0x1380;
	s21 =	simm.s32 $0x2700  }
0x6: {  	s22 =	simm.s32 $0x2780;
	s23 =	simm.s32 $0x3B00;
	s5 =	sand.u32 $0x1, s0  }
0x7: {  	s24 =	simm.s32 $0x3B80;
	s0 =	stileid.u32;
	s8 =	smul.u32 $0x13C000, s5  }
0x8: {  	s25 =	simm.s32 $0x0;
	[smem:$0x7FF] =	sst s4;
	s9 =	smul.u32 $0x13C00, s0  }
0x9: {  	s1 =	sshll.u32 s5, $0x4;
	s28 =	ssub.s32 $0x2, s5;
	s29 =	smul.u32 $0x4F000, s0  }
0xa: {  	s5 =	sadd.s32 $0x68600, s6;
	s13 =	sshll.u32 s0, $0x6;
	s1 =	sor.u32 s0, s1  }
0xb: {  	s30 =	sshrl.u32 s28, $0x1;
	s13 =	sor.u32 $0x1C03, s13;
	s7 =	smul.u32 $0x2800, s1  }
0xc: {  	s1 =	rddreg [dreg:$0x3];
	_ =	strace $0x80000050;
	s26 =	sadd.s32 s9, s8  }
0xd: {  	s12 =	ssub.s32 s28, s30;
	s31 =	sshrl.u32 s29, $0x2;
	s7 =	sshrl.u32 s7, $0x3  }
0xe: {  	s14 =	sadd.s32 s31, s3;
	s10 =	sadd.s32 s7, s6;
	s7 =	sshrl.u32 s26, $0x3  }
0xf: {  	s14 =	sshrl.u32 s14, $0x3;
	s11 =	sadd.s32 s7, s6;
	s6 =	sadd.s32 $0x4E00, s10  }
0x10: {  	s7 =	sadd.s32 $0x5E600, s10;
	s8 =	sadd.s32 $0x5E880, s10;
	s10 =	smax.u32 s12, $0x1  }
0x11: {  	s12 =	simm.s32 $0x3;
	s9 =	sadd.s32 $0x6AE00, s11;
	s11 =	simm.s32 $0x1400  }
.LBB2_1:
0x12: {  	[tilespmem:s11], [sflag:$0x3] =	stream.linear.gather [hbm4b:s6+s4], $0x2800, $0x38;
	[tilespmem:$0x1F800] =	vst v63  }
0x13: {  	_ =	swait.ge [sflag:s12], $0x2800  }
0x14: {  	[sflag:s12] =	ssyncset.done $0x0  }
0x15: {  	[sflag:s12] =	ssyncadd.s32 $0xFFFFD800  }
0x16: {  	[spmem:s14], [sflag:s13] =	dma.local [hbm:s5], $0x2780  }
0x17: {  	_ =	swait.ge [sflag:s12], $0x2780  }
0x18: {  	[sflag:s12] =	ssyncset.done $0x0  }
0x19: {  	[sflag:s12] =	ssyncadd.s32 $0xFFFFD880  }
0x1a: {  	[bflag:$0x0] =	sbarrier.arrive $0xFFFF  }
0x1b: {  	[tilespmem:s4], [sflag:$0x3] =	stream.linear.gather [hbm4b:s7+s4], $0x1400, $0x38;
	[tilespmem:$0x1F800] =	vst v63  }
0x1c: {  	_ =	swait.ge [sflag:s12], $0x1400  }
0x1d: {  	[sflag:s12] =	ssyncset.done $0x0  }
0x1e: {  	[sflag:s12] =	ssyncadd.s32 $0xFFFFEC00  }
0x1f: {  	[tilespmem:s16], [sflag:$0x1] =	stream.indirect.gather [hbm4b:s2+s15], $0x80, s4, s15, $0xb8;
	[tilespmem:$0x1F800] =	vst v63  }
0x20: {  	_ =	swait.ge [sflag:s17], $0x4000  }
0x21: {  	[sflag:s17] =	ssyncset.done $0x0  }
0x22: {  	s26 =	simm.s32 $0x80;
	[sflag:s17] =	ssyncadd.s32 $0xFFFFC000  }
0x23: {  	[tilespmem:s18], [sflag:$0x2] =	stream.indirect.gather [hbm4b:s2+s15], $0x80, s26, s15, $0xb8;
	[tilespmem:$0x1F800] =	vst v63  }
0x24: {  	s29 =	simm.s32 $0x1400  }
0x25: {  	[spmem:s3] =	stream.indirect.scatter.add.f32 [tilespmem:s16], [sflag:$0x3], $0x80, s29, s15, $0xb8;
	[tilespmem:$0x1F800] =	vst v63  }
0x26: {  	_ =	swait.ge [sflag:s12], $0x4000  }
0x27: {  	[sflag:s12] =	ssyncset.done $0x0  }
0x28: {  	[sflag:s12] =	ssyncadd.s32 $0xFFFFC000  }
0x29: {  	_ =	swait.ge [sflag:s19], $0x4000  }
0x2a: {  	[sflag:s19] =	ssyncset.done $0x0  }
0x2b: {  	s30 =	simm.s32 $0x100;
	[sflag:s19] =	ssyncadd.s32 $0xFFFFC000  }
0x2c: {  	[tilespmem:s16], [sflag:$0x1] =	stream.indirect.gather [hbm4b:s2+s15], $0x80, s30, s15, $0xb8;
	[tilespmem:$0x1F800] =	vst v63  }
0x2d: {  	s31 =	simm.s32 $0x1480  }
0x2e: {  	[spmem:s3] =	stream.indirect.scatter.add.f32 [tilespmem:s18], [sflag:$0x3], $0x80, s31, s15, $0xb8;
	[tilespmem:$0x1F800] =	vst v63  }
0x2f: {  	_ =	swait.ge [sflag:s12], $0x4000  }
0x30: {  	s26 =	simm.s32 $0x400;
	[sflag:s12] =	ssyncset.done $0x0  }
.LBB2_2:
0x31: {  	p0 =	sne.s32 s26, $0x4800  }
0x32: {  	[sflag:s12] =	ssyncadd.s32 $0xFFFFC000;
	s28 =	smov.u32 s26;
	s26 =	sadd.s32 $0x400, s26  }
0x33: {  	_ = 	snop  }
0x34: {  	_ =	swait.ge [sflag:s17], $0x4000  }
0x35: {  	s28 =	sshra.s32 s28, $0x2;
	[sflag:s17] =	ssyncset.done $0x0  }
0x36: {  	s29 =	sadd.s32 $0x80, s28;
	[sflag:s17] =	ssyncadd.s32 $0xFFFFC000  }
0x37: {  	[tilespmem:s18], [sflag:$0x2] =	stream.indirect.gather [hbm4b:s2+s15], $0x80, s29, s15, $0xb8;
	[tilespmem:$0x1F800] =	vst v63  }
0x38: {  	s29 =	sadd.s32 $0x1400, s28  }
0x39: {  	[spmem:s3] =	stream.indirect.scatter.add.f32 [tilespmem:s16], [sflag:$0x3], $0x80, s29, s15, $0xb8;
	[tilespmem:$0x1F800] =	vst v63  }
0x3a: {  	_ =	swait.ge [sflag:s12], $0x4000  }
0x3b: {  	[sflag:s12] =	ssyncset.done $0x0  }
0x3c: {  	[sflag:s12] =	ssyncadd.s32 $0xFFFFC000  }
0x3d: {  	_ =	swait.ge [sflag:s19], $0x4000  }
0x3e: {  	[sflag:s19] =	ssyncset.done $0x0  }
0x3f: {  	s29 =	sadd.s32 $0x100, s28;
	[sflag:s19] =	ssyncadd.s32 $0xFFFFC000  }
0x40: {  	[tilespmem:s16], [sflag:$0x1] =	stream.indirect.gather [hbm4b:s2+s15], $0x80, s29, s15, $0xb8;
	[tilespmem:$0x1F800] =	vst v63  }
.Ltmp0:
0x41: {  	_ = 	snop;
	(pc) =	sbr.rel @p0 .LBB2_2-.Ltmp0, $4  }
0x42: {  	s28 =	sadd.s32 $0x1480, s28  }
0x43: {  	[spmem:s3] =	stream.indirect.scatter.add.f32 [tilespmem:s18], [sflag:$0x3], $0x80, s28, s15, $0xb8;
	[tilespmem:$0x1F800] =	vst v63  }
0x44: {  	_ =	swait.ge [sflag:s12], $0x4000  }
0x45: {  	[sflag:s12] =	ssyncset.done $0x0  }
0x46: {  	[sflag:s12] =	ssyncadd.s32 $0xFFFFC000  }
0x47: {  	_ =	swait.ge [sflag:s17], $0x4000  }
0x48: {  	[sflag:s17] =	ssyncset.done $0x0  }
0x49: {  	[sflag:s17] =	ssyncadd.s32 $0xFFFFC000  }
0x4a: {  	[tilespmem:s18], [sflag:$0x2] =	stream.indirect.gather [hbm4b:s2+s15], $0x80, s20, s15, $0xb8;
	[tilespmem:$0x1F800] =	vst v63  }
0x4b: {  	_ = 	snop  }
0x4c: {  	[spmem:s3] =	stream.indirect.scatter.add.f32 [tilespmem:s16], [sflag:$0x3], $0x80, s21, s15, $0xb8;
	[tilespmem:$0x1F800] =	vst v63  }
0x4d: {  	_ =	swait.ge [sflag:s12], $0x4000  }
0x4e: {  	[sflag:s12] =	ssyncset.done $0x0  }
0x4f: {  	[sflag:s12] =	ssyncadd.s32 $0xFFFFC000  }
0x50: {  	_ =	swait.ge [sflag:s19], $0x4000  }
0x51: {  	[sflag:s19] =	ssyncset.done $0x0  }
0x52: {  	[sflag:s19] =	ssyncadd.s32 $0xFFFFC000  }
0x53: {  	[spmem:s3] =	stream.indirect.scatter.add.f32 [tilespmem:s18], [sflag:$0x3], $0x80, s22, s15, $0xb8;
	[tilespmem:$0x1F800] =	vst v63  }
0x54: {  	_ =	swait.ge [sflag:s12], $0x4000  }
0x55: {  	[sflag:s12] =	ssyncset.done $0x0  }
0x56: {  	[sflag:s12] =	ssyncadd.s32 $0xFFFFC000  }
0x57: {  	[tilespmem:s4], [sflag:$0x3] =	stream.linear.gather [hbm4b:s8+s4], $0x1400, $0x38;
	[tilespmem:$0x1F800] =	vst v63  }
0x58: {  	_ =	swait.ge [sflag:s12], $0x1400  }
0x59: {  	[sflag:s12] =	ssyncset.done $0x0  }
0x5a: {  	[sflag:s12] =	ssyncadd.s32 $0xFFFFEC00  }
0x5b: {  	[tilespmem:s16], [sflag:$0x1] =	stream.indirect.gather [hbm4b:s2+s15], $0x80, s4, s15, $0xb8;
	[tilespmem:$0x1F800] =	vst v63  }
0x5c: {  	_ =	swait.ge [sflag:s17], $0x4000  }
0x5d: {  	[sflag:s17] =	ssyncset.done $0x0  }
0x5e: {  	s26 =	simm.s32 $0x80;
	[sflag:s17] =	ssyncadd.s32 $0xFFFFC000  }
0x5f: {  	[tilespmem:s18], [sflag:$0x2] =	stream.indirect.gather [hbm4b:s2+s15], $0x80, s26, s15, $0xb8;
	[tilespmem:$0x1F800] =	vst v63  }
0x60: {  	s29 =	simm.s32 $0x2800  }
0x61: {  	[spmem:s3] =	stream.indirect.scatter.add.f32 [tilespmem:s16], [sflag:$0x3], $0x80, s29, s15, $0xb8;
	[tilespmem:$0x1F800] =	vst v63  }
0x62: {  	_ =	swait.ge [sflag:s12], $0x4000  }
0x63: {  	[sflag:s12] =	ssyncset.done $0x0  }
0x64: {  	[sflag:s12] =	ssyncadd.s32 $0xFFFFC000  }
0x65: {  	_ =	swait.ge [sflag:s19], $0x4000  }
0x66: {  	[sflag:s19] =	ssyncset.done $0x0  }
0x67: {  	s30 =	simm.s32 $0x100;
	[sflag:s19] =	ssyncadd.s32 $0xFFFFC000  }
0x68: {  	[tilespmem:s16], [sflag:$0x1] =	stream.indirect.gather [hbm4b:s2+s15], $0x80, s30, s15, $0xb8;
	[tilespmem:$0x1F800] =	vst v63  }
0x69: {  	s31 =	simm.s32 $0x2880  }
0x6a: {  	[spmem:s3] =	stream.indirect.scatter.add.f32 [tilespmem:s18], [sflag:$0x3], $0x80, s31, s15, $0xb8;
	[tilespmem:$0x1F800] =	vst v63  }
0x6b: {  	_ =	swait.ge [sflag:s12], $0x4000  }
0x6c: {  	s26 =	simm.s32 $0xFFFFB800;
	[sflag:s12] =	ssyncset.done $0x0  }
.LBB2_4:
0x6d: {  	p0 =	sne.s32 s26, $0xFFFFFC00  }
0x6e: {  	[sflag:s12] =	ssyncadd.s32 $0xFFFFC000;
	s28 =	smov.u32 s26;
	s26 =	sadd.s32 $0x400, s26  }
0x6f: {  	_ = 	snop  }
0x70: {  	_ =	swait.ge [sflag:s17], $0x4000  }
0x71: {  	s28 =	sshra.s32 s28, $0x2;
	[sflag:s17] =	ssyncset.done $0x0  }
0x72: {  	s29 =	sadd.s32 $0x1380, s28;
	[sflag:s17] =	ssyncadd.s32 $0xFFFFC000  }
0x73: {  	[tilespmem:s18], [sflag:$0x2] =	stream.indirect.gather [hbm4b:s2+s15], $0x80, s29, s15, $0xb8;
	[tilespmem:$0x1F800] =	vst v63  }
0x74: {  	s29 =	sadd.s32 $0x3B00, s28  }
0x75: {  	[spmem:s3] =	stream.indirect.scatter.add.f32 [tilespmem:s16], [sflag:$0x3], $0x80, s29, s15, $0xb8;
	[tilespmem:$0x1F800] =	vst v63  }
0x76: {  	_ =	swait.ge [sflag:s12], $0x4000  }
0x77: {  	[sflag:s12] =	ssyncset.done $0x0  }
0x78: {  	[sflag:s12] =	ssyncadd.s32 $0xFFFFC000  }
0x79: {  	_ =	swait.ge [sflag:s19], $0x4000  }
0x7a: {  	[sflag:s19] =	ssyncset.done $0x0  }
0x7b: {  	s29 =	sadd.s32 $0x1400, s28;
	[sflag:s19] =	ssyncadd.s32 $0xFFFFC000  }
0x7c: {  	[tilespmem:s16], [sflag:$0x1] =	stream.indirect.gather [hbm4b:s2+s15], $0x80, s29, s15, $0xb8;
	[tilespmem:$0x1F800] =	vst v63  }
.Ltmp1:
0x7d: {  	_ = 	snop;
	(pc) =	sbr.rel @p0 .LBB2_4-.Ltmp1, $4  }
0x7e: {  	s28 =	sadd.s32 $0x3B80, s28  }
0x7f: {  	[spmem:s3] =	stream.indirect.scatter.add.f32 [tilespmem:s18], [sflag:$0x3], $0x80, s28, s15, $0xb8;
	[tilespmem:$0x1F800] =	vst v63  }
0x80: {  	_ =	swait.ge [sflag:s12], $0x4000  }
0x81: {  	[sflag:s12] =	ssyncset.done $0x0  }
0x82: {  	[sflag:s12] =	ssyncadd.s32 $0xFFFFC000  }
0x83: {  	_ =	swait.ge [sflag:s17], $0x4000  }
0x84: {  	[sflag:s17] =	ssyncset.done $0x0  }
0x85: {  	[sflag:s17] =	ssyncadd.s32 $0xFFFFC000  }
0x86: {  	[tilespmem:s18], [sflag:$0x2] =	stream.indirect.gather [hbm4b:s2+s15], $0x80, s20, s15, $0xb8;
	[tilespmem:$0x1F800] =	vst v63  }
0x87: {  	_ = 	snop  }
0x88: {  	[spmem:s3] =	stream.indirect.scatter.add.f32 [tilespmem:s16], [sflag:$0x3], $0x80, s23, s15, $0xb8;
	[tilespmem:$0x1F800] =	vst v63  }
0x89: {  	_ =	swait.ge [sflag:s12], $0x4000  }
0x8a: {  	[sflag:s12] =	ssyncset.done $0x0  }
0x8b: {  	[sflag:s12] =	ssyncadd.s32 $0xFFFFC000  }
0x8c: {  	_ =	swait.ge [sflag:s19], $0x4000  }
0x8d: {  	[sflag:s19] =	ssyncset.done $0x0  }
0x8e: {  	[sflag:s19] =	ssyncadd.s32 $0xFFFFC000  }
0x8f: {  	[spmem:s3] =	stream.indirect.scatter.add.f32 [tilespmem:s18], [sflag:$0x3], $0x80, s24, s15, $0xb8;
	[tilespmem:$0x1F800] =	vst v63  }
0x90: {  	_ =	swait.ge [sflag:s12], $0x4000  }
0x91: {  	s25 =	sadd.s32 $0x1, s25;
	[sflag:s12] =	ssyncset.done $0x0  }
0x92: {  	p0 =	sne.s32 s25, s10;
	[sflag:s12] =	ssyncadd.s32 $0xFFFFC000  }
.Ltmp2:
0x93: {  	[bflag:$0x0] =	sbarrier.arrive $0xFFFF;
	(pc) =	sbr.rel @p0 .LBB2_1-.Ltmp2, $4  }
0x94: {  	[hbm:s9], [sflag:s13] =	dma.local [spmem:s14], $0x2780  }
0x95: {  	_ =	swait.ge [sflag:s12], $0x2780  }
0x96: {  	[sflag:s12] =	ssyncset.done $0x0  }
0x97: {  	[sflag:s12] =	ssyncadd.s32 $0xFFFFD880  }
0x98: {  	_ =	sfence.sel $0x180000  }
0x99: {  	[bflag:$0x0] =	sbarrier.arrive $0xFFFF  }
0x9a: {  	p0 =	sne.s32 s0, $0x0;
	_ =	strace $0x90000050  }
0x9b: {  	s0 =	sadd.s32 @!p0 $0x100000, s1;
	[bflag:$0x2] =	sbarrier.arrive $0xFFFF  }
0x9c: {  	[sflag:s0] =	ssyncadd.tile.s32 @!p0 $0x1;
	_ =	shalt  }
.Lfunc_end2:
_tile_overlayer_lowered:
.L_overlay_start_2:
0x9d: {  	(tag) =	ssettag $0x2  }
0x9e: {  	s0 =	rddreg [dreg:$0x0];
	s2 =	stileid.u32  }
0x9f: {  	s1 =	rddreg [dreg:$0x1];
	p0 =	sne.s32 s2, $0x0  }
0xa0: {  	s3 =	rddreg [dreg:$0x2];
	[bflag:$0x3] =	sbarrier.arrive $0xFFFF;
	s2 =	simm.s32 @!p0 $0x1C03  }
0xa1: {  	[timem:s3], [sflag:s2] =	dma.local @!p0 [hbm:s0], s1  }
0xa2: {  	s0 =	simm.s32 @!p0 $0x3  }
0xa3: {  	_ =	swait.ge @!p0 [sflag:s0], s1  }
0xa4: {  	s1 =	ssub.s32 @!p0 $0x0, s1;
	[sflag:s0] =	ssyncset.done @!p0 $0x0  }
0xa5: {  	[sflag:s0] =	ssyncadd.s32 @!p0 s1  }
0xa6: {  	[bflag:$0x3] =	sbarrier.arrive $0xFFFF  }
0xa7: {  	_ =	shalt  }

// kernel: kernel.23.cloned.1.call-start
scs
__scs_entry_jumppad:
0x0: {  	(pc) =	sbr.rel $0x88, $3  }
0x1: {  	(tag) =	ssettag $0x0;
	lr =	simm.s32 $0x1  }
0x2: {  	[smem:$0x3F8F] =	sst lr;
	_ =	strace $0xD0000000  }
0x3: {  	_ = 	snop  }
0x4: {  	_ = 	snop  }
0x5: {  	_ = 	snop  }
0x6: {  	_ = 	snop  }
0x7: {  	_ = 	snop  }
__scs_overlays_trampoline_lowered:
0x8: {  	[smem:$0x3F9E] =	sst s0  }
0x9: {  	[smem:$0x3F9F] =	sst s1  }
0xa: {  	[smem:$0x3FA0] =	sst s2  }
0xb: {  	[smem:$0x3FA1] =	sst s3  }
0xc: {  	[smem:$0x3FA2] =	sst s4  }
0xd: {  	[smem:$0x3FA3] =	sst s5  }
0xe: {  	[smem:$0x3FA4] =	sst s6  }
0xf: {  	[smem:$0x3FA5] =	sst s7  }
0x10: {  	[smem:$0x3FA6] =	sst s8  }
0x11: {  	[smem:$0x3FA7] =	sst s9;
	s0 =	simm.s32 @!p0 $0x0  }
0x12: {  	s1 =	sld [smem:$0x3F8D];
	s0 =	simm.s32 @p0 $0x1  }
0x13: {  	[smem:$0x3FA8] =	sst s0;
	s0 =	simm.s32 @!p1 $0x0  }
0x14: {  	s2 =	sld [smem:$0x3F8C];
	s0 =	simm.s32 @p1 $0x1  }
0x15: {  	[smem:$0x3FA9] =	sst s0;
	s0 =	simm.s32 @!p2 $0x0  }
0x16: {  	s3 =	sld [smem:$0x3FDB];
	s0 =	simm.s32 @p2 $0x1  }
0x17: {  	s4 =	simm.s32 $0x1BF5;
	[smem:$0x3FAB] =	sst s0  }
0x18: {  	s0 =	sld [smem:$0x3F8E];
	_ =	swait.ge [sflag:s4], $0x0  }
0x19: {  	s7 =	sld [smem:$0x3F8F]  }
0x1a: {  	s8 =	sadd.s32 $0xFFFFE003, lr  }
0x1b: {  	s9 =	sadd.s32 $0xFFFFFEF7, lr;
	s5 =	simm.s32 $0xFFFFFFFF;
	p2 =	slt.u32 s8, $0xFFFFF086  }
0x1c: {  	p1 =	slt.u32 s9, $0xF7A;
	s5 =	simm.s32 @!p2 $0x0  }
0x1d: {  	s5 =	simm.s32 @p1 $0x1;
	p0 =	seq.s32 s7, s2  }
0x1e: {  	s7 =	smul.u32 @!p0 $0xF7A, s2;
	p2 =	seq.s32 @!p0 s5, $0x0  }
0x1f: {  	s9 =	smul.u32 $0xF7A, s1;
	s8 =	simm.s32 @!p0 $0x1BF5;
	p2 =	por !p2, p0  }
0x20: {  	[sflag:s8] =	ssyncset.s32 @!p0 $0xFFFFF086;
	s6 =	sadd.s32 @!p0 s3, s7;
	s7 =	simm.s32 @!p0 $0x108  }
0x21: {  	s3 =	sadd.s32 s3, s9;
	s6 =	sadd.s32 @!p0 $0x88, s6;
	s7 =	simm.s32 @p2 $0x1082  }
0x22: {  	[simem:s7], [sflag:s8] =	dma.local @!p0 [hbm:s6], $0xF7A  }
0x23: {  	s9 =	sor.u32 $0xD0000000, s2;
	s6 =	simm.s32 $0x108;
	_ =	swait.ge @!p0 [sflag:s8], $0x0  }
0x24: {  	s3 =	sadd.s32 $0x88, s3;
	s6 =	simm.s32 @!p1 $0x1082;
	[sflag:s4] =	ssyncset.s32 $0xFFFFF086  }
0x25: {  	[simem:s6], [sflag:s4] =	dma.local [hbm:s3], $0xF7A  }
0x26: {  	[smem:$0x3F8F] =	sst s1;
	(tag) =	ssettag s2;
	_ =	strace s9  }
0x27: {  	s1 =	sld [smem:$0x3F9F]  }
0x28: {  	s2 =	sld [smem:$0x3FA0]  }
0x29: {  	s4 =	sld [smem:$0x3FA2]  }
0x2a: {  	p0 =	seq.s32 s5, $0x0;
	s5 =	sld [smem:$0x3FA3]  }
0x2b: {  	s6 =	sld [smem:$0x3FA4]  }
0x2c: {  	s7 =	sld [smem:$0x3FA5]  }
0x2d: {  	s3 =	simm.s32 $0x108;
	s8 =	sld [smem:$0x3FA6]  }
0x2e: {  	s3 =	simm.s32 @!p0 $0x1082;
	s9 =	sld [smem:$0x3FA7]  }
0x2f: {  	lr =	sadd.s32 s0, s3;
	s0 =	sld [smem:$0x3F9E]  }
0x30: {  	s3 =	sld [smem:$0x3FA1]  }
0x31: {  	[smem:$0x3FAA] =	sst s10  }
0x32: {  	s10 =	sld [smem:$0x3FA8];
	_ =	sdelay $0x3  }
0x33: {  	p0 =	seq.s32 s10, $0x1;
	s10 =	sld [smem:$0x3FAA];
	_ =	sdelay $0x3  }
0x34: {  	[smem:$0x3FAA] =	sst s10  }
0x35: {  	s10 =	sld [smem:$0x3FA9];
	_ =	sdelay $0x3  }
0x36: {  	p1 =	seq.s32 s10, $0x1;
	s10 =	sld [smem:$0x3FAA];
	_ =	sdelay $0x3  }
0x37: {  	[smem:$0x3FAA] =	sst s10  }
0x38: {  	s10 =	sld [smem:$0x3FAB]  }
0x39: {  	_ = 	snop;
	(pc) =	sbr.ind lr, $3  }
0x3a: {  	_ = 	snop  }
0x3b: {  	_ = 	snop  }
0x3c: {  	p2 =	seq.s32 s10, $0x1;
	s10 =	sld [smem:$0x3FAA]  }
0x3d: {  	_ =	shalt  }
0x3e: {  	_ =	shalt  }
0x3f: {  	_ =	shalt  }
0x40: {  	_ =	shalt  }
0x41: {  	_ =	shalt  }
0x42: {  	_ =	shalt  }
0x43: {  	_ =	shalt  }
0x44: {  	_ =	shalt  }
0x45: {  	_ =	shalt  }
0x46: {  	_ =	shalt  }
0x47: {  	_ =	shalt  }
0x48: {  	_ =	shalt  }
0x49: {  	_ =	shalt  }
0x4a: {  	_ =	shalt  }
0x4b: {  	_ =	shalt  }
0x4c: {  	_ =	shalt  }
0x4d: {  	_ =	shalt  }
0x4e: {  	_ =	shalt  }
0x4f: {  	_ =	shalt  }
0x50: {  	_ =	shalt  }
0x51: {  	_ =	shalt  }
0x52: {  	_ =	shalt  }
0x53: {  	_ =	shalt  }
0x54: {  	_ =	shalt  }
0x55: {  	_ =	shalt  }
0x56: {  	_ =	shalt  }
0x57: {  	_ =	shalt  }
0x58: {  	_ =	shalt  }
0x59: {  	_ =	shalt  }
0x5a: {  	_ =	shalt  }
0x5b: {  	_ =	shalt  }
0x5c: {  	_ =	shalt  }
0x5d: {  	_ =	shalt  }
0x5e: {  	_ =	shalt  }
0x5f: {  	_ =	shalt  }
0x60: {  	_ =	shalt  }
0x61: {  	_ =	shalt  }
0x62: {  	_ =	shalt  }
0x63: {  	_ =	shalt  }
0x64: {  	_ =	shalt  }
0x65: {  	_ =	shalt  }
0x66: {  	_ =	shalt  }
0x67: {  	_ =	shalt  }
0x68: {  	_ =	shalt  }
0x69: {  	_ =	shalt  }
0x6a: {  	_ =	shalt  }
0x6b: {  	_ =	shalt  }
0x6c: {  	_ =	shalt  }
0x6d: {  	_ =	shalt  }
0x6e: {  	_ =	shalt  }
0x6f: {  	_ =	shalt  }
0x70: {  	_ =	shalt  }
0x71: {  	_ =	shalt  }
0x72: {  	_ =	shalt  }
0x73: {  	_ =	shalt  }
0x74: {  	_ =	shalt  }
0x75: {  	_ =	shalt  }
0x76: {  	_ =	shalt  }
0x77: {  	_ =	shalt  }
0x78: {  	_ =	shalt  }
0x79: {  	_ =	shalt  }
0x7a: {  	_ =	shalt  }
0x7b: {  	_ =	shalt  }
0x7c: {  	_ =	shalt  }
0x7d: {  	_ =	shalt  }
0x7e: {  	_ =	shalt  }
0x7f: {  	_ =	shalt  }
0x80: {  	_ =	shalt  }
0x81: {  	_ =	shalt  }
0x82: {  	_ =	shalt  }
0x83: {  	_ =	shalt  }
0x84: {  	_ =	shalt  }
0x85: {  	_ =	shalt  }
0x86: {  	_ =	shalt  }
0x87: {  	_ =	shalt  }
.Lfunc_end0:
.L_simem_size_0:
called_computation.4_lowered:
.L_overlay_start_0:
0x88: {  	s2 =	sld [smem:$0x3FD9]  }
0x89: {  	s3 =	sld [smem:$0x3FFE];
	_ =	sdelay $0x1  }
0x8a: {  	s1 =	srdreg.scid  }
0x8b: {  	s0 =	sand.u32 $0x1, s1  }
0x8c: {  	s14 =	sshll.u32 s0, $0xA;
	s2 =	sadd.s32 s3, s2  }
0x8d: {  	s2 =	sadd.s32 s2, s14  }
0x8e: {  	[smem:$0x3FB6] =	sst s2  }
0x8f: {  	_ = 	snop  }
0x90: {  	s2 =	sld [smem:$0x3FD0];
	_ =	sdelay $0x2  }
0x91: {  	s15 =	simm.s32 $0xA;
	s4 =	simm.s32 $0x10  }
0x92: {  	[smem:s4], [sflag:s15] =	dma.local [hbm:s2], $0x1  }
0x93: {  	_ =	swait.eq [sflag:s15], $0x1  }
0x94: {  	[sflag:s15] =	ssyncset.done $0x0  }
0x95: {  	[sflag:s15] =	ssyncadd.s32 $0xFFFFFFFF  }
0x96: {  	s16 =	sld [smem:$0x10];
	(tm) =	ssettm $0x1  }
0x97: {  	s17 =	sld [smem:$0x3FFB];
	_ =	sdelay $0x3  }
0x98: {  	_ =	strace s17  }
0x99: {  	s3 =	sld [smem:$0x3FFC];
	_ =	sdelay $0x3  }
0x9a: {  	_ =	strace s3  }
0x9b: {  	s3 =	sld [smem:$0x3FFD];
	_ =	sdelay $0x3  }
0x9c: {  	_ =	strace s3  }
0x9d: {  	_ =	strace $0x8FFFFFFF  }
0x9e: {  	s18 =	sld [smem:$0x3FDB];
	_ =	sdelay $0x1  }
0x9f: {  	s19 =	simm.s32 $_scs_section_size  }
0xa0: {  	s5 =	simm.s32 $_size__tile_overlayer_lowered;
	s6 =	simm.s32 $_tile_overlayer_lowered  }
0xa1: {  	s22 =	simm.s32 $0x1BFF;
	s21 =	sshll.u32 s6, $0x1;
	s3 =	sadd.s32 s19, s18  }
0xa2: {  	s7 =	simm.s32 $0x0;
	s20 =	sshll.u32 s5, $0x1;
	s5 =	sadd.s32 s21, s3  }
0xa3: {  	[timem:s7], [sflag:s22] =	dma.local [hbm:s5], s20  }
0xa4: {  	_ =	swait.ge [sflag:s22], s20  }
0xa5: {  	s4 =	ssub.s32 $0x0, s20;
	[sflag:s22] =	ssyncset.done $0x0  }
0xa6: {  	[sflag:s22] =	ssyncadd.s32 s4;
	_ =	sdelay $0x1  }
0xa7: {  	s23 =	simm.s32 $0x1B8B  }
0xa8: {  	_ =	swait.ge [sflag:s23], $0x1  }
0xa9: {  	[sflag:s23] =	ssyncset.done $0x0  }
0xaa: {  	s25 =	simm.s32 $0x1B8E;
	s24 =	sld [smem:$0x3FFE];
	[sflag:s23] =	ssyncadd.s32 $0xFFFFFFFF  }
0xab: {  	s26 =	simm.s32 $execute0_lowered;
	[smem:$0x3FD2] =	sst s25  }
0xac: {  	s5 =	sshll.u32 s26, $0x1;
	_ =	strace $0x80000052;
	[dreg:$0x1] =	wrdreg $0xFFFFFFFF  }
0xad: {  	s28 =	simm.s32 $_size_execute0_lowered;
	s3 =	sadd.s32 s3, s5;
	[dreg:$0x0] =	wrdreg $0x0  }
0xae: {  	s5 =	sshll.u32 s28, $0x1;
	[dreg:$0x2] =	wrdreg s3  }
0xaf: {  	[dreg:$0x3] =	wrdreg s5  }
0xb0: {  	[dreg:$0x4] =	wrdreg $0xC0  }
0xb1: {  	_ =	task [dreg:s7], $0x5FFFF  }
0xb2: {  	[dreg:$0x1] =	wrdreg $0xFFFFFFFF  }
0xb3: {  	[dreg:$0x0] =	wrdreg $0x60  }
0xb4: {  	[dreg:$0x2] =	wrdreg s16  }
0xb5: {  	[dreg:$0x3] =	wrdreg s24  }
0xb6: {  	[dreg:$0x4] =	wrdreg $0xBC000  }
0xb7: {  	[dreg:$0x5] =	wrdreg $0x9  }
0xb8: {  	_ =	task.clear_ibuf [dreg:s7], $0x6FFFF;
	_ =	strace $0x90000052  }
0xb9: {  	s29 =	simm.s32 $0x9;
	_ =	strace $0x80000054  }
0xba: {  	_ =	swait.ge [sflag:s29], $0x1  }
0xbb: {  	[sflag:s29] =	ssyncadd.s32 $0xFFFFFFFF  }
0xbc: {  	_ =	strace $0x90000054  }
0xbd: {  	_ =	sfence  }
0xbe: {  	s30 =	sld [smem:$0x0];
	_ =	sdelay $0x2  }
0xbf: {  	s31 =	sshll.u32 s1, $0xD;
	s1 =	sshrl.u32 s1, $0x2  }
0xc0: {  	s3 =	sand.u32 $0x4000, s31;
	s1 =	sadd.s32 s1, s30  }
0xc1: {  	s0 =	sor.u32 s3, s0;
	s1 =	sshll.u32 s1, $0x11  }
0xc2: {  	s0 =	sor.u32 s1, s0  }
0xc3: {  	s0 =	sadd.s32 $0x8F2B, s0  }
0xc4: {  	[sflag:s0] =	ssyncadd.remote.s32 $0x1  }
0xc5: {  	_ =	sfence.sel $0xFFFF  }
0xc6: {  	[dreg:$0x0] =	wrdreg $0xFFFFFFFF;
	(pc) =	sbr.abs _section_cstart, $3  }
0xc7: {  	[dreg:$0x1] =	wrdreg $0xFFFFFFFF  }
0xc8: {  	_ =	task.clear_ibuf [dreg:s7], $0x2FFFF;
	_ =	strace $0x9FFFFFFF  }
0xc9: {  	(tm) =	ssettm $0x7FFFFFFF  }
tec
execute0_lowered:
.L_overlay_start_1:
0x0: {  	(tag) =	ssettag $0x1  }
0x1: {  	s2 =	rddreg [dreg:$0x0]  }
0x2: {  	s0 =	srdreg.scid;
	s6 =	rddreg [dreg:$0x1]  }
0x3: {  	s3 =	rddreg [dreg:$0x2];
	s4 =	simm.s32 $0x0;
	s15 =	simm.s32 $0x80  }
0x4: {  	s16 =	simm.s32 $0x3C00;
	s17 =	simm.s32 $0x1;
	s18 =	simm.s32 $0x7C00  }
0x5: {  	s19 =	simm.s32 $0x2;
	s20 =	simm.s32 $0x1380;
	s21 =	simm.s32 $0x2700  }
0x6: {  	s22 =	simm.s32 $0x2780;
	s23 =	simm.s32 $0x3B00;
	s5 =	sand.u32 $0x1, s0  }
0x7: {  	s24 =	simm.s32 $0x3B80;
	s0 =	stileid.u32;
	s8 =	smul.u32 $0x13C000, s5  }
0x8: {  	s25 =	simm.s32 $0x0;
	[smem:$0x7FF] =	sst s4;
	s9 =	smul.u32 $0x13C00, s0  }
0x9: {  	s1 =	sshll.u32 s5, $0x4;
	s28 =	ssub.s32 $0x2, s5;
	s29 =	smul.u32 $0x4F000, s0  }
0xa: {  	s5 =	sadd.s32 $0x68600, s6;
	s13 =	sshll.u32 s0, $0x6;
	s1 =	sor.u32 s0, s1  }
0xb: {  	s30 =	sshrl.u32 s28, $0x1;
	s13 =	sor.u32 $0x1C03, s13;
	s7 =	smul.u32 $0x2800, s1  }
0xc: {  	s1 =	rddreg [dreg:$0x3];
	_ =	strace $0x80000053;
	s26 =	sadd.s32 s9, s8  }
0xd: {  	s12 =	ssub.s32 s28, s30;
	s31 =	sshrl.u32 s29, $0x2;
	s7 =	sshrl.u32 s7, $0x3  }
0xe: {  	s14 =	sadd.s32 s31, s3;
	s10 =	sadd.s32 s7, s6;
	s7 =	sshrl.u32 s26, $0x3  }
0xf: {  	s14 =	sshrl.u32 s14, $0x3;
	s11 =	sadd.s32 s7, s6;
	s6 =	sadd.s32 $0x4E00, s10  }
0x10: {  	s7 =	sadd.s32 $0x5E600, s10;
	s8 =	sadd.s32 $0x5E880, s10;
	s10 =	smax.u32 s12, $0x1  }
0x11: {  	s12 =	simm.s32 $0x3;
	s9 =	sadd.s32 $0x6AE00, s11;
	s11 =	simm.s32 $0x1400  }
.LBB2_1:
0x12: {  	[tilespmem:s11], [sflag:$0x3] =	stream.linear.gather [hbm4b:s6+s4], $0x2800, $0x38;
	[tilespmem:$0x1F800] =	vst v63  }
0x13: {  	_ =	swait.ge [sflag:s12], $0x2800  }
0x14: {  	[sflag:s12] =	ssyncset.done $0x0  }
0x15: {  	[sflag:s12] =	ssyncadd.s32 $0xFFFFD800  }
0x16: {  	[spmem:s14], [sflag:s13] =	dma.local [hbm:s5], $0x2780  }
0x17: {  	_ =	swait.ge [sflag:s12], $0x2780  }
0x18: {  	[sflag:s12] =	ssyncset.done $0x0  }
0x19: {  	[sflag:s12] =	ssyncadd.s32 $0xFFFFD880  }
0x1a: {  	[bflag:$0x0] =	sbarrier.arrive $0xFFFF  }
0x1b: {  	[tilespmem:s4], [sflag:$0x3] =	stream.linear.gather [hbm4b:s7+s4], $0x1400, $0x38;
	[tilespmem:$0x1F800] =	vst v63  }
0x1c: {  	_ =	swait.ge [sflag:s12], $0x1400  }
0x1d: {  	[sflag:s12] =	ssyncset.done $0x0  }
0x1e: {  	[sflag:s12] =	ssyncadd.s32 $0xFFFFEC00  }
0x1f: {  	[tilespmem:s16], [sflag:$0x1] =	stream.indirect.gather [hbm4b:s2+s15], $0x80, s4, s15, $0xb8;
	[tilespmem:$0x1F800] =	vst v63  }
0x20: {  	_ =	swait.ge [sflag:s17], $0x4000  }
0x21: {  	[sflag:s17] =	ssyncset.done $0x0  }
0x22: {  	s26 =	simm.s32 $0x80;
	[sflag:s17] =	ssyncadd.s32 $0xFFFFC000  }
0x23: {  	[tilespmem:s18], [sflag:$0x2] =	stream.indirect.gather [hbm4b:s2+s15], $0x80, s26, s15, $0xb8;
	[tilespmem:$0x1F800] =	vst v63  }
0x24: {  	s29 =	simm.s32 $0x1400  }
0x25: {  	[spmem:s3] =	stream.indirect.scatter.add.f32 [tilespmem:s16], [sflag:$0x3], $0x80, s29, s15, $0xb8;
	[tilespmem:$0x1F800] =	vst v63  }
0x26: {  	_ =	swait.ge [sflag:s12], $0x4000  }
0x27: {  	[sflag:s12] =	ssyncset.done $0x0  }
0x28: {  	[sflag:s12] =	ssyncadd.s32 $0xFFFFC000  }
0x29: {  	_ =	swait.ge [sflag:s19], $0x4000  }
0x2a: {  	[sflag:s19] =	ssyncset.done $0x0  }
0x2b: {  	s30 =	simm.s32 $0x100;
	[sflag:s19] =	ssyncadd.s32 $0xFFFFC000  }
0x2c: {  	[tilespmem:s16], [sflag:$0x1] =	stream.indirect.gather [hbm4b:s2+s15], $0x80, s30, s15, $0xb8;
	[tilespmem:$0x1F800] =	vst v63  }
0x2d: {  	s31 =	simm.s32 $0x1480  }
0x2e: {  	[spmem:s3] =	stream.indirect.scatter.add.f32 [tilespmem:s18], [sflag:$0x3], $0x80, s31, s15, $0xb8;
	[tilespmem:$0x1F800] =	vst v63  }
0x2f: {  	_ =	swait.ge [sflag:s12], $0x4000  }
0x30: {  	s26 =	simm.s32 $0x400;
	[sflag:s12] =	ssyncset.done $0x0  }
.LBB2_2:
0x31: {  	p0 =	sne.s32 s26, $0x4800  }
0x32: {  	[sflag:s12] =	ssyncadd.s32 $0xFFFFC000;
	s28 =	smov.u32 s26;
	s26 =	sadd.s32 $0x400, s26  }
0x33: {  	_ = 	snop  }
0x34: {  	_ =	swait.ge [sflag:s17], $0x4000  }
0x35: {  	s28 =	sshra.s32 s28, $0x2;
	[sflag:s17] =	ssyncset.done $0x0  }
0x36: {  	s29 =	sadd.s32 $0x80, s28;
	[sflag:s17] =	ssyncadd.s32 $0xFFFFC000  }
0x37: {  	[tilespmem:s18], [sflag:$0x2] =	stream.indirect.gather [hbm4b:s2+s15], $0x80, s29, s15, $0xb8;
	[tilespmem:$0x1F800] =	vst v63  }
0x38: {  	s29 =	sadd.s32 $0x1400, s28  }
0x39: {  	[spmem:s3] =	stream.indirect.scatter.add.f32 [tilespmem:s16], [sflag:$0x3], $0x80, s29, s15, $0xb8;
	[tilespmem:$0x1F800] =	vst v63  }
0x3a: {  	_ =	swait.ge [sflag:s12], $0x4000  }
0x3b: {  	[sflag:s12] =	ssyncset.done $0x0  }
0x3c: {  	[sflag:s12] =	ssyncadd.s32 $0xFFFFC000  }
0x3d: {  	_ =	swait.ge [sflag:s19], $0x4000  }
0x3e: {  	[sflag:s19] =	ssyncset.done $0x0  }
0x3f: {  	s29 =	sadd.s32 $0x100, s28;
	[sflag:s19] =	ssyncadd.s32 $0xFFFFC000  }
0x40: {  	[tilespmem:s16], [sflag:$0x1] =	stream.indirect.gather [hbm4b:s2+s15], $0x80, s29, s15, $0xb8;
	[tilespmem:$0x1F800] =	vst v63  }
.Ltmp0:
0x41: {  	_ = 	snop;
	(pc) =	sbr.rel @p0 .LBB2_2-.Ltmp0, $4  }
0x42: {  	s28 =	sadd.s32 $0x1480, s28  }
0x43: {  	[spmem:s3] =	stream.indirect.scatter.add.f32 [tilespmem:s18], [sflag:$0x3], $0x80, s28, s15, $0xb8;
	[tilespmem:$0x1F800] =	vst v63  }
0x44: {  	_ =	swait.ge [sflag:s12], $0x4000  }
0x45: {  	[sflag:s12] =	ssyncset.done $0x0  }
0x46: {  	[sflag:s12] =	ssyncadd.s32 $0xFFFFC000  }
0x47: {  	_ =	swait.ge [sflag:s17], $0x4000  }
0x48: {  	[sflag:s17] =	ssyncset.done $0x0  }
0x49: {  	[sflag:s17] =	ssyncadd.s32 $0xFFFFC000  }
0x4a: {  	[tilespmem:s18], [sflag:$0x2] =	stream.indirect.gather [hbm4b:s2+s15], $0x80, s20, s15, $0xb8;
	[tilespmem:$0x1F800] =	vst v63  }
0x4b: {  	_ = 	snop  }
0x4c: {  	[spmem:s3] =	stream.indirect.scatter.add.f32 [tilespmem:s16], [sflag:$0x3], $0x80, s21, s15, $0xb8;
	[tilespmem:$0x1F800] =	vst v63  }
0x4d: {  	_ =	swait.ge [sflag:s12], $0x4000  }
0x4e: {  	[sflag:s12] =	ssyncset.done $0x0  }
0x4f: {  	[sflag:s12] =	ssyncadd.s32 $0xFFFFC000  }
0x50: {  	_ =	swait.ge [sflag:s19], $0x4000  }
0x51: {  	[sflag:s19] =	ssyncset.done $0x0  }
0x52: {  	[sflag:s19] =	ssyncadd.s32 $0xFFFFC000  }
0x53: {  	[spmem:s3] =	stream.indirect.scatter.add.f32 [tilespmem:s18], [sflag:$0x3], $0x80, s22, s15, $0xb8;
	[tilespmem:$0x1F800] =	vst v63  }
0x54: {  	_ =	swait.ge [sflag:s12], $0x4000  }
0x55: {  	[sflag:s12] =	ssyncset.done $0x0  }
0x56: {  	[sflag:s12] =	ssyncadd.s32 $0xFFFFC000  }
0x57: {  	[tilespmem:s4], [sflag:$0x3] =	stream.linear.gather [hbm4b:s8+s4], $0x1400, $0x38;
	[tilespmem:$0x1F800] =	vst v63  }
0x58: {  	_ =	swait.ge [sflag:s12], $0x1400  }
0x59: {  	[sflag:s12] =	ssyncset.done $0x0  }
0x5a: {  	[sflag:s12] =	ssyncadd.s32 $0xFFFFEC00  }
0x5b: {  	[tilespmem:s16], [sflag:$0x1] =	stream.indirect.gather [hbm4b:s2+s15], $0x80, s4, s15, $0xb8;
	[tilespmem:$0x1F800] =	vst v63  }
0x5c: {  	_ =	swait.ge [sflag:s17], $0x4000  }
0x5d: {  	[sflag:s17] =	ssyncset.done $0x0  }
0x5e: {  	s26 =	simm.s32 $0x80;
	[sflag:s17] =	ssyncadd.s32 $0xFFFFC000  }
0x5f: {  	[tilespmem:s18], [sflag:$0x2] =	stream.indirect.gather [hbm4b:s2+s15], $0x80, s26, s15, $0xb8;
	[tilespmem:$0x1F800] =	vst v63  }
0x60: {  	s29 =	simm.s32 $0x2800  }
0x61: {  	[spmem:s3] =	stream.indirect.scatter.add.f32 [tilespmem:s16], [sflag:$0x3], $0x80, s29, s15, $0xb8;
	[tilespmem:$0x1F800] =	vst v63  }
0x62: {  	_ =	swait.ge [sflag:s12], $0x4000  }
0x63: {  	[sflag:s12] =	ssyncset.done $0x0  }
0x64: {  	[sflag:s12] =	ssyncadd.s32 $0xFFFFC000  }
0x65: {  	_ =	swait.ge [sflag:s19], $0x4000  }
0x66: {  	[sflag:s19] =	ssyncset.done $0x0  }
0x67: {  	s30 =	simm.s32 $0x100;
	[sflag:s19] =	ssyncadd.s32 $0xFFFFC000  }
0x68: {  	[tilespmem:s16], [sflag:$0x1] =	stream.indirect.gather [hbm4b:s2+s15], $0x80, s30, s15, $0xb8;
	[tilespmem:$0x1F800] =	vst v63  }
0x69: {  	s31 =	simm.s32 $0x2880  }
0x6a: {  	[spmem:s3] =	stream.indirect.scatter.add.f32 [tilespmem:s18], [sflag:$0x3], $0x80, s31, s15, $0xb8;
	[tilespmem:$0x1F800] =	vst v63  }
0x6b: {  	_ =	swait.ge [sflag:s12], $0x4000  }
0x6c: {  	s26 =	simm.s32 $0xFFFFB800;
	[sflag:s12] =	ssyncset.done $0x0  }
.LBB2_4:
0x6d: {  	p0 =	sne.s32 s26, $0xFFFFFC00  }
0x6e: {  	[sflag:s12] =	ssyncadd.s32 $0xFFFFC000;
	s28 =	smov.u32 s26;
	s26 =	sadd.s32 $0x400, s26  }
0x6f: {  	_ = 	snop  }
0x70: {  	_ =	swait.ge [sflag:s17], $0x4000  }
0x71: {  	s28 =	sshra.s32 s28, $0x2;
	[sflag:s17] =	ssyncset.done $0x0  }
0x72: {  	s29 =	sadd.s32 $0x1380, s28;
	[sflag:s17] =	ssyncadd.s32 $0xFFFFC000  }
0x73: {  	[tilespmem:s18], [sflag:$0x2] =	stream.indirect.gather [hbm4b:s2+s15], $0x80, s29, s15, $0xb8;
	[tilespmem:$0x1F800] =	vst v63  }
0x74: {  	s29 =	sadd.s32 $0x3B00, s28  }
0x75: {  	[spmem:s3] =	stream.indirect.scatter.add.f32 [tilespmem:s16], [sflag:$0x3], $0x80, s29, s15, $0xb8;
	[tilespmem:$0x1F800] =	vst v63  }
0x76: {  	_ =	swait.ge [sflag:s12], $0x4000  }
0x77: {  	[sflag:s12] =	ssyncset.done $0x0  }
0x78: {  	[sflag:s12] =	ssyncadd.s32 $0xFFFFC000  }
0x79: {  	_ =	swait.ge [sflag:s19], $0x4000  }
0x7a: {  	[sflag:s19] =	ssyncset.done $0x0  }
0x7b: {  	s29 =	sadd.s32 $0x1400, s28;
	[sflag:s19] =	ssyncadd.s32 $0xFFFFC000  }
0x7c: {  	[tilespmem:s16], [sflag:$0x1] =	stream.indirect.gather [hbm4b:s2+s15], $0x80, s29, s15, $0xb8;
	[tilespmem:$0x1F800] =	vst v63  }
.Ltmp1:
0x7d: {  	_ = 	snop;
	(pc) =	sbr.rel @p0 .LBB2_4-.Ltmp1, $4  }
0x7e: {  	s28 =	sadd.s32 $0x3B80, s28  }
0x7f: {  	[spmem:s3] =	stream.indirect.scatter.add.f32 [tilespmem:s18], [sflag:$0x3], $0x80, s28, s15, $0xb8;
	[tilespmem:$0x1F800] =	vst v63  }
0x80: {  	_ =	swait.ge [sflag:s12], $0x4000  }
0x81: {  	[sflag:s12] =	ssyncset.done $0x0  }
0x82: {  	[sflag:s12] =	ssyncadd.s32 $0xFFFFC000  }
0x83: {  	_ =	swait.ge [sflag:s17], $0x4000  }
0x84: {  	[sflag:s17] =	ssyncset.done $0x0  }
0x85: {  	[sflag:s17] =	ssyncadd.s32 $0xFFFFC000  }
0x86: {  	[tilespmem:s18], [sflag:$0x2] =	stream.indirect.gather [hbm4b:s2+s15], $0x80, s20, s15, $0xb8;
	[tilespmem:$0x1F800] =	vst v63  }
0x87: {  	_ = 	snop  }
0x88: {  	[spmem:s3] =	stream.indirect.scatter.add.f32 [tilespmem:s16], [sflag:$0x3], $0x80, s23, s15, $0xb8;
	[tilespmem:$0x1F800] =	vst v63  }
0x89: {  	_ =	swait.ge [sflag:s12], $0x4000  }
0x8a: {  	[sflag:s12] =	ssyncset.done $0x0  }
0x8b: {  	[sflag:s12] =	ssyncadd.s32 $0xFFFFC000  }
0x8c: {  	_ =	swait.ge [sflag:s19], $0x4000  }
0x8d: {  	[sflag:s19] =	ssyncset.done $0x0  }
0x8e: {  	[sflag:s19] =	ssyncadd.s32 $0xFFFFC000  }
0x8f: {  	[spmem:s3] =	stream.indirect.scatter.add.f32 [tilespmem:s18], [sflag:$0x3], $0x80, s24, s15, $0xb8;
	[tilespmem:$0x1F800] =	vst v63  }
0x90: {  	_ =	swait.ge [sflag:s12], $0x4000  }
0x91: {  	s25 =	sadd.s32 $0x1, s25;
	[sflag:s12] =	ssyncset.done $0x0  }
0x92: {  	p0 =	sne.s32 s25, s10;
	[sflag:s12] =	ssyncadd.s32 $0xFFFFC000  }
.Ltmp2:
0x93: {  	[bflag:$0x0] =	sbarrier.arrive $0xFFFF;
	(pc) =	sbr.rel @p0 .LBB2_1-.Ltmp2, $4  }
0x94: {  	[hbm:s9], [sflag:s13] =	dma.local [spmem:s14], $0x2780  }
0x95: {  	_ =	swait.ge [sflag:s12], $0x2780  }
0x96: {  	[sflag:s12] =	ssyncset.done $0x0  }
0x97: {  	[sflag:s12] =	ssyncadd.s32 $0xFFFFD880  }
0x98: {  	_ =	sfence.sel $0x180000  }
0x99: {  	[bflag:$0x0] =	sbarrier.arrive $0xFFFF  }
0x9a: {  	p0 =	sne.s32 s0, $0x0;
	_ =	strace $0x90000053  }
0x9b: {  	s0 =	sadd.s32 @!p0 $0x100000, s1;
	[bflag:$0x2] =	sbarrier.arrive $0xFFFF  }
0x9c: {  	[sflag:s0] =	ssyncadd.tile.s32 @!p0 $0x1;
	_ =	shalt  }
.Lfunc_end2:
_tile_overlayer_lowered:
.L_overlay_start_2:
0x9d: {  	(tag) =	ssettag $0x2  }
0x9e: {  	s0 =	rddreg [dreg:$0x0];
	s2 =	stileid.u32  }
0x9f: {  	s1 =	rddreg [dreg:$0x1];
	p0 =	sne.s32 s2, $0x0  }
0xa0: {  	s3 =	rddreg [dreg:$0x2];
	[bflag:$0x3] =	sbarrier.arrive $0xFFFF;
	s2 =	simm.s32 @!p0 $0x1C03  }
0xa1: {  	[timem:s3], [sflag:s2] =	dma.local @!p0 [hbm:s0], s1  }
0xa2: {  	s0 =	simm.s32 @!p0 $0x3  }
0xa3: {  	_ =	swait.ge @!p0 [sflag:s0], s1  }
0xa4: {  	s1 =	ssub.s32 @!p0 $0x0, s1;
	[sflag:s0] =	ssyncset.done @!p0 $0x0  }
0xa5: {  	[sflag:s0] =	ssyncadd.s32 @!p0 s1  }
0xa6: {  	[bflag:$0x3] =	sbarrier.arrive $0xFFFF  }
0xa7: {  	_ =	shalt  }

</sc_bundles>
